<compile_context>
chip_gen: v7x
topology: tpu7x:2x2x1
jax: 0.10.2.dev20260603
libtpu: 0.0.44.dev20260713+nightly
codegen_flags: <defaults>
</compile_context>

<pallas_src>
import functools

import jax
import jax.numpy as jnp
from jax import lax
from jax.experimental import pallas as pl
from jax.experimental.pallas import tpu as pltpu
from jax.experimental.pallas import tpu_sc as plsc

_H = 128
_NSEG = 64
_DCUT = 5.0
_CW = 128
_NW = 32
_EB = 2560


def _elu(v):
    return jnp.where(v > 0, v, jnp.exp(jnp.minimum(v, 0.0)) - 1.0)


def _pack16(x):
    return x


def _unpack16(w):
    return w



def _embed_body(z_ref, emb_ref, ws_ref, wt_ref, x_ref, xs_ref, xt_ref):
    z = z_ref[...]
    ids = lax.broadcasted_iota(jnp.int32, (1, emb_ref.shape[0]), 1)
    oh = (z == ids).astype(jnp.float32)
    x = jnp.dot(oh, emb_ref[...], preferred_element_type=jnp.float32)
    x_ref[...] = x
    xs_ref[:x.shape[0]] = _pack16(jnp.dot(x, ws_ref[...], preferred_element_type=jnp.float32))
    xt_ref[:x.shape[0]] = _pack16(jnp.dot(x, wt_ref[...], preferred_element_type=jnp.float32))



def _sc_gather_body(xs_hbm, xt_hbm, src_hbm, dst_hbm, gs_hbm, gt_hbm,
                    idx0, rows0, idx1, rows1, sem0, sem1, spm):
    cid = lax.axis_index("c")
    sid = lax.axis_index("s")
    npad = xs_hbm.shape[0]
    stripe = npad // 16
    sl = pl.ds(sid * stripe, stripe)

    @pl.when(cid == 0)
    def _():
        pltpu.sync_copy(xs_hbm.at[sl], spm.at[sl])

    @pl.when(cid == 1)
    def _():
        pltpu.sync_copy(xt_hbm.at[sl], spm.at[sl])

    plsc.subcore_barrier()

    nchunks = src_hbm.shape[0] // _CW
    iters = (nchunks + 15) // 16
    bufs = ((idx0, rows0, sem0), (idx1, rows1, sem1))

    def prefetch(j, b):
        idx, rows, sem = bufs[b]
        k = j * 16 + sid

        @pl.when(k < nchunks)
        def _():
            @pl.when(cid == 0)
            def _():
                pltpu.sync_copy(src_hbm.at[pl.ds(k * _CW, _CW)], idx)

            @pl.when(cid == 1)
            def _():
                pltpu.sync_copy(dst_hbm.at[pl.ds(k * _CW, _CW)], idx)

            pltpu.async_copy(spm.at[idx], rows, sem)

    def drain(j, b):
        idx, rows, sem = bufs[b]
        k = j * 16 + sid

        @pl.when(k < nchunks)
        def _():
            pltpu.make_async_copy(spm.at[idx], rows, sem).wait()

            @pl.when(cid == 0)
            def _():
                pltpu.sync_copy(rows, gs_hbm.at[pl.ds(k * _CW, _CW)])

            @pl.when(cid == 1)
            def _():
                pltpu.sync_copy(rows, gt_hbm.at[pl.ds(k * _CW, _CW)])

    prefetch(0, 0)

    def body(j2, carry):
        j = j2 * 2
        prefetch(j + 1, 1)
        drain(j, 0)
        prefetch(j + 2, 0)
        drain(j + 1, 1)
        return carry

    lax.fori_loop(0, (iters + 1) // 2, body, 0)



def _edge_body(gs_ref, gt_ref, d_ref, wd_ref, w1_ref, w2_ref,
               b1_ref, b2_ref, means_ref, betas_ref, out_ref):
    d = d_ref[...]
    dcl = jnp.minimum(d, _DCUT)
    cutoff = 0.5 * (jnp.cos(dcl * (jnp.pi / _DCUT)) + 1.0)
    rbf = cutoff * jnp.exp(-betas_ref[...] * (jnp.exp(-d) - means_ref[...]) ** 2)
    dist_emb = jnp.tanh(jnp.dot(rbf.astype(jnp.bfloat16), wd_ref[...],
                                preferred_element_type=jnp.float32))
    msg = dist_emb * (_unpack16(gs_ref[...]) + _unpack16(gt_ref[...]))
    h = _elu(jnp.dot(msg.astype(jnp.bfloat16), w1_ref[...],
                     preferred_element_type=jnp.float32) + b1_ref[...])
    h = _elu(jnp.dot(h.astype(jnp.bfloat16), w2_ref[...],
                     preferred_element_type=jnp.float32) + b2_ref[...])
    out_ref[...] = h



def _sc_scatter_body(h_hbm, dst_hbm, zeros_hbm, out0_hbm, out1_hbm,
                     idxr0, rows0, idxr1, rows1, semi0, semr0, semi1, semr1,
                     acc):
    cid = lax.axis_index("c")
    sid = lax.axis_index("s")
    npad = zeros_hbm.shape[0]
    stripe = npad // 16
    sl = pl.ds(sid * stripe, stripe)
    pltpu.sync_copy(zeros_hbm.at[sl], acc.at[sl])
    plsc.subcore_barrier()

    nchunks = dst_hbm.shape[0] // _CW
    half = nchunks // 2
    iters = (half + 15) // 16
    bufs = ((idxr0, rows0, semi0, semr0), (idxr1, rows1, semi1, semr1))

    def prefetch(j, b):
        idxr, rows, semi, semr = bufs[b]
        k = j * 16 + sid

        @pl.when(k < half)
        def _():
            c = cid * half + k
            pltpu.async_copy(h_hbm.at[pl.ds(c * _CW, _CW)], rows, semr)
            pltpu.async_copy(dst_hbm.at[pl.ds(c * _CW, _CW)], idxr, semi)

    def process(j, b):
        idxr, rows, semi, semr = bufs[b]
        k = j * 16 + sid

        @pl.when(k < half)
        def _():
            c = cid * half + k
            pltpu.make_async_copy(h_hbm.at[pl.ds(c * _CW, _CW)], rows, semr).wait()
            pltpu.make_async_copy(dst_hbm.at[pl.ds(c * _CW, _CW)], idxr, semi).wait()
            pltpu.sync_copy(rows, acc.at[idxr], add=True)

    prefetch(0, 0)

    def body(j2, carry):
        j = j2 * 2
        prefetch(j + 1, 1)
        process(j, 0)
        prefetch(j + 2, 0)
        process(j + 1, 1)
        return carry

    lax.fori_loop(0, (iters + 1) // 2, body, 0)
    plsc.subcore_barrier()

    @pl.when(cid == 0)
    def _():
        pltpu.sync_copy(acc.at[sl], out0_hbm.at[sl])

    @pl.when(cid == 1)
    def _():
        pltpu.sync_copy(acc.at[sl], out1_hbm.at[sl])



def _node_body(with_proj, x_ref, p0_ref, p1_ref, bc_ref, br_ref,
               wrc_ref, wca_ref, bcomb_ref, gnw_ref, gnb_ref, gnms_ref,
               *rest):
    if with_proj:
        ws_ref, wt_ref, xo_ref, xs_ref, xt_ref = rest
    else:
        (xo_ref,) = rest
    x = x_ref[...]
    n = x.shape[0]
    aggr = p0_ref[...][:n] + p1_ref[...][:n]
    pre = _elu(jnp.dot(x, wrc_ref[...], preferred_element_type=jnp.float32)
               + jnp.dot(aggr, wca_ref[...], preferred_element_type=jnp.float32)
               + bcomb_ref[...])
    seg_row = lax.broadcasted_iota(jnp.int32, (1, _NSEG), 1)
    seg_col = lax.broadcasted_iota(jnp.int32, (_NSEG, 1), 0)
    oh = (bc_ref[...] == seg_row).astype(jnp.float32)
    oht = (seg_col == br_ref[...]).astype(jnp.float32)
    cnt = jnp.maximum(jnp.sum(oht, axis=1, keepdims=True), 1.0)
    mean = jnp.dot(oht, pre, preferred_element_type=jnp.float32) / cnt
    mb = jnp.dot(oh, mean * gnms_ref[...], preferred_element_type=jnp.float32)
    xc = pre - mb
    var = jnp.dot(oht, xc * xc, preferred_element_type=jnp.float32) / cnt
    inv = lax.rsqrt(var + 1e-5)
    invb = jnp.dot(oh, inv, preferred_element_type=jnp.float32)
    xn = x + gnw_ref[...] * xc * invb + gnb_ref[...]
    xo_ref[...] = xn
    if with_proj:
        xs_ref[:n] = _pack16(jnp.dot(xn, ws_ref[...], preferred_element_type=jnp.float32))
        xt_ref[:n] = _pack16(jnp.dot(xn, wt_ref[...], preferred_element_type=jnp.float32))



def _sc_mesh():
    return plsc.VectorSubcoreMesh(core_axis_name="c", subcore_axis_name="s")


def _gather_call(npad, e):
    return pl.kernel(
        _sc_gather_body,
        out_type=[jax.ShapeDtypeStruct((e, _H), jnp.float32)] * 2,
        mesh=_sc_mesh(),
        scratch_types=[
            pltpu.VMEM((_CW,), jnp.int32),
            pltpu.VMEM((_CW, _H), jnp.float32),
            pltpu.VMEM((_CW,), jnp.int32),
            pltpu.VMEM((_CW, _H), jnp.float32),
            pltpu.SemaphoreType.DMA,
            pltpu.SemaphoreType.DMA,
            pltpu.VMEM_SHARED((npad, _H), jnp.float32),
        ],
    )


def _scatter_call(npad, e):
    return pl.kernel(
        _sc_scatter_body,
        out_type=[jax.ShapeDtypeStruct((npad, _H), jnp.float32)] * 2,
        mesh=_sc_mesh(),
        scratch_types=[
            pltpu.VMEM((_CW,), jnp.int32),
            pltpu.VMEM((_CW, _H), jnp.float32),
            pltpu.VMEM((_CW,), jnp.int32),
            pltpu.VMEM((_CW, _H), jnp.float32),
            pltpu.SemaphoreType.DMA,
            pltpu.SemaphoreType.DMA,
            pltpu.SemaphoreType.DMA,
            pltpu.SemaphoreType.DMA,
            pltpu.VMEM_SHARED((npad, _H), jnp.float32),
        ],
    )


def _edge_call(e):
    grid = e // _EB
    wspec = pl.BlockSpec((_H, _H), lambda i: (0, 0))
    vspec = pl.BlockSpec((1, _H), lambda i: (0, 0))
    espec = pl.BlockSpec((_EB, _H), lambda i: (i, 0))
    pspec = pl.BlockSpec((_EB, _H), lambda i: (i, 0))
    return pl.pallas_call(
        _edge_body,
        grid=(grid,),
        in_specs=[pspec, pspec, pl.BlockSpec((_EB, 1), lambda i: (i, 0)),
                  wspec, wspec, wspec, vspec, vspec, vspec, vspec],
        out_specs=espec,
        out_shape=jax.ShapeDtypeStruct((e, _H), jnp.float32),
    )


def kernel(z, edge_index, edge_weight, batch, params):
    n = z.shape[0]
    e = edge_index.shape[1]
    npad = ((n + 127) // 128) * 128
    src = edge_index[0].astype(jnp.int32)
    dst = edge_index[1].astype(jnp.int32)
    z2 = z.astype(jnp.int32).reshape(n, 1)
    bcol = batch.astype(jnp.int32).reshape(n, 1)
    brow = batch.astype(jnp.int32).reshape(1, n)
    zeros_nh = jnp.zeros((npad, _H), jnp.float32)

    start = jnp.exp(jnp.asarray(-_DCUT, jnp.float32))
    means = jnp.linspace(start, 1.0, _H).reshape(1, _H).astype(jnp.float32)
    betas = jnp.full((1, _H), (2.0 / _H * (1.0 - start)) ** (-2), jnp.float32)

    def prep(p):
        return dict(
            wd=p["Wdist"].T.astype(jnp.bfloat16),
            we_s=p["Wedge"][:, :_H].T,
            we_t=p["Wedge"][:, _H:].T,
            w1=p["W1"].T.astype(jnp.bfloat16),
            w2=p["W2"].T.astype(jnp.bfloat16),
            b1=p["b1"].reshape(1, _H),
            b2=p["b2"].reshape(1, _H),
            wrc=p["Wres"].T + p["Wcomb"][:, :_H].T,
            wca=p["Wcomb"][:, _H:].T,
            bcomb=p["bcomb"].reshape(1, _H),
            gnw=p["gn_w"].reshape(1, _H),
            gnb=p["gn_b"].reshape(1, _H),
            gnms=p["gn_ms"].reshape(1, _H),
        )

    lp = [prep(p) for p in params["layers"]]

    nh = jax.ShapeDtypeStruct((n, _H), jnp.float32)
    nhp = jax.ShapeDtypeStruct((npad, _H), jnp.float32)
    x, xs, xt = pl.pallas_call(
        _embed_body, out_shape=(nh, nhp, nhp),
    )(z2, params["emb"], lp[0]["we_s"], lp[0]["we_t"])

    gather = _gather_call(npad, e)
    scatter = _scatter_call(npad, e)
    edge = _edge_call(e)

    for l in range(2):
        p = lp[l]
        gs, gt = gather(xs, xt, src, dst)
        h = edge(gs, gt, edge_weight, p["wd"], p["w1"], p["w2"],
                 p["b1"], p["b2"], means, betas)
        p0, p1 = scatter(h, dst, zeros_nh)
        if l == 0:
            body = functools.partial(_node_body, True)
            x, xs, xt = pl.pallas_call(body, out_shape=(nh, nhp, nhp))(
                x, p0, p1, bcol, brow, p["wrc"], p["wca"], p["bcomb"],
                p["gnw"], p["gnb"], p["gnms"], lp[1]["we_s"], lp[1]["we_t"])
        else:
            body = functools.partial(_node_body, False)
            x = pl.pallas_call(body, out_shape=nh)(
                x, p0, p1, bcol, brow, p["wrc"], p["wca"], p["bcomb"],
                p["gnw"], p["gnb"], p["gnms"])
    return x

# --- scband reference (transcript-rebuilt; emitter-appended) ---
"""Pipeline reference for scband-egnn-47863115547336 (READ-ONLY COPY).

The authoritative reference and input builder live on the scoring server;
editing this copy changes nothing except your own understanding.
"""

import jax, jax.numpy as jnp
import numpy as np

N = 10000
E = 320000
H = 128
NS = 64
D_CUT = 5.0


def _init_params(key):
    ks = jax.random.split(key, 32)
    it = iter(range(32))

    def nxt(shape, scale):
        return jax.random.normal(ks[next(it)], shape, dtype=jnp.float32) * scale

    params = {"emb": nxt((100, H), 0.1), "layers": []}
    for _ in range(2):
        p = {
            "Wdist": nxt((H, H), 0.05),
            "Wedge": nxt((H, 2 * H), 0.05),
            "W1": nxt((H, H), 0.05),
            "b1": jnp.zeros((H,), jnp.float32),
            "W2": nxt((H, H), 0.05),
            "b2": jnp.zeros((H,), jnp.float32),
            "Wres": nxt((H, H), 0.05),
            "Wcomb": nxt((H, 2 * H), 0.05),
            "bcomb": jnp.zeros((H,), jnp.float32),
            "gn_w": jnp.ones((H,), jnp.float32),
            "gn_b": jnp.zeros((H,), jnp.float32),
            "gn_ms": jnp.ones((H,), jnp.float32),
        }
        params["layers"].append(p)
    return params


def setup_inputs(seed: int = 0) -> dict:
    key = jax.random.key(seed)
    k1, k2, k3, k4, k5 = jax.random.split(key, 5)
    z = jax.random.randint(k1, (N,), 0, 100)
    edge_index = jax.random.randint(k2, (2, E), 0, N)
    edge_weight = jax.random.uniform(k3, (E, 1), dtype=jnp.float32) * 5.0
    batch = jnp.sort(jax.random.randint(k4, (N,), 0, NS))
    params = _init_params(k5)
    return {"z": z, "edge_index": edge_index, "edge_weight": edge_weight, "batch": batch, "params": params}


def _rbf_layer(x, edge_index, dist, batch, p):
    i_s = edge_index[0]
    i_t = edge_index[1]
    # ExpnormRBFEmbedding (d_cut=5.0, size=H, non-trainable buffers)
    start = jnp.exp(jnp.asarray(-D_CUT, jnp.float32))
    means = jnp.linspace(start, 1.0, H)
    betas = jnp.full((H,), (2.0 / H * (1.0 - start)) ** (-2), jnp.float32)
    d = jnp.minimum(dist, D_CUT)
    cutoff = 0.5 * (jnp.cos(d * jnp.pi / D_CUT) + 1.0)
    rbf = cutoff * jnp.exp(-betas * (jnp.exp(-dist) - means) ** 2)
    # create_message_repr (RBFLayer, edge_attr=None)
    dist_emb = jnp.tanh(rbf @ p["Wdist"].T)
    edge_repr = jnp.concatenate([x[i_s], x[i_t]], axis=1)
    msg_repr = dist_emb * (edge_repr @ p["Wedge"].T)
    # fn_message
    h = jax.nn.elu(msg_repr @ p["W1"].T + p["b1"])
    h = jax.nn.elu(h @ p["W2"].T + p["b2"])
    # scatter-add aggregation over target nodes
    aggr = jnp.zeros_like(x).at[i_t].add(h)
    # residual_proj + fn_combine + final_act (elu)
    pre = jax.nn.elu(x @ p["Wres"].T + jnp.concatenate([x, aggr], axis=1) @ p["Wcomb"].T + p["bcomb"])
    # GraphNorm over batch segments
    cnt = jnp.clip(jax.ops.segment_sum(jnp.ones((x.shape[0],), jnp.float32), batch, num_segments=NS), 1.0)
    mean = jax.ops.segment_sum(pre, batch, num_segments=NS) / cnt[:, None]
    xc = pre - mean[batch] * p["gn_ms"]
    var = jax.ops.segment_sum(xc * xc, batch, num_segments=NS) / cnt[:, None]
    inv = 1.0 / jnp.sqrt(var + 1e-5)
    return p["gn_w"] * xc * inv[batch] + p["gn_b"]


def reference(z, edge_index, edge_weight, batch, params):
    # EGNN.encode with a single node type 'atom' and edge type (atom, interacts, atom)
    x = params["emb"][z]
    for p in params["layers"]:
        x = x + _rbf_layer(x, edge_index, edge_weight, batch, p)
    return x

if __name__ == "__main__":
    import jax
    _d = setup_inputs()
    print(jax.jit(kernel)(*tuple(_d.values())))

</pallas_src>

<mosaic_0001>
#map = affine_map<(d0, d1) -> (0, 0)>
#map1 = affine_map<(d0, d1) -> (0)>
module attributes {stable_mosaic.version = 14 : i64} {
  func.func @_sc_gather_body(%arg0: i32, %arg1: i32, %arg2: memref<10112x128xf32, #tpu.memory_space<hbm>>, %arg3: memref<10112x128xf32, #tpu.memory_space<hbm>>, %arg4: memref<320000xi32, #tpu.memory_space<hbm>>, %arg5: memref<320000xi32, #tpu.memory_space<hbm>>, %arg6: memref<320000x128xf32, #tpu.memory_space<hbm>>, %arg7: memref<320000x128xf32, #tpu.memory_space<hbm>>, %arg8: memref<128xi32, #tpu.memory_space<vmem>>, %arg9: memref<128x128xf32, #tpu.memory_space<vmem>>, %arg10: memref<128xi32, #tpu.memory_space<vmem>>, %arg11: memref<128x128xf32, #tpu.memory_space<vmem>>, %arg12: memref<!tpu.dma_semaphore, #tpu.memory_space<semaphore_mem>>, %arg13: memref<!tpu.dma_semaphore, #tpu.memory_space<semaphore_mem>>, %arg14: memref<10112x128xf32, #tpu.memory_space<vmem_shared>>) attributes {dimension_semantics = [#tpu.dimension_semantics<core_parallel>, #tpu.dimension_semantics<subcore_parallel>], iteration_bounds = array<i64: 2, 16>, scalar_prefetch = 0 : i64, scratch_operands = 7 : i64, tpu.core_type = #tpu.core_type<sc_vector_subcore>, window_params = [{transform_indices = #map}, {transform_indices = #map}, {transform_indices = #map1}, {transform_indices = #map1}, {transform_indices = #map}, {transform_indices = #map}]} {
    %mul3A = arith.constant 632 : i32
    %mul3A_0 = arith.muli %arg1, %mul3A : i32
    %eq3A = arith.constant 0 : i32
    %eq3A_1 = arith.cmpi eq, %arg0, %eq3A : i32
    %convert_element_type3A = arith.extui %eq3A_1 : i1 to i32
    %cond3A = arith.constant 0 : i32
    %cond3A_2 = arith.cmpi ne, %convert_element_type3A, %cond3A : i32
    scf.if %cond3A_2 {
      "tpu.region"() ({
        %run_scoped3A = tpu.sem_alloc : memref<!tpu.dma_semaphore, #tpu.memory_space<semaphore_mem>>
        %dma_start3A = arith.constant 0 : i32
        %dma_start3A_18 = tpu.memref_slice %arg14[%mul3A_0, %dma_start3A] : memref<10112x128xf32, #tpu.memory_space<vmem_shared>> -> memref<632x128xf32, #tpu.memory_space<vmem_shared>>
        %dma_start3A_19 = arith.constant 0 : i32
        %dma_start3A_20 = tpu.memref_slice %arg2[%mul3A_0, %dma_start3A_19] : memref<10112x128xf32, #tpu.memory_space<hbm>> -> memref<632x128xf32, #tpu.memory_space<hbm>>
        tpu.enqueue_dma source(%dma_start3A_20 : memref<632x128xf32, #tpu.memory_space<hbm>>) target(%dma_start3A_18 : memref<632x128xf32, #tpu.memory_space<vmem_shared>>) target_semaphore(%run_scoped3A : memref<!tpu.dma_semaphore, #tpu.memory_space<semaphore_mem>>)
        %dma_wait3A = arith.constant 0 : i32
        %dma_wait3A_21 = tpu.memref_slice %arg14[%mul3A_0, %dma_wait3A] : memref<10112x128xf32, #tpu.memory_space<vmem_shared>> -> memref<632x128xf32, #tpu.memory_space<vmem_shared>>
        %dma_wait3A_22 = arith.constant 0 : i32
        %dma_wait3A_23 = tpu.memref_slice %arg2[%mul3A_0, %dma_wait3A_22] : memref<10112x128xf32, #tpu.memory_space<hbm>> -> memref<632x128xf32, #tpu.memory_space<hbm>>
        tpu.wait_dma2 semaphore(%run_scoped3A : memref<!tpu.dma_semaphore, #tpu.memory_space<semaphore_mem>>) src(%dma_wait3A_23 : memref<632x128xf32, #tpu.memory_space<hbm>>) dst(%dma_wait3A_21 : memref<632x128xf32, #tpu.memory_space<vmem_shared>>)
        tpu.yield
      }) : () -> ()
    } else {
    }
    %eq3A_3 = arith.constant 1 : i32
    %eq3A_4 = arith.cmpi eq, %arg0, %eq3A_3 : i32
    %convert_element_type3A_5 = arith.extui %eq3A_4 : i1 to i32
    %cond3A_6 = arith.constant 0 : i32
    %cond3A_7 = arith.cmpi ne, %convert_element_type3A_5, %cond3A_6 : i32
    scf.if %cond3A_7 {
      "tpu.region"() ({
        %run_scoped3A = tpu.sem_alloc : memref<!tpu.dma_semaphore, #tpu.memory_space<semaphore_mem>>
        %dma_start3A = arith.constant 0 : i32
        %dma_start3A_18 = tpu.memref_slice %arg14[%mul3A_0, %dma_start3A] : memref<10112x128xf32, #tpu.memory_space<vmem_shared>> -> memref<632x128xf32, #tpu.memory_space<vmem_shared>>
        %dma_start3A_19 = arith.constant 0 : i32
        %dma_start3A_20 = tpu.memref_slice %arg3[%mul3A_0, %dma_start3A_19] : memref<10112x128xf32, #tpu.memory_space<hbm>> -> memref<632x128xf32, #tpu.memory_space<hbm>>
        tpu.enqueue_dma source(%dma_start3A_20 : memref<632x128xf32, #tpu.memory_space<hbm>>) target(%dma_start3A_18 : memref<632x128xf32, #tpu.memory_space<vmem_shared>>) target_semaphore(%run_scoped3A : memref<!tpu.dma_semaphore, #tpu.memory_space<semaphore_mem>>)
        %dma_wait3A = arith.constant 0 : i32
        %dma_wait3A_21 = tpu.memref_slice %arg14[%mul3A_0, %dma_wait3A] : memref<10112x128xf32, #tpu.memory_space<vmem_shared>> -> memref<632x128xf32, #tpu.memory_space<vmem_shared>>
        %dma_wait3A_22 = arith.constant 0 : i32
        %dma_wait3A_23 = tpu.memref_slice %arg3[%mul3A_0, %dma_wait3A_22] : memref<10112x128xf32, #tpu.memory_space<hbm>> -> memref<632x128xf32, #tpu.memory_space<hbm>>
        tpu.wait_dma2 semaphore(%run_scoped3A : memref<!tpu.dma_semaphore, #tpu.memory_space<semaphore_mem>>) src(%dma_wait3A_23 : memref<632x128xf32, #tpu.memory_space<hbm>>) dst(%dma_wait3A_21 : memref<632x128xf32, #tpu.memory_space<vmem_shared>>)
        tpu.yield
      }) : () -> ()
    } else {
    }
    %barrier3A = arith.constant 0 : index
    tpu.barrier barrier_id(%barrier3A)
    %add3A = arith.constant 0 : i32
    %add3A_8 = arith.addi %add3A, %arg1 : i32
    %lt3A = arith.constant 2500 : i32
    %lt3A_9 = arith.cmpi slt, %add3A_8, %lt3A : i32
    %convert_element_type3A_10 = arith.extui %lt3A_9 : i1 to i32
    %cond3A_11 = arith.constant 0 : i32
    %cond3A_12 = arith.cmpi ne, %convert_element_type3A_10, %cond3A_11 : i32
    scf.if %cond3A_12 {
      %eq3A_18 = arith.constant 0 : i32
      %eq3A_19 = arith.cmpi eq, %arg0, %eq3A_18 : i32
      %convert_element_type3A_20 = arith.extui %eq3A_19 : i1 to i32
      %cond3A_21 = arith.constant 0 : i32
      %cond3A_22 = arith.cmpi ne, %convert_element_type3A_20, %cond3A_21 : i32
      scf.if %cond3A_22 {
        %mul3A_30 = arith.constant 128 : i32
        %mul3A_31 = arith.muli %add3A_8, %mul3A_30 : i32
        "tpu.region"() ({
          %run_scoped3A = tpu.sem_alloc : memref<!tpu.dma_semaphore, #tpu.memory_space<semaphore_mem>>
          %dma_start3A_32 = tpu.memref_slice %arg4[%mul3A_31] : memref<320000xi32, #tpu.memory_space<hbm>> -> memref<128xi32, #tpu.memory_space<hbm>>
          %dma_start3A_33 = tpu.memref_slice %arg4[%mul3A_31] : memref<320000xi32, #tpu.memory_space<hbm>> -> memref<128xi32, #tpu.memory_space<hbm>>
          tpu.enqueue_dma source(%dma_start3A_33 : memref<128xi32, #tpu.memory_space<hbm>>) target(%arg8 : memref<128xi32, #tpu.memory_space<vmem>>) target_semaphore(%run_scoped3A : memref<!tpu.dma_semaphore, #tpu.memory_space<semaphore_mem>>)
          %dma_wait3A = tpu.memref_slice %arg4[%mul3A_31] : memref<320000xi32, #tpu.memory_space<hbm>> -> memref<128xi32, #tpu.memory_space<hbm>>
          %dma_wait3A_34 = tpu.memref_slice %arg4[%mul3A_31] : memref<320000xi32, #tpu.memory_space<hbm>> -> memref<128xi32, #tpu.memory_space<hbm>>
          tpu.wait_dma2 semaphore(%run_scoped3A : memref<!tpu.dma_semaphore, #tpu.memory_space<semaphore_mem>>) src(%dma_wait3A_34 : memref<128xi32, #tpu.memory_space<hbm>>) dst(%arg8 : memref<128xi32, #tpu.memory_space<vmem>>)
          tpu.yield
        }) : () -> ()
      } else {
      }
      %eq3A_23 = arith.constant 1 : i32
      %eq3A_24 = arith.cmpi eq, %arg0, %eq3A_23 : i32
      %convert_element_type3A_25 = arith.extui %eq3A_24 : i1 to i32
      %cond3A_26 = arith.constant 0 : i32
      %cond3A_27 = arith.cmpi ne, %convert_element_type3A_25, %cond3A_26 : i32
      scf.if %cond3A_27 {
        %mul3A_30 = arith.constant 128 : i32
        %mul3A_31 = arith.muli %add3A_8, %mul3A_30 : i32
        "tpu.region"() ({
          %run_scoped3A = tpu.sem_alloc : memref<!tpu.dma_semaphore, #tpu.memory_space<semaphore_mem>>
          %dma_start3A_32 = tpu.memref_slice %arg5[%mul3A_31] : memref<320000xi32, #tpu.memory_space<hbm>> -> memref<128xi32, #tpu.memory_space<hbm>>
          %dma_start3A_33 = tpu.memref_slice %arg5[%mul3A_31] : memref<320000xi32, #tpu.memory_space<hbm>> -> memref<128xi32, #tpu.memory_space<hbm>>
          tpu.enqueue_dma source(%dma_start3A_33 : memref<128xi32, #tpu.memory_space<hbm>>) target(%arg8 : memref<128xi32, #tpu.memory_space<vmem>>) target_semaphore(%run_scoped3A : memref<!tpu.dma_semaphore, #tpu.memory_space<semaphore_mem>>)
          %dma_wait3A = tpu.memref_slice %arg5[%mul3A_31] : memref<320000xi32, #tpu.memory_space<hbm>> -> memref<128xi32, #tpu.memory_space<hbm>>
          %dma_wait3A_34 = tpu.memref_slice %arg5[%mul3A_31] : memref<320000xi32, #tpu.memory_space<hbm>> -> memref<128xi32, #tpu.memory_space<hbm>>
          tpu.wait_dma2 semaphore(%run_scoped3A : memref<!tpu.dma_semaphore, #tpu.memory_space<semaphore_mem>>) src(%dma_wait3A_34 : memref<128xi32, #tpu.memory_space<hbm>>) dst(%arg8 : memref<128xi32, #tpu.memory_space<vmem>>)
          tpu.yield
        }) : () -> ()
      } else {
      }
      %dma_start3A = arith.constant 0 : i32
      %dma_start3A_28 = arith.constant 0 : i32
      %dma_start3A_29 = tpu.memref_slice %arg14[%dma_start3A, %dma_start3A_28] : memref<10112x128xf32, #tpu.memory_space<vmem_shared>> -> memref<10112x128xf32, #tpu.memory_space<vmem_shared>>
      tpu.enqueue_indirect_dma source(%dma_start3A_29 : memref<10112x128xf32, #tpu.memory_space<vmem_shared>>) target(%arg9 : memref<128x128xf32, #tpu.memory_space<vmem>>) offsets(%arg8 : memref<128xi32, #tpu.memory_space<vmem>>) semaphore(%arg12 : memref<!tpu.dma_semaphore, #tpu.memory_space<semaphore_mem>>)
    } else {
    }
    %scan3A = arith.constant 0 : i32
    %scan3A_13 = arith.constant 0 : i32
    %scan3A_14 = arith.constant 79 : i32
    %scan3A_15 = arith.addi %scan3A_13, %scan3A_14 : i32
    %scan3A_16 = arith.constant 1 : i32
    scf.for %scan3A_18 = %scan3A_13 to %scan3A_15 step %scan3A_16  : i32 {
      %mul3A_19 = arith.constant 2 : i32
      %mul3A_20 = arith.muli %scan3A_18, %mul3A_19 : i32
      %add3A_21 = arith.constant 1 : i32
      %add3A_22 = arith.addi %mul3A_20, %add3A_21 : i32
      %mul3A_23 = arith.constant 16 : i32
      %mul3A_24 = arith.muli %add3A_22, %mul3A_23 : i32
      %add3A_25 = arith.addi %mul3A_24, %arg1 : i32
      %lt3A_26 = arith.constant 2500 : i32
      %lt3A_27 = arith.cmpi slt, %add3A_25, %lt3A_26 : i32
      %convert_element_type3A_28 = arith.extui %lt3A_27 : i1 to i32
      %cond3A_29 = arith.constant 0 : i32
      %cond3A_30 = arith.cmpi ne, %convert_element_type3A_28, %cond3A_29 : i32
      scf.if %cond3A_30 {
        %eq3A_59 = arith.constant 0 : i32
        %eq3A_60 = arith.cmpi eq, %arg0, %eq3A_59 : i32
        %convert_element_type3A_61 = arith.extui %eq3A_60 : i1 to i32
        %cond3A_62 = arith.constant 0 : i32
        %cond3A_63 = arith.cmpi ne, %convert_element_type3A_61, %cond3A_62 : i32
        scf.if %cond3A_63 {
          %mul3A_71 = arith.constant 128 : i32
          %mul3A_72 = arith.muli %add3A_25, %mul3A_71 : i32
          "tpu.region"() ({
            %run_scoped3A = tpu.sem_alloc : memref<!tpu.dma_semaphore, #tpu.memory_space<semaphore_mem>>
            %dma_start3A_73 = tpu.memref_slice %arg4[%mul3A_72] : memref<320000xi32, #tpu.memory_space<hbm>> -> memref<128xi32, #tpu.memory_space<hbm>>
            %dma_start3A_74 = tpu.memref_slice %arg4[%mul3A_72] : memref<320000xi32, #tpu.memory_space<hbm>> -> memref<128xi32, #tpu.memory_space<hbm>>
            tpu.enqueue_dma source(%dma_start3A_74 : memref<128xi32, #tpu.memory_space<hbm>>) target(%arg10 : memref<128xi32, #tpu.memory_space<vmem>>) target_semaphore(%run_scoped3A : memref<!tpu.dma_semaphore, #tpu.memory_space<semaphore_mem>>)
            %dma_wait3A = tpu.memref_slice %arg4[%mul3A_72] : memref<320000xi32, #tpu.memory_space<hbm>> -> memref<128xi32, #tpu.memory_space<hbm>>
            %dma_wait3A_75 = tpu.memref_slice %arg4[%mul3A_72] : memref<320000xi32, #tpu.memory_space<hbm>> -> memref<128xi32, #tpu.memory_space<hbm>>
            tpu.wait_dma2 semaphore(%run_scoped3A : memref<!tpu.dma_semaphore, #tpu.memory_space<semaphore_mem>>) src(%dma_wait3A_75 : memref<128xi32, #tpu.memory_space<hbm>>) dst(%arg10 : memref<128xi32, #tpu.memory_space<vmem>>)
            tpu.yield
          }) : () -> ()
        } else {
        }
        %eq3A_64 = arith.constant 1 : i32
        %eq3A_65 = arith.cmpi eq, %arg0, %eq3A_64 : i32
        %convert_element_type3A_66 = arith.extui %eq3A_65 : i1 to i32
        %cond3A_67 = arith.constant 0 : i32
        %cond3A_68 = arith.cmpi ne, %convert_element_type3A_66, %cond3A_67 : i32
        scf.if %cond3A_68 {
          %mul3A_71 = arith.constant 128 : i32
          %mul3A_72 = arith.muli %add3A_25, %mul3A_71 : i32
          "tpu.region"() ({
            %run_scoped3A = tpu.sem_alloc : memref<!tpu.dma_semaphore, #tpu.memory_space<semaphore_mem>>
            %dma_start3A_73 = tpu.memref_slice %arg5[%mul3A_72] : memref<320000xi32, #tpu.memory_space<hbm>> -> memref<128xi32, #tpu.memory_space<hbm>>
            %dma_start3A_74 = tpu.memref_slice %arg5[%mul3A_72] : memref<320000xi32, #tpu.memory_space<hbm>> -> memref<128xi32, #tpu.memory_space<hbm>>
            tpu.enqueue_dma source(%dma_start3A_74 : memref<128xi32, #tpu.memory_space<hbm>>) target(%arg10 : memref<128xi32, #tpu.memory_space<vmem>>) target_semaphore(%run_scoped3A : memref<!tpu.dma_semaphore, #tpu.memory_space<semaphore_mem>>)
            %dma_wait3A = tpu.memref_slice %arg5[%mul3A_72] : memref<320000xi32, #tpu.memory_space<hbm>> -> memref<128xi32, #tpu.memory_space<hbm>>
            %dma_wait3A_75 = tpu.memref_slice %arg5[%mul3A_72] : memref<320000xi32, #tpu.memory_space<hbm>> -> memref<128xi32, #tpu.memory_space<hbm>>
            tpu.wait_dma2 semaphore(%run_scoped3A : memref<!tpu.dma_semaphore, #tpu.memory_space<semaphore_mem>>) src(%dma_wait3A_75 : memref<128xi32, #tpu.memory_space<hbm>>) dst(%arg10 : memref<128xi32, #tpu.memory_space<vmem>>)
            tpu.yield
          }) : () -> ()
        } else {
        }
        %dma_start3A = arith.constant 0 : i32
        %dma_start3A_69 = arith.constant 0 : i32
        %dma_start3A_70 = tpu.memref_slice %arg14[%dma_start3A, %dma_start3A_69] : memref<10112x128xf32, #tpu.memory_space<vmem_shared>> -> memref<10112x128xf32, #tpu.memory_space<vmem_shared>>
        tpu.enqueue_indirect_dma source(%dma_start3A_70 : memref<10112x128xf32, #tpu.memory_space<vmem_shared>>) target(%arg11 : memref<128x128xf32, #tpu.memory_space<vmem>>) offsets(%arg10 : memref<128xi32, #tpu.memory_space<vmem>>) semaphore(%arg13 : memref<!tpu.dma_semaphore, #tpu.memory_space<semaphore_mem>>)
      } else {
      }
      %mul3A_31 = arith.constant 16 : i32
      %mul3A_32 = arith.muli %mul3A_20, %mul3A_31 : i32
      %add3A_33 = arith.addi %mul3A_32, %arg1 : i32
      %lt3A_34 = arith.constant 2500 : i32
      %lt3A_35 = arith.cmpi slt, %add3A_33, %lt3A_34 : i32
      %convert_element_type3A_36 = arith.extui %lt3A_35 : i1 to i32
      %cond3A_37 = arith.constant 0 : i32
      %cond3A_38 = arith.cmpi ne, %convert_element_type3A_36, %cond3A_37 : i32
      scf.if %cond3A_38 {
        %dma_wait3A = arith.constant 0 : i32
        %dma_wait3A_59 = arith.constant 0 : i32
        %dma_wait3A_60 = tpu.memref_slice %arg14[%dma_wait3A, %dma_wait3A_59] : memref<10112x128xf32, #tpu.memory_space<vmem_shared>> -> memref<10112x128xf32, #tpu.memory_space<vmem_shared>>
        tpu.wait_indirect_dma semaphore(%arg12 : memref<!tpu.dma_semaphore, #tpu.memory_space<semaphore_mem>>) src(%dma_wait3A_60 : memref<10112x128xf32, #tpu.memory_space<vmem_shared>>) dst(%arg9 : memref<128x128xf32, #tpu.memory_space<vmem>>)
        %eq3A_61 = arith.constant 0 : i32
        %eq3A_62 = arith.cmpi eq, %arg0, %eq3A_61 : i32
        %convert_element_type3A_63 = arith.extui %eq3A_62 : i1 to i32
        %cond3A_64 = arith.constant 0 : i32
        %cond3A_65 = arith.cmpi ne, %convert_element_type3A_63, %cond3A_64 : i32
        scf.if %cond3A_65 {
          %mul3A_71 = arith.constant 128 : i32
          %mul3A_72 = arith.muli %add3A_33, %mul3A_71 : i32
          "tpu.region"() ({
            %run_scoped3A = tpu.sem_alloc : memref<!tpu.dma_semaphore, #tpu.memory_space<semaphore_mem>>
            %dma_start3A = arith.constant 0 : i32
            %dma_start3A_73 = tpu.memref_slice %arg6[%mul3A_72, %dma_start3A] : memref<320000x128xf32, #tpu.memory_space<hbm>> -> memref<128x128xf32, #tpu.memory_space<hbm>>
            %dma_start3A_74 = arith.constant 0 : i32
            %dma_start3A_75 = tpu.memref_slice %arg6[%mul3A_72, %dma_start3A_74] : memref<320000x128xf32, #tpu.memory_space<hbm>> -> memref<128x128xf32, #tpu.memory_space<hbm>>
            tpu.enqueue_dma source(%arg9 : memref<128x128xf32, #tpu.memory_space<vmem>>) target(%dma_start3A_75 : memref<128x128xf32, #tpu.memory_space<hbm>>) target_semaphore(%run_scoped3A : memref<!tpu.dma_semaphore, #tpu.memory_space<semaphore_mem>>)
            %dma_wait3A_76 = arith.constant 0 : i32
            %dma_wait3A_77 = tpu.memref_slice %arg6[%mul3A_72, %dma_wait3A_76] : memref<320000x128xf32, #tpu.memory_space<hbm>> -> memref<128x128xf32, #tpu.memory_space<hbm>>
            %dma_wait3A_78 = arith.constant 0 : i32
            %dma_wait3A_79 = tpu.memref_slice %arg6[%mul3A_72, %dma_wait3A_78] : memref<320000x128xf32, #tpu.memory_space<hbm>> -> memref<128x128xf32, #tpu.memory_space<hbm>>
            tpu.wait_dma2 semaphore(%run_scoped3A : memref<!tpu.dma_semaphore, #tpu.memory_space<semaphore_mem>>) src(%arg9 : memref<128x128xf32, #tpu.memory_space<vmem>>) dst(%dma_wait3A_79 : memref<128x128xf32, #tpu.memory_space<hbm>>)
            tpu.yield
          }) : () -> ()
        } else {
        }
        %eq3A_66 = arith.constant 1 : i32
        %eq3A_67 = arith.cmpi eq, %arg0, %eq3A_66 : i32
        %convert_element_type3A_68 = arith.extui %eq3A_67 : i1 to i32
        %cond3A_69 = arith.constant 0 : i32
        %cond3A_70 = arith.cmpi ne, %convert_element_type3A_68, %cond3A_69 : i32
        scf.if %cond3A_70 {
          %mul3A_71 = arith.constant 128 : i32
          %mul3A_72 = arith.muli %add3A_33, %mul3A_71 : i32
          "tpu.region"() ({
            %run_scoped3A = tpu.sem_alloc : memref<!tpu.dma_semaphore, #tpu.memory_space<semaphore_mem>>
            %dma_start3A = arith.constant 0 : i32
            %dma_start3A_73 = tpu.memref_slice %arg7[%mul3A_72, %dma_start3A] : memref<320000x128xf32, #tpu.memory_space<hbm>> -> memref<128x128xf32, #tpu.memory_space<hbm>>
            %dma_start3A_74 = arith.constant 0 : i32
            %dma_start3A_75 = tpu.memref_slice %arg7[%mul3A_72, %dma_start3A_74] : memref<320000x128xf32, #tpu.memory_space<hbm>> -> memref<128x128xf32, #tpu.memory_space<hbm>>
            tpu.enqueue_dma source(%arg9 : memref<128x128xf32, #tpu.memory_space<vmem>>) target(%dma_start3A_75 : memref<128x128xf32, #tpu.memory_space<hbm>>) target_semaphore(%run_scoped3A : memref<!tpu.dma_semaphore, #tpu.memory_space<semaphore_mem>>)
            %dma_wait3A_76 = arith.constant 0 : i32
            %dma_wait3A_77 = tpu.memref_slice %arg7[%mul3A_72, %dma_wait3A_76] : memref<320000x128xf32, #tpu.memory_space<hbm>> -> memref<128x128xf32, #tpu.memory_space<hbm>>
            %dma_wait3A_78 = arith.constant 0 : i32
            %dma_wait3A_79 = tpu.memref_slice %arg7[%mul3A_72, %dma_wait3A_78] : memref<320000x128xf32, #tpu.memory_space<hbm>> -> memref<128x128xf32, #tpu.memory_space<hbm>>
            tpu.wait_dma2 semaphore(%run_scoped3A : memref<!tpu.dma_semaphore, #tpu.memory_space<semaphore_mem>>) src(%arg9 : memref<128x128xf32, #tpu.memory_space<vmem>>) dst(%dma_wait3A_79 : memref<128x128xf32, #tpu.memory_space<hbm>>)
            tpu.yield
          }) : () -> ()
        } else {
        }
      } else {
      }
      %add3A_39 = arith.constant 2 : i32
      %add3A_40 = arith.addi %mul3A_20, %add3A_39 : i32
      %mul3A_41 = arith.constant 16 : i32
      %mul3A_42 = arith.muli %add3A_40, %mul3A_41 : i32
      %add3A_43 = arith.addi %mul3A_42, %arg1 : i32
      %lt3A_44 = arith.constant 2500 : i32
      %lt3A_45 = arith.cmpi slt, %add3A_43, %lt3A_44 : i32
      %convert_element_type3A_46 = arith.extui %lt3A_45 : i1 to i32
      %cond3A_47 = arith.constant 0 : i32
      %cond3A_48 = arith.cmpi ne, %convert_element_type3A_46, %cond3A_47 : i32
      scf.if %cond3A_48 {
        %eq3A_59 = arith.constant 0 : i32
        %eq3A_60 = arith.cmpi eq, %arg0, %eq3A_59 : i32
        %convert_element_type3A_61 = arith.extui %eq3A_60 : i1 to i32
        %cond3A_62 = arith.constant 0 : i32
        %cond3A_63 = arith.cmpi ne, %convert_element_type3A_61, %cond3A_62 : i32
        scf.if %cond3A_63 {
          %mul3A_71 = arith.constant 128 : i32
          %mul3A_72 = arith.muli %add3A_43, %mul3A_71 : i32
          "tpu.region"() ({
            %run_scoped3A = tpu.sem_alloc : memref<!tpu.dma_semaphore, #tpu.memory_space<semaphore_mem>>
            %dma_start3A_73 = tpu.memref_slice %arg4[%mul3A_72] : memref<320000xi32, #tpu.memory_space<hbm>> -> memref<128xi32, #tpu.memory_space<hbm>>
            %dma_start3A_74 = tpu.memref_slice %arg4[%mul3A_72] : memref<320000xi32, #tpu.memory_space<hbm>> -> memref<128xi32, #tpu.memory_space<hbm>>
            tpu.enqueue_dma source(%dma_start3A_74 : memref<128xi32, #tpu.memory_space<hbm>>) target(%arg8 : memref<128xi32, #tpu.memory_space<vmem>>) target_semaphore(%run_scoped3A : memref<!tpu.dma_semaphore, #tpu.memory_space<semaphore_mem>>)
            %dma_wait3A = tpu.memref_slice %arg4[%mul3A_72] : memref<320000xi32, #tpu.memory_space<hbm>> -> memref<128xi32, #tpu.memory_space<hbm>>
            %dma_wait3A_75 = tpu.memref_slice %arg4[%mul3A_72] : memref<320000xi32, #tpu.memory_space<hbm>> -> memref<128xi32, #tpu.memory_space<hbm>>
            tpu.wait_dma2 semaphore(%run_scoped3A : memref<!tpu.dma_semaphore, #tpu.memory_space<semaphore_mem>>) src(%dma_wait3A_75 : memref<128xi32, #tpu.memory_space<hbm>>) dst(%arg8 : memref<128xi32, #tpu.memory_space<vmem>>)
            tpu.yield
          }) : () -> ()
        } else {
        }
        %eq3A_64 = arith.constant 1 : i32
        %eq3A_65 = arith.cmpi eq, %arg0, %eq3A_64 : i32
        %convert_element_type3A_66 = arith.extui %eq3A_65 : i1 to i32
        %cond3A_67 = arith.constant 0 : i32
        %cond3A_68 = arith.cmpi ne, %convert_element_type3A_66, %cond3A_67 : i32
        scf.if %cond3A_68 {
          %mul3A_71 = arith.constant 128 : i32
          %mul3A_72 = arith.muli %add3A_43, %mul3A_71 : i32
          "tpu.region"() ({
            %run_scoped3A = tpu.sem_alloc : memref<!tpu.dma_semaphore, #tpu.memory_space<semaphore_mem>>
            %dma_start3A_73 = tpu.memref_slice %arg5[%mul3A_72] : memref<320000xi32, #tpu.memory_space<hbm>> -> memref<128xi32, #tpu.memory_space<hbm>>
            %dma_start3A_74 = tpu.memref_slice %arg5[%mul3A_72] : memref<320000xi32, #tpu.memory_space<hbm>> -> memref<128xi32, #tpu.memory_space<hbm>>
            tpu.enqueue_dma source(%dma_start3A_74 : memref<128xi32, #tpu.memory_space<hbm>>) target(%arg8 : memref<128xi32, #tpu.memory_space<vmem>>) target_semaphore(%run_scoped3A : memref<!tpu.dma_semaphore, #tpu.memory_space<semaphore_mem>>)
            %dma_wait3A = tpu.memref_slice %arg5[%mul3A_72] : memref<320000xi32, #tpu.memory_space<hbm>> -> memref<128xi32, #tpu.memory_space<hbm>>
            %dma_wait3A_75 = tpu.memref_slice %arg5[%mul3A_72] : memref<320000xi32, #tpu.memory_space<hbm>> -> memref<128xi32, #tpu.memory_space<hbm>>
            tpu.wait_dma2 semaphore(%run_scoped3A : memref<!tpu.dma_semaphore, #tpu.memory_space<semaphore_mem>>) src(%dma_wait3A_75 : memref<128xi32, #tpu.memory_space<hbm>>) dst(%arg8 : memref<128xi32, #tpu.memory_space<vmem>>)
            tpu.yield
          }) : () -> ()
        } else {
        }
        %dma_start3A = arith.constant 0 : i32
        %dma_start3A_69 = arith.constant 0 : i32
        %dma_start3A_70 = tpu.memref_slice %arg14[%dma_start3A, %dma_start3A_69] : memref<10112x128xf32, #tpu.memory_space<vmem_shared>> -> memref<10112x128xf32, #tpu.memory_space<vmem_shared>>
        tpu.enqueue_indirect_dma source(%dma_start3A_70 : memref<10112x128xf32, #tpu.memory_space<vmem_shared>>) target(%arg9 : memref<128x128xf32, #tpu.memory_space<vmem>>) offsets(%arg8 : memref<128xi32, #tpu.memory_space<vmem>>) semaphore(%arg12 : memref<!tpu.dma_semaphore, #tpu.memory_space<semaphore_mem>>)
      } else {
      }
      %add3A_49 = arith.constant 1 : i32
      %add3A_50 = arith.addi %mul3A_20, %add3A_49 : i32
      %mul3A_51 = arith.constant 16 : i32
      %mul3A_52 = arith.muli %add3A_50, %mul3A_51 : i32
      %add3A_53 = arith.addi %mul3A_52, %arg1 : i32
      %lt3A_54 = arith.constant 2500 : i32
      %lt3A_55 = arith.cmpi slt, %add3A_53, %lt3A_54 : i32
      %convert_element_type3A_56 = arith.extui %lt3A_55 : i1 to i32
      %cond3A_57 = arith.constant 0 : i32
      %cond3A_58 = arith.cmpi ne, %convert_element_type3A_56, %cond3A_57 : i32
      scf.if %cond3A_58 {
        %dma_wait3A = arith.constant 0 : i32
        %dma_wait3A_59 = arith.constant 0 : i32
        %dma_wait3A_60 = tpu.memref_slice %arg14[%dma_wait3A, %dma_wait3A_59] : memref<10112x128xf32, #tpu.memory_space<vmem_shared>> -> memref<10112x128xf32, #tpu.memory_space<vmem_shared>>
        tpu.wait_indirect_dma semaphore(%arg13 : memref<!tpu.dma_semaphore, #tpu.memory_space<semaphore_mem>>) src(%dma_wait3A_60 : memref<10112x128xf32, #tpu.memory_space<vmem_shared>>) dst(%arg11 : memref<128x128xf32, #tpu.memory_space<vmem>>)
        %eq3A_61 = arith.constant 0 : i32
        %eq3A_62 = arith.cmpi eq, %arg0, %eq3A_61 : i32
        %convert_element_type3A_63 = arith.extui %eq3A_62 : i1 to i32
        %cond3A_64 = arith.constant 0 : i32
        %cond3A_65 = arith.cmpi ne, %convert_element_type3A_63, %cond3A_64 : i32
        scf.if %cond3A_65 {
          %mul3A_71 = arith.constant 128 : i32
          %mul3A_72 = arith.muli %add3A_53, %mul3A_71 : i32
          "tpu.region"() ({
            %run_scoped3A = tpu.sem_alloc : memref<!tpu.dma_semaphore, #tpu.memory_space<semaphore_mem>>
            %dma_start3A = arith.constant 0 : i32
            %dma_start3A_73 = tpu.memref_slice %arg6[%mul3A_72, %dma_start3A] : memref<320000x128xf32, #tpu.memory_space<hbm>> -> memref<128x128xf32, #tpu.memory_space<hbm>>
            %dma_start3A_74 = arith.constant 0 : i32
            %dma_start3A_75 = tpu.memref_slice %arg6[%mul3A_72, %dma_start3A_74] : memref<320000x128xf32, #tpu.memory_space<hbm>> -> memref<128x128xf32, #tpu.memory_space<hbm>>
            tpu.enqueue_dma source(%arg11 : memref<128x128xf32, #tpu.memory_space<vmem>>) target(%dma_start3A_75 : memref<128x128xf32, #tpu.memory_space<hbm>>) target_semaphore(%run_scoped3A : memref<!tpu.dma_semaphore, #tpu.memory_space<semaphore_mem>>)
            %dma_wait3A_76 = arith.constant 0 : i32
            %dma_wait3A_77 = tpu.memref_slice %arg6[%mul3A_72, %dma_wait3A_76] : memref<320000x128xf32, #tpu.memory_space<hbm>> -> memref<128x128xf32, #tpu.memory_space<hbm>>
            %dma_wait3A_78 = arith.constant 0 : i32
            %dma_wait3A_79 = tpu.memref_slice %arg6[%mul3A_72, %dma_wait3A_78] : memref<320000x128xf32, #tpu.memory_space<hbm>> -> memref<128x128xf32, #tpu.memory_space<hbm>>
            tpu.wait_dma2 semaphore(%run_scoped3A : memref<!tpu.dma_semaphore, #tpu.memory_space<semaphore_mem>>) src(%arg11 : memref<128x128xf32, #tpu.memory_space<vmem>>) dst(%dma_wait3A_79 : memref<128x128xf32, #tpu.memory_space<hbm>>)
            tpu.yield
          }) : () -> ()
        } else {
        }
        %eq3A_66 = arith.constant 1 : i32
        %eq3A_67 = arith.cmpi eq, %arg0, %eq3A_66 : i32
        %convert_element_type3A_68 = arith.extui %eq3A_67 : i1 to i32
        %cond3A_69 = arith.constant 0 : i32
        %cond3A_70 = arith.cmpi ne, %convert_element_type3A_68, %cond3A_69 : i32
        scf.if %cond3A_70 {
          %mul3A_71 = arith.constant 128 : i32
          %mul3A_72 = arith.muli %add3A_53, %mul3A_71 : i32
          "tpu.region"() ({
            %run_scoped3A = tpu.sem_alloc : memref<!tpu.dma_semaphore, #tpu.memory_space<semaphore_mem>>
            %dma_start3A = arith.constant 0 : i32
            %dma_start3A_73 = tpu.memref_slice %arg7[%mul3A_72, %dma_start3A] : memref<320000x128xf32, #tpu.memory_space<hbm>> -> memref<128x128xf32, #tpu.memory_space<hbm>>
            %dma_start3A_74 = arith.constant 0 : i32
            %dma_start3A_75 = tpu.memref_slice %arg7[%mul3A_72, %dma_start3A_74] : memref<320000x128xf32, #tpu.memory_space<hbm>> -> memref<128x128xf32, #tpu.memory_space<hbm>>
            tpu.enqueue_dma source(%arg11 : memref<128x128xf32, #tpu.memory_space<vmem>>) target(%dma_start3A_75 : memref<128x128xf32, #tpu.memory_space<hbm>>) target_semaphore(%run_scoped3A : memref<!tpu.dma_semaphore, #tpu.memory_space<semaphore_mem>>)
            %dma_wait3A_76 = arith.constant 0 : i32
            %dma_wait3A_77 = tpu.memref_slice %arg7[%mul3A_72, %dma_wait3A_76] : memref<320000x128xf32, #tpu.memory_space<hbm>> -> memref<128x128xf32, #tpu.memory_space<hbm>>
            %dma_wait3A_78 = arith.constant 0 : i32
            %dma_wait3A_79 = tpu.memref_slice %arg7[%mul3A_72, %dma_wait3A_78] : memref<320000x128xf32, #tpu.memory_space<hbm>> -> memref<128x128xf32, #tpu.memory_space<hbm>>
            tpu.wait_dma2 semaphore(%run_scoped3A : memref<!tpu.dma_semaphore, #tpu.memory_space<semaphore_mem>>) src(%arg11 : memref<128x128xf32, #tpu.memory_space<vmem>>) dst(%dma_wait3A_79 : memref<128x128xf32, #tpu.memory_space<hbm>>)
            tpu.yield
          }) : () -> ()
        } else {
        }
      } else {
      }
    }
    %scan3A_17 = arith.constant 79 : i32
    return
  }
}

#map = affine_map<(d0, d1) -> (0, 0)>
#map1 = affine_map<(d0, d1) -> (0)>
module attributes {stable_mosaic.version = 14 : i64} {
  func.func @_sc_gather_body(%arg0: i32, %arg1: i32, %arg2: memref<10112x128xf32, #tpu.memory_space<hbm>>, %arg3: memref<10112x128xf32, #tpu.memory_space<hbm>>, %arg4: memref<320000xi32, #tpu.memory_space<hbm>>, %arg5: memref<320000xi32, #tpu.memory_space<hbm>>, %arg6: memref<320000x128xf32, #tpu.memory_space<hbm>>, %arg7: memref<320000x128xf32, #tpu.memory_space<hbm>>, %arg8: memref<128xi32, #tpu.memory_space<vmem>>, %arg9: memref<128x128xf32, #tpu.memory_space<vmem>>, %arg10: memref<128xi32, #tpu.memory_space<vmem>>, %arg11: memref<128x128xf32, #tpu.memory_space<vmem>>, %arg12: memref<!tpu.dma_semaphore, #tpu.memory_space<semaphore_mem>>, %arg13: memref<!tpu.dma_semaphore, #tpu.memory_space<semaphore_mem>>, %arg14: memref<10112x128xf32, #tpu.memory_space<vmem_shared>>) attributes {dimension_semantics = [#tpu.dimension_semantics<core_parallel>, #tpu.dimension_semantics<subcore_parallel>], iteration_bounds = array<i64: 2, 16>, scalar_prefetch = 0 : i64, scratch_operands = 7 : i64, tpu.core_type = #tpu.core_type<sc_vector_subcore>, window_params = [{transform_indices = #map}, {transform_indices = #map}, {transform_indices = #map1}, {transform_indices = #map1}, {transform_indices = #map}, {transform_indices = #map}]} {
    %mul3A = arith.constant 632 : i32
    %mul3A_0 = arith.muli %arg1, %mul3A : i32
    %eq3A = arith.constant 0 : i32
    %eq3A_1 = arith.cmpi eq, %arg0, %eq3A : i32
    %convert_element_type3A = arith.extui %eq3A_1 : i1 to i32
    %cond3A = arith.constant 0 : i32
    %cond3A_2 = arith.cmpi ne, %convert_element_type3A, %cond3A : i32
    scf.if %cond3A_2 {
      "tpu.region"() ({
        %run_scoped3A = tpu.sem_alloc : memref<!tpu.dma_semaphore, #tpu.memory_space<semaphore_mem>>
        %dma_start3A = arith.constant 0 : i32
        %dma_start3A_18 = tpu.memref_slice %arg14[%mul3A_0, %dma_start3A] : memref<10112x128xf32, #tpu.memory_space<vmem_shared>> -> memref<632x128xf32, #tpu.memory_space<vmem_shared>>
        %dma_start3A_19 = arith.constant 0 : i32
        %dma_start3A_20 = tpu.memref_slice %arg2[%mul3A_0, %dma_start3A_19] : memref<10112x128xf32, #tpu.memory_space<hbm>> -> memref<632x128xf32, #tpu.memory_space<hbm>>
        tpu.enqueue_dma source(%dma_start3A_20 : memref<632x128xf32, #tpu.memory_space<hbm>>) target(%dma_start3A_18 : memref<632x128xf32, #tpu.memory_space<vmem_shared>>) target_semaphore(%run_scoped3A : memref<!tpu.dma_semaphore, #tpu.memory_space<semaphore_mem>>)
        %dma_wait3A = arith.constant 0 : i32
        %dma_wait3A_21 = tpu.memref_slice %arg14[%mul3A_0, %dma_wait3A] : memref<10112x128xf32, #tpu.memory_space<vmem_shared>> -> memref<632x128xf32, #tpu.memory_space<vmem_shared>>
        %dma_wait3A_22 = arith.constant 0 : i32
        %dma_wait3A_23 = tpu.memref_slice %arg2[%mul3A_0, %dma_wait3A_22] : memref<10112x128xf32, #tpu.memory_space<hbm>> -> memref<632x128xf32, #tpu.memory_space<hbm>>
        tpu.wait_dma2 semaphore(%run_scoped3A : memref<!tpu.dma_semaphore, #tpu.memory_space<semaphore_mem>>) src(%dma_wait3A_23 : memref<632x128xf32, #tpu.memory_space<hbm>>) dst(%dma_wait3A_21 : memref<632x128xf32, #tpu.memory_space<vmem_shared>>)
        tpu.yield
      }) : () -> ()
    } else {
    }
    %eq3A_3 = arith.constant 1 : i32
    %eq3A_4 = arith.cmpi eq, %arg0, %eq3A_3 : i32
    %convert_element_type3A_5 = arith.extui %eq3A_4 : i1 to i32
    %cond3A_6 = arith.constant 0 : i32
    %cond3A_7 = arith.cmpi ne, %convert_element_type3A_5, %cond3A_6 : i32
    scf.if %cond3A_7 {
      "tpu.region"() ({
        %run_scoped3A = tpu.sem_alloc : memref<!tpu.dma_semaphore, #tpu.memory_space<semaphore_mem>>
        %dma_start3A = arith.constant 0 : i32
        %dma_start3A_18 = tpu.memref_slice %arg14[%mul3A_0, %dma_start3A] : memref<10112x128xf32, #tpu.memory_space<vmem_shared>> -> memref<632x128xf32, #tpu.memory_space<vmem_shared>>
        %dma_start3A_19 = arith.constant 0 : i32
        %dma_start3A_20 = tpu.memref_slice %arg3[%mul3A_0, %dma_start3A_19] : memref<10112x128xf32, #tpu.memory_space<hbm>> -> memref<632x128xf32, #tpu.memory_space<hbm>>
        tpu.enqueue_dma source(%dma_start3A_20 : memref<632x128xf32, #tpu.memory_space<hbm>>) target(%dma_start3A_18 : memref<632x128xf32, #tpu.memory_space<vmem_shared>>) target_semaphore(%run_scoped3A : memref<!tpu.dma_semaphore, #tpu.memory_space<semaphore_mem>>)
        %dma_wait3A = arith.constant 0 : i32
        %dma_wait3A_21 = tpu.memref_slice %arg14[%mul3A_0, %dma_wait3A] : memref<10112x128xf32, #tpu.memory_space<vmem_shared>> -> memref<632x128xf32, #tpu.memory_space<vmem_shared>>
        %dma_wait3A_22 = arith.constant 0 : i32
        %dma_wait3A_23 = tpu.memref_slice %arg3[%mul3A_0, %dma_wait3A_22] : memref<10112x128xf32, #tpu.memory_space<hbm>> -> memref<632x128xf32, #tpu.memory_space<hbm>>
        tpu.wait_dma2 semaphore(%run_scoped3A : memref<!tpu.dma_semaphore, #tpu.memory_space<semaphore_mem>>) src(%dma_wait3A_23 : memref<632x128xf32, #tpu.memory_space<hbm>>) dst(%dma_wait3A_21 : memref<632x128xf32, #tpu.memory_space<vmem_shared>>)
        tpu.yield
      }) : () -> ()
    } else {
    }
    %barrier3A = arith.constant 0 : index
    tpu.barrier barrier_id(%barrier3A)
    %add3A = arith.constant 0 : i32
    %add3A_8 = arith.addi %add3A, %arg1 : i32
    %lt3A = arith.constant 2500 : i32
    %lt3A_9 = arith.cmpi slt, %add3A_8, %lt3A : i32
    %convert_element_type3A_10 = arith.extui %lt3A_9 : i1 to i32
    %cond3A_11 = arith.constant 0 : i32
    %cond3A_12 = arith.cmpi ne, %convert_element_type3A_10, %cond3A_11 : i32
    scf.if %cond3A_12 {
      %eq3A_18 = arith.constant 0 : i32
      %eq3A_19 = arith.cmpi eq, %arg0, %eq3A_18 : i32
      %convert_element_type3A_20 = arith.extui %eq3A_19 : i1 to i32
      %cond3A_21 = arith.constant 0 : i32
      %cond3A_22 = arith.cmpi ne, %convert_element_type3A_20, %cond3A_21 : i32
      scf.if %cond3A_22 {
        %mul3A_30 = arith.constant 128 : i32
        %mul3A_31 = arith.muli %add3A_8, %mul3A_30 : i32
        "tpu.region"() ({
          %run_scoped3A = tpu.sem_alloc : memref<!tpu.dma_semaphore, #tpu.memory_space<semaphore_mem>>
          %dma_start3A_32 = tpu.memref_slice %arg4[%mul3A_31] : memref<320000xi32, #tpu.memory_space<hbm>> -> memref<128xi32, #tpu.memory_space<hbm>>
          %dma_start3A_33 = tpu.memref_slice %arg4[%mul3A_31] : memref<320000xi32, #tpu.memory_space<hbm>> -> memref<128xi32, #tpu.memory_space<hbm>>
          tpu.enqueue_dma source(%dma_start3A_33 : memref<128xi32, #tpu.memory_space<hbm>>) target(%arg8 : memref<128xi32, #tpu.memory_space<vmem>>) target_semaphore(%run_scoped3A : memref<!tpu.dma_semaphore, #tpu.memory_space<semaphore_mem>>)
          %dma_wait3A = tpu.memref_slice %arg4[%mul3A_31] : memref<320000xi32, #tpu.memory_space<hbm>> -> memref<128xi32, #tpu.memory_space<hbm>>
          %dma_wait3A_34 = tpu.memref_slice %arg4[%mul3A_31] : memref<320000xi32, #tpu.memory_space<hbm>> -> memref<128xi32, #tpu.memory_space<hbm>>
          tpu.wait_dma2 semaphore(%run_scoped3A : memref<!tpu.dma_semaphore, #tpu.memory_space<semaphore_mem>>) src(%dma_wait3A_34 : memref<128xi32, #tpu.memory_space<hbm>>) dst(%arg8 : memref<128xi32, #tpu.memory_space<vmem>>)
          tpu.yield
        }) : () -> ()
      } else {
      }
      %eq3A_23 = arith.constant 1 : i32
      %eq3A_24 = arith.cmpi eq, %arg0, %eq3A_23 : i32
      %convert_element_type3A_25 = arith.extui %eq3A_24 : i1 to i32
      %cond3A_26 = arith.constant 0 : i32
      %cond3A_27 = arith.cmpi ne, %convert_element_type3A_25, %cond3A_26 : i32
      scf.if %cond3A_27 {
        %mul3A_30 = arith.constant 128 : i32
        %mul3A_31 = arith.muli %add3A_8, %mul3A_30 : i32
        "tpu.region"() ({
          %run_scoped3A = tpu.sem_alloc : memref<!tpu.dma_semaphore, #tpu.memory_space<semaphore_mem>>
          %dma_start3A_32 = tpu.memref_slice %arg5[%mul3A_31] : memref<320000xi32, #tpu.memory_space<hbm>> -> memref<128xi32, #tpu.memory_space<hbm>>
          %dma_start3A_33 = tpu.memref_slice %arg5[%mul3A_31] : memref<320000xi32, #tpu.memory_space<hbm>> -> memref<128xi32, #tpu.memory_space<hbm>>
          tpu.enqueue_dma source(%dma_start3A_33 : memref<128xi32, #tpu.memory_space<hbm>>) target(%arg8 : memref<128xi32, #tpu.memory_space<vmem>>) target_semaphore(%run_scoped3A : memref<!tpu.dma_semaphore, #tpu.memory_space<semaphore_mem>>)
          %dma_wait3A = tpu.memref_slice %arg5[%mul3A_31] : memref<320000xi32, #tpu.memory_space<hbm>> -> memref<128xi32, #tpu.memory_space<hbm>>
          %dma_wait3A_34 = tpu.memref_slice %arg5[%mul3A_31] : memref<320000xi32, #tpu.memory_space<hbm>> -> memref<128xi32, #tpu.memory_space<hbm>>
          tpu.wait_dma2 semaphore(%run_scoped3A : memref<!tpu.dma_semaphore, #tpu.memory_space<semaphore_mem>>) src(%dma_wait3A_34 : memref<128xi32, #tpu.memory_space<hbm>>) dst(%arg8 : memref<128xi32, #tpu.memory_space<vmem>>)
          tpu.yield
        }) : () -> ()
      } else {
      }
      %dma_start3A = arith.constant 0 : i32
      %dma_start3A_28 = arith.constant 0 : i32
      %dma_start3A_29 = tpu.memref_slice %arg14[%dma_start3A, %dma_start3A_28] : memref<10112x128xf32, #tpu.memory_space<vmem_shared>> -> memref<10112x128xf32, #tpu.memory_space<vmem_shared>>
      tpu.enqueue_indirect_dma source(%dma_start3A_29 : memref<10112x128xf32, #tpu.memory_space<vmem_shared>>) target(%arg9 : memref<128x128xf32, #tpu.memory_space<vmem>>) offsets(%arg8 : memref<128xi32, #tpu.memory_space<vmem>>) semaphore(%arg12 : memref<!tpu.dma_semaphore, #tpu.memory_space<semaphore_mem>>)
    } else {
    }
    %scan3A = arith.constant 0 : i32
    %scan3A_13 = arith.constant 0 : i32
    %scan3A_14 = arith.constant 79 : i32
    %scan3A_15 = arith.addi %scan3A_13, %scan3A_14 : i32
    %scan3A_16 = arith.constant 1 : i32
    scf.for %scan3A_18 = %scan3A_13 to %scan3A_15 step %scan3A_16  : i32 {
      %mul3A_19 = arith.constant 2 : i32
      %mul3A_20 = arith.muli %scan3A_18, %mul3A_19 : i32
      %add3A_21 = arith.constant 1 : i32
      %add3A_22 = arith.addi %mul3A_20, %add3A_21 : i32
      %mul3A_23 = arith.constant 16 : i32
      %mul3A_24 = arith.muli %add3A_22, %mul3A_23 : i32
      %add3A_25 = arith.addi %mul3A_24, %arg1 : i32
      %lt3A_26 = arith.constant 2500 : i32
      %lt3A_27 = arith.cmpi slt, %add3A_25, %lt3A_26 : i32
      %convert_element_type3A_28 = arith.extui %lt3A_27 : i1 to i32
      %cond3A_29 = arith.constant 0 : i32
      %cond3A_30 = arith.cmpi ne, %convert_element_type3A_28, %cond3A_29 : i32
      scf.if %cond3A_30 {
        %eq3A_59 = arith.constant 0 : i32
        %eq3A_60 = arith.cmpi eq, %arg0, %eq3A_59 : i32
        %convert_element_type3A_61 = arith.extui %eq3A_60 : i1 to i32
        %cond3A_62 = arith.constant 0 : i32
        %cond3A_63 = arith.cmpi ne, %convert_element_type3A_61, %cond3A_62 : i32
        scf.if %cond3A_63 {
          %mul3A_71 = arith.constant 128 : i32
          %mul3A_72 = arith.muli %add3A_25, %mul3A_71 : i32
          "tpu.region"() ({
            %run_scoped3A = tpu.sem_alloc : memref<!tpu.dma_semaphore, #tpu.memory_space<semaphore_mem>>
            %dma_start3A_73 = tpu.memref_slice %arg4[%mul3A_72] : memref<320000xi32, #tpu.memory_space<hbm>> -> memref<128xi32, #tpu.memory_space<hbm>>
            %dma_start3A_74 = tpu.memref_slice %arg4[%mul3A_72] : memref<320000xi32, #tpu.memory_space<hbm>> -> memref<128xi32, #tpu.memory_space<hbm>>
            tpu.enqueue_dma source(%dma_start3A_74 : memref<128xi32, #tpu.memory_space<hbm>>) target(%arg10 : memref<128xi32, #tpu.memory_space<vmem>>) target_semaphore(%run_scoped3A : memref<!tpu.dma_semaphore, #tpu.memory_space<semaphore_mem>>)
            %dma_wait3A = tpu.memref_slice %arg4[%mul3A_72] : memref<320000xi32, #tpu.memory_space<hbm>> -> memref<128xi32, #tpu.memory_space<hbm>>
            %dma_wait3A_75 = tpu.memref_slice %arg4[%mul3A_72] : memref<320000xi32, #tpu.memory_space<hbm>> -> memref<128xi32, #tpu.memory_space<hbm>>
            tpu.wait_dma2 semaphore(%run_scoped3A : memref<!tpu.dma_semaphore, #tpu.memory_space<semaphore_mem>>) src(%dma_wait3A_75 : memref<128xi32, #tpu.memory_space<hbm>>) dst(%arg10 : memref<128xi32, #tpu.memory_space<vmem>>)
            tpu.yield
          }) : () -> ()
        } else {
        }
        %eq3A_64 = arith.constant 1 : i32
        %eq3A_65 = arith.cmpi eq, %arg0, %eq3A_64 : i32
        %convert_element_type3A_66 = arith.extui %eq3A_65 : i1 to i32
        %cond3A_67 = arith.constant 0 : i32
        %cond3A_68 = arith.cmpi ne, %convert_element_type3A_66, %cond3A_67 : i32
        scf.if %cond3A_68 {
          %mul3A_71 = arith.constant 128 : i32
          %mul3A_72 = arith.muli %add3A_25, %mul3A_71 : i32
          "tpu.region"() ({
            %run_scoped3A = tpu.sem_alloc : memref<!tpu.dma_semaphore, #tpu.memory_space<semaphore_mem>>
            %dma_start3A_73 = tpu.memref_slice %arg5[%mul3A_72] : memref<320000xi32, #tpu.memory_space<hbm>> -> memref<128xi32, #tpu.memory_space<hbm>>
            %dma_start3A_74 = tpu.memref_slice %arg5[%mul3A_72] : memref<320000xi32, #tpu.memory_space<hbm>> -> memref<128xi32, #tpu.memory_space<hbm>>
            tpu.enqueue_dma source(%dma_start3A_74 : memref<128xi32, #tpu.memory_space<hbm>>) target(%arg10 : memref<128xi32, #tpu.memory_space<vmem>>) target_semaphore(%run_scoped3A : memref<!tpu.dma_semaphore, #tpu.memory_space<semaphore_mem>>)
            %dma_wait3A = tpu.memref_slice %arg5[%mul3A_72] : memref<320000xi32, #tpu.memory_space<hbm>> -> memref<128xi32, #tpu.memory_space<hbm>>
            %dma_wait3A_75 = tpu.memref_slice %arg5[%mul3A_72] : memref<320000xi32, #tpu.memory_space<hbm>> -> memref<128xi32, #tpu.memory_space<hbm>>
            tpu.wait_dma2 semaphore(%run_scoped3A : memref<!tpu.dma_semaphore, #tpu.memory_space<semaphore_mem>>) src(%dma_wait3A_75 : memref<128xi32, #tpu.memory_space<hbm>>) dst(%arg10 : memref<128xi32, #tpu.memory_space<vmem>>)
            tpu.yield
          }) : () -> ()
        } else {
        }
        %dma_start3A = arith.constant 0 : i32
        %dma_start3A_69 = arith.constant 0 : i32
        %dma_start3A_70 = tpu.memref_slice %arg14[%dma_start3A, %dma_start3A_69] : memref<10112x128xf32, #tpu.memory_space<vmem_shared>> -> memref<10112x128xf32, #tpu.memory_space<vmem_shared>>
        tpu.enqueue_indirect_dma source(%dma_start3A_70 : memref<10112x128xf32, #tpu.memory_space<vmem_shared>>) target(%arg11 : memref<128x128xf32, #tpu.memory_space<vmem>>) offsets(%arg10 : memref<128xi32, #tpu.memory_space<vmem>>) semaphore(%arg13 : memref<!tpu.dma_semaphore, #tpu.memory_space<semaphore_mem>>)
      } else {
      }
      %mul3A_31 = arith.constant 16 : i32
      %mul3A_32 = arith.muli %mul3A_20, %mul3A_31 : i32
      %add3A_33 = arith.addi %mul3A_32, %arg1 : i32
      %lt3A_34 = arith.constant 2500 : i32
      %lt3A_35 = arith.cmpi slt, %add3A_33, %lt3A_34 : i32
      %convert_element_type3A_36 = arith.extui %lt3A_35 : i1 to i32
      %cond3A_37 = arith.constant 0 : i32
      %cond3A_38 = arith.cmpi ne, %convert_element_type3A_36, %cond3A_37 : i32
      scf.if %cond3A_38 {
        %dma_wait3A = arith.constant 0 : i32
        %dma_wait3A_59 = arith.constant 0 : i32
        %dma_wait3A_60 = tpu.memref_slice %arg14[%dma_wait3A, %dma_wait3A_59] : memref<10112x128xf32, #tpu.memory_space<vmem_shared>> -> memref<10112x128xf32, #tpu.memory_space<vmem_shared>>
        tpu.wait_indirect_dma semaphore(%arg12 : memref<!tpu.dma_semaphore, #tpu.memory_space<semaphore_mem>>) src(%dma_wait3A_60 : memref<10112x128xf32, #tpu.memory_space<vmem_shared>>) dst(%arg9 : memref<128x128xf32, #tpu.memory_space<vmem>>)
        %eq3A_61 = arith.constant 0 : i32
        %eq3A_62 = arith.cmpi eq, %arg0, %eq3A_61 : i32
        %convert_element_type3A_63 = arith.extui %eq3A_62 : i1 to i32
        %cond3A_64 = arith.constant 0 : i32
        %cond3A_65 = arith.cmpi ne, %convert_element_type3A_63, %cond3A_64 : i32
        scf.if %cond3A_65 {
          %mul3A_71 = arith.constant 128 : i32
          %mul3A_72 = arith.muli %add3A_33, %mul3A_71 : i32
          "tpu.region"() ({
            %run_scoped3A = tpu.sem_alloc : memref<!tpu.dma_semaphore, #tpu.memory_space<semaphore_mem>>
            %dma_start3A = arith.constant 0 : i32
            %dma_start3A_73 = tpu.memref_slice %arg6[%mul3A_72, %dma_start3A] : memref<320000x128xf32, #tpu.memory_space<hbm>> -> memref<128x128xf32, #tpu.memory_space<hbm>>
            %dma_start3A_74 = arith.constant 0 : i32
            %dma_start3A_75 = tpu.memref_slice %arg6[%mul3A_72, %dma_start3A_74] : memref<320000x128xf32, #tpu.memory_space<hbm>> -> memref<128x128xf32, #tpu.memory_space<hbm>>
            tpu.enqueue_dma source(%arg9 : memref<128x128xf32, #tpu.memory_space<vmem>>) target(%dma_start3A_75 : memref<128x128xf32, #tpu.memory_space<hbm>>) target_semaphore(%run_scoped3A : memref<!tpu.dma_semaphore, #tpu.memory_space<semaphore_mem>>)
            %dma_wait3A_76 = arith.constant 0 : i32
            %dma_wait3A_77 = tpu.memref_slice %arg6[%mul3A_72, %dma_wait3A_76] : memref<320000x128xf32, #tpu.memory_space<hbm>> -> memref<128x128xf32, #tpu.memory_space<hbm>>
            %dma_wait3A_78 = arith.constant 0 : i32
            %dma_wait3A_79 = tpu.memref_slice %arg6[%mul3A_72, %dma_wait3A_78] : memref<320000x128xf32, #tpu.memory_space<hbm>> -> memref<128x128xf32, #tpu.memory_space<hbm>>
            tpu.wait_dma2 semaphore(%run_scoped3A : memref<!tpu.dma_semaphore, #tpu.memory_space<semaphore_mem>>) src(%arg9 : memref<128x128xf32, #tpu.memory_space<vmem>>) dst(%dma_wait3A_79 : memref<128x128xf32, #tpu.memory_space<hbm>>)
            tpu.yield
          }) : () -> ()
        } else {
        }
        %eq3A_66 = arith.constant 1 : i32
        %eq3A_67 = arith.cmpi eq, %arg0, %eq3A_66 : i32
        %convert_element_type3A_68 = arith.extui %eq3A_67 : i1 to i32
        %cond3A_69 = arith.constant 0 : i32
        %cond3A_70 = arith.cmpi ne, %convert_element_type3A_68, %cond3A_69 : i32
        scf.if %cond3A_70 {
          %mul3A_71 = arith.constant 128 : i32
          %mul3A_72 = arith.muli %add3A_33, %mul3A_71 : i32
          "tpu.region"() ({
            %run_scoped3A = tpu.sem_alloc : memref<!tpu.dma_semaphore, #tpu.memory_space<semaphore_mem>>
            %dma_start3A = arith.constant 0 : i32
            %dma_start3A_73 = tpu.memref_slice %arg7[%mul3A_72, %dma_start3A] : memref<320000x128xf32, #tpu.memory_space<hbm>> -> memref<128x128xf32, #tpu.memory_space<hbm>>
            %dma_start3A_74 = arith.constant 0 : i32
            %dma_start3A_75 = tpu.memref_slice %arg7[%mul3A_72, %dma_start3A_74] : memref<320000x128xf32, #tpu.memory_space<hbm>> -> memref<128x128xf32, #tpu.memory_space<hbm>>
            tpu.enqueue_dma source(%arg9 : memref<128x128xf32, #tpu.memory_space<vmem>>) target(%dma_start3A_75 : memref<128x128xf32, #tpu.memory_space<hbm>>) target_semaphore(%run_scoped3A : memref<!tpu.dma_semaphore, #tpu.memory_space<semaphore_mem>>)
            %dma_wait3A_76 = arith.constant 0 : i32
            %dma_wait3A_77 = tpu.memref_slice %arg7[%mul3A_72, %dma_wait3A_76] : memref<320000x128xf32, #tpu.memory_space<hbm>> -> memref<128x128xf32, #tpu.memory_space<hbm>>
            %dma_wait3A_78 = arith.constant 0 : i32
            %dma_wait3A_79 = tpu.memref_slice %arg7[%mul3A_72, %dma_wait3A_78] : memref<320000x128xf32, #tpu.memory_space<hbm>> -> memref<128x128xf32, #tpu.memory_space<hbm>>
            tpu.wait_dma2 semaphore(%run_scoped3A : memref<!tpu.dma_semaphore, #tpu.memory_space<semaphore_mem>>) src(%arg9 : memref<128x128xf32, #tpu.memory_space<vmem>>) dst(%dma_wait3A_79 : memref<128x128xf32, #tpu.memory_space<hbm>>)
            tpu.yield
          }) : () -> ()
        } else {
        }
      } else {
      }
      %add3A_39 = arith.constant 2 : i32
      %add3A_40 = arith.addi %mul3A_20, %add3A_39 : i32
      %mul3A_41 = arith.constant 16 : i32
      %mul3A_42 = arith.muli %add3A_40, %mul3A_41 : i32
      %add3A_43 = arith.addi %mul3A_42, %arg1 : i32
      %lt3A_44 = arith.constant 2500 : i32
      %lt3A_45 = arith.cmpi slt, %add3A_43, %lt3A_44 : i32
      %convert_element_type3A_46 = arith.extui %lt3A_45 : i1 to i32
      %cond3A_47 = arith.constant 0 : i32
      %cond3A_48 = arith.cmpi ne, %convert_element_type3A_46, %cond3A_47 : i32
      scf.if %cond3A_48 {
        %eq3A_59 = arith.constant 0 : i32
        %eq3A_60 = arith.cmpi eq, %arg0, %eq3A_59 : i32
        %convert_element_type3A_61 = arith.extui %eq3A_60 : i1 to i32
        %cond3A_62 = arith.constant 0 : i32
        %cond3A_63 = arith.cmpi ne, %convert_element_type3A_61, %cond3A_62 : i32
        scf.if %cond3A_63 {
          %mul3A_71 = arith.constant 128 : i32
          %mul3A_72 = arith.muli %add3A_43, %mul3A_71 : i32
          "tpu.region"() ({
            %run_scoped3A = tpu.sem_alloc : memref<!tpu.dma_semaphore, #tpu.memory_space<semaphore_mem>>
            %dma_start3A_73 = tpu.memref_slice %arg4[%mul3A_72] : memref<320000xi32, #tpu.memory_space<hbm>> -> memref<128xi32, #tpu.memory_space<hbm>>
            %dma_start3A_74 = tpu.memref_slice %arg4[%mul3A_72] : memref<320000xi32, #tpu.memory_space<hbm>> -> memref<128xi32, #tpu.memory_space<hbm>>
            tpu.enqueue_dma source(%dma_start3A_74 : memref<128xi32, #tpu.memory_space<hbm>>) target(%arg8 : memref<128xi32, #tpu.memory_space<vmem>>) target_semaphore(%run_scoped3A : memref<!tpu.dma_semaphore, #tpu.memory_space<semaphore_mem>>)
            %dma_wait3A = tpu.memref_slice %arg4[%mul3A_72] : memref<320000xi32, #tpu.memory_space<hbm>> -> memref<128xi32, #tpu.memory_space<hbm>>
            %dma_wait3A_75 = tpu.memref_slice %arg4[%mul3A_72] : memref<320000xi32, #tpu.memory_space<hbm>> -> memref<128xi32, #tpu.memory_space<hbm>>
            tpu.wait_dma2 semaphore(%run_scoped3A : memref<!tpu.dma_semaphore, #tpu.memory_space<semaphore_mem>>) src(%dma_wait3A_75 : memref<128xi32, #tpu.memory_space<hbm>>) dst(%arg8 : memref<128xi32, #tpu.memory_space<vmem>>)
            tpu.yield
          }) : () -> ()
        } else {
        }
        %eq3A_64 = arith.constant 1 : i32
        %eq3A_65 = arith.cmpi eq, %arg0, %eq3A_64 : i32
        %convert_element_type3A_66 = arith.extui %eq3A_65 : i1 to i32
        %cond3A_67 = arith.constant 0 : i32
        %cond3A_68 = arith.cmpi ne, %convert_element_type3A_66, %cond3A_67 : i32
        scf.if %cond3A_68 {
          %mul3A_71 = arith.constant 128 : i32
          %mul3A_72 = arith.muli %add3A_43, %mul3A_71 : i32
          "tpu.region"() ({
            %run_scoped3A = tpu.sem_alloc : memref<!tpu.dma_semaphore, #tpu.memory_space<semaphore_mem>>
            %dma_start3A_73 = tpu.memref_slice %arg5[%mul3A_72] : memref<320000xi32, #tpu.memory_space<hbm>> -> memref<128xi32, #tpu.memory_space<hbm>>
            %dma_start3A_74 = tpu.memref_slice %arg5[%mul3A_72] : memref<320000xi32, #tpu.memory_space<hbm>> -> memref<128xi32, #tpu.memory_space<hbm>>
            tpu.enqueue_dma source(%dma_start3A_74 : memref<128xi32, #tpu.memory_space<hbm>>) target(%arg8 : memref<128xi32, #tpu.memory_space<vmem>>) target_semaphore(%run_scoped3A : memref<!tpu.dma_semaphore, #tpu.memory_space<semaphore_mem>>)
            %dma_wait3A = tpu.memref_slice %arg5[%mul3A_72] : memref<320000xi32, #tpu.memory_space<hbm>> -> memref<128xi32, #tpu.memory_space<hbm>>
            %dma_wait3A_75 = tpu.memref_slice %arg5[%mul3A_72] : memref<320000xi32, #tpu.memory_space<hbm>> -> memref<128xi32, #tpu.memory_space<hbm>>
            tpu.wait_dma2 semaphore(%run_scoped3A : memref<!tpu.dma_semaphore, #tpu.memory_space<semaphore_mem>>) src(%dma_wait3A_75 : memref<128xi32, #tpu.memory_space<hbm>>) dst(%arg8 : memref<128xi32, #tpu.memory_space<vmem>>)
            tpu.yield
          }) : () -> ()
        } else {
        }
        %dma_start3A = arith.constant 0 : i32
        %dma_start3A_69 = arith.constant 0 : i32
        %dma_start3A_70 = tpu.memref_slice %arg14[%dma_start3A, %dma_start3A_69] : memref<10112x128xf32, #tpu.memory_space<vmem_shared>> -> memref<10112x128xf32, #tpu.memory_space<vmem_shared>>
        tpu.enqueue_indirect_dma source(%dma_start3A_70 : memref<10112x128xf32, #tpu.memory_space<vmem_shared>>) target(%arg9 : memref<128x128xf32, #tpu.memory_space<vmem>>) offsets(%arg8 : memref<128xi32, #tpu.memory_space<vmem>>) semaphore(%arg12 : memref<!tpu.dma_semaphore, #tpu.memory_space<semaphore_mem>>)
      } else {
      }
      %add3A_49 = arith.constant 1 : i32
      %add3A_50 = arith.addi %mul3A_20, %add3A_49 : i32
      %mul3A_51 = arith.constant 16 : i32
      %mul3A_52 = arith.muli %add3A_50, %mul3A_51 : i32
      %add3A_53 = arith.addi %mul3A_52, %arg1 : i32
      %lt3A_54 = arith.constant 2500 : i32
      %lt3A_55 = arith.cmpi slt, %add3A_53, %lt3A_54 : i32
      %convert_element_type3A_56 = arith.extui %lt3A_55 : i1 to i32
      %cond3A_57 = arith.constant 0 : i32
      %cond3A_58 = arith.cmpi ne, %convert_element_type3A_56, %cond3A_57 : i32
      scf.if %cond3A_58 {
        %dma_wait3A = arith.constant 0 : i32
        %dma_wait3A_59 = arith.constant 0 : i32
        %dma_wait3A_60 = tpu.memref_slice %arg14[%dma_wait3A, %dma_wait3A_59] : memref<10112x128xf32, #tpu.memory_space<vmem_shared>> -> memref<10112x128xf32, #tpu.memory_space<vmem_shared>>
        tpu.wait_indirect_dma semaphore(%arg13 : memref<!tpu.dma_semaphore, #tpu.memory_space<semaphore_mem>>) src(%dma_wait3A_60 : memref<10112x128xf32, #tpu.memory_space<vmem_shared>>) dst(%arg11 : memref<128x128xf32, #tpu.memory_space<vmem>>)
        %eq3A_61 = arith.constant 0 : i32
        %eq3A_62 = arith.cmpi eq, %arg0, %eq3A_61 : i32
        %convert_element_type3A_63 = arith.extui %eq3A_62 : i1 to i32
        %cond3A_64 = arith.constant 0 : i32
        %cond3A_65 = arith.cmpi ne, %convert_element_type3A_63, %cond3A_64 : i32
        scf.if %cond3A_65 {
          %mul3A_71 = arith.constant 128 : i32
          %mul3A_72 = arith.muli %add3A_53, %mul3A_71 : i32
          "tpu.region"() ({
            %run_scoped3A = tpu.sem_alloc : memref<!tpu.dma_semaphore, #tpu.memory_space<semaphore_mem>>
            %dma_start3A = arith.constant 0 : i32
            %dma_start3A_73 = tpu.memref_slice %arg6[%mul3A_72, %dma_start3A] : memref<320000x128xf32, #tpu.memory_space<hbm>> -> memref<128x128xf32, #tpu.memory_space<hbm>>
            %dma_start3A_74 = arith.constant 0 : i32
            %dma_start3A_75 = tpu.memref_slice %arg6[%mul3A_72, %dma_start3A_74] : memref<320000x128xf32, #tpu.memory_space<hbm>> -> memref<128x128xf32, #tpu.memory_space<hbm>>
            tpu.enqueue_dma source(%arg11 : memref<128x128xf32, #tpu.memory_space<vmem>>) target(%dma_start3A_75 : memref<128x128xf32, #tpu.memory_space<hbm>>) target_semaphore(%run_scoped3A : memref<!tpu.dma_semaphore, #tpu.memory_space<semaphore_mem>>)
            %dma_wait3A_76 = arith.constant 0 : i32
            %dma_wait3A_77 = tpu.memref_slice %arg6[%mul3A_72, %dma_wait3A_76] : memref<320000x128xf32, #tpu.memory_space<hbm>> -> memref<128x128xf32, #tpu.memory_space<hbm>>
            %dma_wait3A_78 = arith.constant 0 : i32
            %dma_wait3A_79 = tpu.memref_slice %arg6[%mul3A_72, %dma_wait3A_78] : memref<320000x128xf32, #tpu.memory_space<hbm>> -> memref<128x128xf32, #tpu.memory_space<hbm>>
            tpu.wait_dma2 semaphore(%run_scoped3A : memref<!tpu.dma_semaphore, #tpu.memory_space<semaphore_mem>>) src(%arg11 : memref<128x128xf32, #tpu.memory_space<vmem>>) dst(%dma_wait3A_79 : memref<128x128xf32, #tpu.memory_space<hbm>>)
            tpu.yield
          }) : () -> ()
        } else {
        }
        %eq3A_66 = arith.constant 1 : i32
        %eq3A_67 = arith.cmpi eq, %arg0, %eq3A_66 : i32
        %convert_element_type3A_68 = arith.extui %eq3A_67 : i1 to i32
        %cond3A_69 = arith.constant 0 : i32
        %cond3A_70 = arith.cmpi ne, %convert_element_type3A_68, %cond3A_69 : i32
        scf.if %cond3A_70 {
          %mul3A_71 = arith.constant 128 : i32
          %mul3A_72 = arith.muli %add3A_53, %mul3A_71 : i32
          "tpu.region"() ({
            %run_scoped3A = tpu.sem_alloc : memref<!tpu.dma_semaphore, #tpu.memory_space<semaphore_mem>>
            %dma_start3A = arith.constant 0 : i32
            %dma_start3A_73 = tpu.memref_slice %arg7[%mul3A_72, %dma_start3A] : memref<320000x128xf32, #tpu.memory_space<hbm>> -> memref<128x128xf32, #tpu.memory_space<hbm>>
            %dma_start3A_74 = arith.constant 0 : i32
            %dma_start3A_75 = tpu.memref_slice %arg7[%mul3A_72, %dma_start3A_74] : memref<320000x128xf32, #tpu.memory_space<hbm>> -> memref<128x128xf32, #tpu.memory_space<hbm>>
            tpu.enqueue_dma source(%arg11 : memref<128x128xf32, #tpu.memory_space<vmem>>) target(%dma_start3A_75 : memref<128x128xf32, #tpu.memory_space<hbm>>) target_semaphore(%run_scoped3A : memref<!tpu.dma_semaphore, #tpu.memory_space<semaphore_mem>>)
            %dma_wait3A_76 = arith.constant 0 : i32
            %dma_wait3A_77 = tpu.memref_slice %arg7[%mul3A_72, %dma_wait3A_76] : memref<320000x128xf32, #tpu.memory_space<hbm>> -> memref<128x128xf32, #tpu.memory_space<hbm>>
            %dma_wait3A_78 = arith.constant 0 : i32
            %dma_wait3A_79 = tpu.memref_slice %arg7[%mul3A_72, %dma_wait3A_78] : memref<320000x128xf32, #tpu.memory_space<hbm>> -> memref<128x128xf32, #tpu.memory_space<hbm>>
            tpu.wait_dma2 semaphore(%run_scoped3A : memref<!tpu.dma_semaphore, #tpu.memory_space<semaphore_mem>>) src(%arg11 : memref<128x128xf32, #tpu.memory_space<vmem>>) dst(%dma_wait3A_79 : memref<128x128xf32, #tpu.memory_space<hbm>>)
            tpu.yield
          }) : () -> ()
        } else {
        }
      } else {
      }
    }
    %scan3A_17 = arith.constant 79 : i32
    return
  }
}

#map = affine_map<(d0, d1) -> (0, 0)>
#map1 = affine_map<(d0, d1) -> (0)>
module attributes {stable_mosaic.version = 14 : i64} {
  func.func @_sc_scatter_body(%arg0: i32, %arg1: i32, %arg2: memref<320000x128xf32, #tpu.memory_space<hbm>>, %arg3: memref<320000xi32, #tpu.memory_space<hbm>>, %arg4: memref<10112x128xf32, #tpu.memory_space<hbm>>, %arg5: memref<10112x128xf32, #tpu.memory_space<hbm>>, %arg6: memref<10112x128xf32, #tpu.memory_space<hbm>>, %arg7: memref<128xi32, #tpu.memory_space<vmem>>, %arg8: memref<128x128xf32, #tpu.memory_space<vmem>>, %arg9: memref<128xi32, #tpu.memory_space<vmem>>, %arg10: memref<128x128xf32, #tpu.memory_space<vmem>>, %arg11: memref<!tpu.dma_semaphore, #tpu.memory_space<semaphore_mem>>, %arg12: memref<!tpu.dma_semaphore, #tpu.memory_space<semaphore_mem>>, %arg13: memref<!tpu.dma_semaphore, #tpu.memory_space<semaphore_mem>>, %arg14: memref<!tpu.dma_semaphore, #tpu.memory_space<semaphore_mem>>, %arg15: memref<10112x128xf32, #tpu.memory_space<vmem_shared>>) attributes {dimension_semantics = [#tpu.dimension_semantics<core_parallel>, #tpu.dimension_semantics<subcore_parallel>], iteration_bounds = array<i64: 2, 16>, scalar_prefetch = 0 : i64, scratch_operands = 9 : i64, tpu.core_type = #tpu.core_type<sc_vector_subcore>, window_params = [{transform_indices = #map}, {transform_indices = #map1}, {transform_indices = #map}, {transform_indices = #map}, {transform_indices = #map}]} {
    %mul3A = arith.constant 632 : i32
    %mul3A_0 = arith.muli %arg1, %mul3A : i32
    "tpu.region"() ({
      %run_scoped3A = tpu.sem_alloc : memref<!tpu.dma_semaphore, #tpu.memory_space<semaphore_mem>>
      %dma_start3A = arith.constant 0 : i32
      %dma_start3A_19 = tpu.memref_slice %arg15[%mul3A_0, %dma_start3A] : memref<10112x128xf32, #tpu.memory_space<vmem_shared>> -> memref<632x128xf32, #tpu.memory_space<vmem_shared>>
      %dma_start3A_20 = arith.constant 0 : i32
      %dma_start3A_21 = tpu.memref_slice %arg4[%mul3A_0, %dma_start3A_20] : memref<10112x128xf32, #tpu.memory_space<hbm>> -> memref<632x128xf32, #tpu.memory_space<hbm>>
      tpu.enqueue_dma source(%dma_start3A_21 : memref<632x128xf32, #tpu.memory_space<hbm>>) target(%dma_start3A_19 : memref<632x128xf32, #tpu.memory_space<vmem_shared>>) target_semaphore(%run_scoped3A : memref<!tpu.dma_semaphore, #tpu.memory_space<semaphore_mem>>)
      %dma_wait3A = arith.constant 0 : i32
      %dma_wait3A_22 = tpu.memref_slice %arg15[%mul3A_0, %dma_wait3A] : memref<10112x128xf32, #tpu.memory_space<vmem_shared>> -> memref<632x128xf32, #tpu.memory_space<vmem_shared>>
      %dma_wait3A_23 = arith.constant 0 : i32
      %dma_wait3A_24 = tpu.memref_slice %arg4[%mul3A_0, %dma_wait3A_23] : memref<10112x128xf32, #tpu.memory_space<hbm>> -> memref<632x128xf32, #tpu.memory_space<hbm>>
      tpu.wait_dma2 semaphore(%run_scoped3A : memref<!tpu.dma_semaphore, #tpu.memory_space<semaphore_mem>>) src(%dma_wait3A_24 : memref<632x128xf32, #tpu.memory_space<hbm>>) dst(%dma_wait3A_22 : memref<632x128xf32, #tpu.memory_space<vmem_shared>>)
      tpu.yield
    }) : () -> ()
    %barrier3A = arith.constant 0 : index
    tpu.barrier barrier_id(%barrier3A)
    %add3A = arith.constant 0 : i32
    %add3A_1 = arith.addi %add3A, %arg1 : i32
    %lt3A = arith.constant 1250 : i32
    %lt3A_2 = arith.cmpi slt, %add3A_1, %lt3A : i32
    %convert_element_type3A = arith.extui %lt3A_2 : i1 to i32
    %cond3A = arith.constant 0 : i32
    %cond3A_3 = arith.cmpi ne, %convert_element_type3A, %cond3A : i32
    scf.if %cond3A_3 {
      %mul3A_19 = arith.constant 1250 : i32
      %mul3A_20 = arith.muli %arg0, %mul3A_19 : i32
      %add3A_21 = arith.addi %mul3A_20, %add3A_1 : i32
      %mul3A_22 = arith.constant 128 : i32
      %mul3A_23 = arith.muli %add3A_21, %mul3A_22 : i32
      %dma_start3A = arith.constant 0 : i32
      %dma_start3A_24 = tpu.memref_slice %arg2[%mul3A_23, %dma_start3A] : memref<320000x128xf32, #tpu.memory_space<hbm>> -> memref<128x128xf32, #tpu.memory_space<hbm>>
      %dma_start3A_25 = arith.constant 0 : i32
      %dma_start3A_26 = tpu.memref_slice %arg2[%mul3A_23, %dma_start3A_25] : memref<320000x128xf32, #tpu.memory_space<hbm>> -> memref<128x128xf32, #tpu.memory_space<hbm>>
      tpu.enqueue_dma source(%dma_start3A_26 : memref<128x128xf32, #tpu.memory_space<hbm>>) target(%arg8 : memref<128x128xf32, #tpu.memory_space<vmem>>) target_semaphore(%arg12 : memref<!tpu.dma_semaphore, #tpu.memory_space<semaphore_mem>>)
      %mul3A_27 = arith.constant 128 : i32
      %mul3A_28 = arith.muli %add3A_21, %mul3A_27 : i32
      %dma_start3A_29 = tpu.memref_slice %arg3[%mul3A_28] : memref<320000xi32, #tpu.memory_space<hbm>> -> memref<128xi32, #tpu.memory_space<hbm>>
      %dma_start3A_30 = tpu.memref_slice %arg3[%mul3A_28] : memref<320000xi32, #tpu.memory_space<hbm>> -> memref<128xi32, #tpu.memory_space<hbm>>
      tpu.enqueue_dma source(%dma_start3A_30 : memref<128xi32, #tpu.memory_space<hbm>>) target(%arg7 : memref<128xi32, #tpu.memory_space<vmem>>) target_semaphore(%arg11 : memref<!tpu.dma_semaphore, #tpu.memory_space<semaphore_mem>>)
    } else {
    }
    %scan3A = arith.constant 0 : i32
    %scan3A_4 = arith.constant 0 : i32
    %scan3A_5 = arith.constant 40 : i32
    %scan3A_6 = arith.addi %scan3A_4, %scan3A_5 : i32
    %scan3A_7 = arith.constant 1 : i32
    scf.for %scan3A_19 = %scan3A_4 to %scan3A_6 step %scan3A_7  : i32 {
      %mul3A_20 = arith.constant 2 : i32
      %mul3A_21 = arith.muli %scan3A_19, %mul3A_20 : i32
      %add3A_22 = arith.constant 1 : i32
      %add3A_23 = arith.addi %mul3A_21, %add3A_22 : i32
      %mul3A_24 = arith.constant 16 : i32
      %mul3A_25 = arith.muli %add3A_23, %mul3A_24 : i32
      %add3A_26 = arith.addi %mul3A_25, %arg1 : i32
      %lt3A_27 = arith.constant 1250 : i32
      %lt3A_28 = arith.cmpi slt, %add3A_26, %lt3A_27 : i32
      %convert_element_type3A_29 = arith.extui %lt3A_28 : i1 to i32
      %cond3A_30 = arith.constant 0 : i32
      %cond3A_31 = arith.cmpi ne, %convert_element_type3A_29, %cond3A_30 : i32
      scf.if %cond3A_31 {
        %mul3A_60 = arith.constant 1250 : i32
        %mul3A_61 = arith.muli %arg0, %mul3A_60 : i32
        %add3A_62 = arith.addi %mul3A_61, %add3A_26 : i32
        %mul3A_63 = arith.constant 128 : i32
        %mul3A_64 = arith.muli %add3A_62, %mul3A_63 : i32
        %dma_start3A = arith.constant 0 : i32
        %dma_start3A_65 = tpu.memref_slice %arg2[%mul3A_64, %dma_start3A] : memref<320000x128xf32, #tpu.memory_space<hbm>> -> memref<128x128xf32, #tpu.memory_space<hbm>>
        %dma_start3A_66 = arith.constant 0 : i32
        %dma_start3A_67 = tpu.memref_slice %arg2[%mul3A_64, %dma_start3A_66] : memref<320000x128xf32, #tpu.memory_space<hbm>> -> memref<128x128xf32, #tpu.memory_space<hbm>>
        tpu.enqueue_dma source(%dma_start3A_67 : memref<128x128xf32, #tpu.memory_space<hbm>>) target(%arg10 : memref<128x128xf32, #tpu.memory_space<vmem>>) target_semaphore(%arg14 : memref<!tpu.dma_semaphore, #tpu.memory_space<semaphore_mem>>)
        %mul3A_68 = arith.constant 128 : i32
        %mul3A_69 = arith.muli %add3A_62, %mul3A_68 : i32
        %dma_start3A_70 = tpu.memref_slice %arg3[%mul3A_69] : memref<320000xi32, #tpu.memory_space<hbm>> -> memref<128xi32, #tpu.memory_space<hbm>>
        %dma_start3A_71 = tpu.memref_slice %arg3[%mul3A_69] : memref<320000xi32, #tpu.memory_space<hbm>> -> memref<128xi32, #tpu.memory_space<hbm>>
        tpu.enqueue_dma source(%dma_start3A_71 : memref<128xi32, #tpu.memory_space<hbm>>) target(%arg9 : memref<128xi32, #tpu.memory_space<vmem>>) target_semaphore(%arg13 : memref<!tpu.dma_semaphore, #tpu.memory_space<semaphore_mem>>)
      } else {
      }
      %mul3A_32 = arith.constant 16 : i32
      %mul3A_33 = arith.muli %mul3A_21, %mul3A_32 : i32
      %add3A_34 = arith.addi %mul3A_33, %arg1 : i32
      %lt3A_35 = arith.constant 1250 : i32
      %lt3A_36 = arith.cmpi slt, %add3A_34, %lt3A_35 : i32
      %convert_element_type3A_37 = arith.extui %lt3A_36 : i1 to i32
      %cond3A_38 = arith.constant 0 : i32
      %cond3A_39 = arith.cmpi ne, %convert_element_type3A_37, %cond3A_38 : i32
      scf.if %cond3A_39 {
        %mul3A_60 = arith.constant 1250 : i32
        %mul3A_61 = arith.muli %arg0, %mul3A_60 : i32
        %add3A_62 = arith.addi %mul3A_61, %add3A_34 : i32
        %mul3A_63 = arith.constant 128 : i32
        %mul3A_64 = arith.muli %add3A_62, %mul3A_63 : i32
        %dma_wait3A = arith.constant 0 : i32
        %dma_wait3A_65 = tpu.memref_slice %arg2[%mul3A_64, %dma_wait3A] : memref<320000x128xf32, #tpu.memory_space<hbm>> -> memref<128x128xf32, #tpu.memory_space<hbm>>
        %dma_wait3A_66 = arith.constant 0 : i32
        %dma_wait3A_67 = tpu.memref_slice %arg2[%mul3A_64, %dma_wait3A_66] : memref<320000x128xf32, #tpu.memory_space<hbm>> -> memref<128x128xf32, #tpu.memory_space<hbm>>
        tpu.wait_dma2 semaphore(%arg12 : memref<!tpu.dma_semaphore, #tpu.memory_space<semaphore_mem>>) src(%dma_wait3A_67 : memref<128x128xf32, #tpu.memory_space<hbm>>) dst(%arg8 : memref<128x128xf32, #tpu.memory_space<vmem>>)
        %mul3A_68 = arith.constant 128 : i32
        %mul3A_69 = arith.muli %add3A_62, %mul3A_68 : i32
        %dma_wait3A_70 = tpu.memref_slice %arg3[%mul3A_69] : memref<320000xi32, #tpu.memory_space<hbm>> -> memref<128xi32, #tpu.memory_space<hbm>>
        %dma_wait3A_71 = tpu.memref_slice %arg3[%mul3A_69] : memref<320000xi32, #tpu.memory_space<hbm>> -> memref<128xi32, #tpu.memory_space<hbm>>
        tpu.wait_dma2 semaphore(%arg11 : memref<!tpu.dma_semaphore, #tpu.memory_space<semaphore_mem>>) src(%dma_wait3A_71 : memref<128xi32, #tpu.memory_space<hbm>>) dst(%arg7 : memref<128xi32, #tpu.memory_space<vmem>>)
        "tpu.region"() ({
          %run_scoped3A = tpu.sem_alloc : memref<!tpu.dma_semaphore, #tpu.memory_space<semaphore_mem>>
          %dma_start3A = arith.constant 0 : i32
          %dma_start3A_72 = arith.constant 0 : i32
          %dma_start3A_73 = tpu.memref_slice %arg15[%dma_start3A, %dma_start3A_72] : memref<10112x128xf32, #tpu.memory_space<vmem_shared>> -> memref<10112x128xf32, #tpu.memory_space<vmem_shared>>
          tpu.enqueue_indirect_dma source(%arg8 : memref<128x128xf32, #tpu.memory_space<vmem>>) target(%dma_start3A_73 : memref<10112x128xf32, #tpu.memory_space<vmem_shared>>) offsets(%arg7 : memref<128xi32, #tpu.memory_space<vmem>>) semaphore(%run_scoped3A : memref<!tpu.dma_semaphore, #tpu.memory_space<semaphore_mem>>) {add = true}
          %dma_wait3A_74 = arith.constant 0 : i32
          %dma_wait3A_75 = arith.constant 0 : i32
          %dma_wait3A_76 = tpu.memref_slice %arg15[%dma_wait3A_74, %dma_wait3A_75] : memref<10112x128xf32, #tpu.memory_space<vmem_shared>> -> memref<10112x128xf32, #tpu.memory_space<vmem_shared>>
          tpu.wait_indirect_dma semaphore(%run_scoped3A : memref<!tpu.dma_semaphore, #tpu.memory_space<semaphore_mem>>) src(%arg8 : memref<128x128xf32, #tpu.memory_space<vmem>>) dst(%dma_wait3A_76 : memref<10112x128xf32, #tpu.memory_space<vmem_shared>>)
          tpu.yield
        }) : () -> ()
      } else {
      }
      %add3A_40 = arith.constant 2 : i32
      %add3A_41 = arith.addi %mul3A_21, %add3A_40 : i32
      %mul3A_42 = arith.constant 16 : i32
      %mul3A_43 = arith.muli %add3A_41, %mul3A_42 : i32
      %add3A_44 = arith.addi %mul3A_43, %arg1 : i32
      %lt3A_45 = arith.constant 1250 : i32
      %lt3A_46 = arith.cmpi slt, %add3A_44, %lt3A_45 : i32
      %convert_element_type3A_47 = arith.extui %lt3A_46 : i1 to i32
      %cond3A_48 = arith.constant 0 : i32
      %cond3A_49 = arith.cmpi ne, %convert_element_type3A_47, %cond3A_48 : i32
      scf.if %cond3A_49 {
        %mul3A_60 = arith.constant 1250 : i32
        %mul3A_61 = arith.muli %arg0, %mul3A_60 : i32
        %add3A_62 = arith.addi %mul3A_61, %add3A_44 : i32
        %mul3A_63 = arith.constant 128 : i32
        %mul3A_64 = arith.muli %add3A_62, %mul3A_63 : i32
        %dma_start3A = arith.constant 0 : i32
        %dma_start3A_65 = tpu.memref_slice %arg2[%mul3A_64, %dma_start3A] : memref<320000x128xf32, #tpu.memory_space<hbm>> -> memref<128x128xf32, #tpu.memory_space<hbm>>
        %dma_start3A_66 = arith.constant 0 : i32
        %dma_start3A_67 = tpu.memref_slice %arg2[%mul3A_64, %dma_start3A_66] : memref<320000x128xf32, #tpu.memory_space<hbm>> -> memref<128x128xf32, #tpu.memory_space<hbm>>
        tpu.enqueue_dma source(%dma_start3A_67 : memref<128x128xf32, #tpu.memory_space<hbm>>) target(%arg8 : memref<128x128xf32, #tpu.memory_space<vmem>>) target_semaphore(%arg12 : memref<!tpu.dma_semaphore, #tpu.memory_space<semaphore_mem>>)
        %mul3A_68 = arith.constant 128 : i32
        %mul3A_69 = arith.muli %add3A_62, %mul3A_68 : i32
        %dma_start3A_70 = tpu.memref_slice %arg3[%mul3A_69] : memref<320000xi32, #tpu.memory_space<hbm>> -> memref<128xi32, #tpu.memory_space<hbm>>
        %dma_start3A_71 = tpu.memref_slice %arg3[%mul3A_69] : memref<320000xi32, #tpu.memory_space<hbm>> -> memref<128xi32, #tpu.memory_space<hbm>>
        tpu.enqueue_dma source(%dma_start3A_71 : memref<128xi32, #tpu.memory_space<hbm>>) target(%arg7 : memref<128xi32, #tpu.memory_space<vmem>>) target_semaphore(%arg11 : memref<!tpu.dma_semaphore, #tpu.memory_space<semaphore_mem>>)
      } else {
      }
      %add3A_50 = arith.constant 1 : i32
      %add3A_51 = arith.addi %mul3A_21, %add3A_50 : i32
      %mul3A_52 = arith.constant 16 : i32
      %mul3A_53 = arith.muli %add3A_51, %mul3A_52 : i32
      %add3A_54 = arith.addi %mul3A_53, %arg1 : i32
      %lt3A_55 = arith.constant 1250 : i32
      %lt3A_56 = arith.cmpi slt, %add3A_54, %lt3A_55 : i32
      %convert_element_type3A_57 = arith.extui %lt3A_56 : i1 to i32
      %cond3A_58 = arith.constant 0 : i32
      %cond3A_59 = arith.cmpi ne, %convert_element_type3A_57, %cond3A_58 : i32
      scf.if %cond3A_59 {
        %mul3A_60 = arith.constant 1250 : i32
        %mul3A_61 = arith.muli %arg0, %mul3A_60 : i32
        %add3A_62 = arith.addi %mul3A_61, %add3A_54 : i32
        %mul3A_63 = arith.constant 128 : i32
        %mul3A_64 = arith.muli %add3A_62, %mul3A_63 : i32
        %dma_wait3A = arith.constant 0 : i32
        %dma_wait3A_65 = tpu.memref_slice %arg2[%mul3A_64, %dma_wait3A] : memref<320000x128xf32, #tpu.memory_space<hbm>> -> memref<128x128xf32, #tpu.memory_space<hbm>>
        %dma_wait3A_66 = arith.constant 0 : i32
        %dma_wait3A_67 = tpu.memref_slice %arg2[%mul3A_64, %dma_wait3A_66] : memref<320000x128xf32, #tpu.memory_space<hbm>> -> memref<128x128xf32, #tpu.memory_space<hbm>>
        tpu.wait_dma2 semaphore(%arg14 : memref<!tpu.dma_semaphore, #tpu.memory_space<semaphore_mem>>) src(%dma_wait3A_67 : memref<128x128xf32, #tpu.memory_space<hbm>>) dst(%arg10 : memref<128x128xf32, #tpu.memory_space<vmem>>)
        %mul3A_68 = arith.constant 128 : i32
        %mul3A_69 = arith.muli %add3A_62, %mul3A_68 : i32
        %dma_wait3A_70 = tpu.memref_slice %arg3[%mul3A_69] : memref<320000xi32, #tpu.memory_space<hbm>> -> memref<128xi32, #tpu.memory_space<hbm>>
        %dma_wait3A_71 = tpu.memref_slice %arg3[%mul3A_69] : memref<320000xi32, #tpu.memory_space<hbm>> -> memref<128xi32, #tpu.memory_space<hbm>>
        tpu.wait_dma2 semaphore(%arg13 : memref<!tpu.dma_semaphore, #tpu.memory_space<semaphore_mem>>) src(%dma_wait3A_71 : memref<128xi32, #tpu.memory_space<hbm>>) dst(%arg9 : memref<128xi32, #tpu.memory_space<vmem>>)
        "tpu.region"() ({
          %run_scoped3A = tpu.sem_alloc : memref<!tpu.dma_semaphore, #tpu.memory_space<semaphore_mem>>
          %dma_start3A = arith.constant 0 : i32
          %dma_start3A_72 = arith.constant 0 : i32
          %dma_start3A_73 = tpu.memref_slice %arg15[%dma_start3A, %dma_start3A_72] : memref<10112x128xf32, #tpu.memory_space<vmem_shared>> -> memref<10112x128xf32, #tpu.memory_space<vmem_shared>>
          tpu.enqueue_indirect_dma source(%arg10 : memref<128x128xf32, #tpu.memory_space<vmem>>) target(%dma_start3A_73 : memref<10112x128xf32, #tpu.memory_space<vmem_shared>>) offsets(%arg9 : memref<128xi32, #tpu.memory_space<vmem>>) semaphore(%run_scoped3A : memref<!tpu.dma_semaphore, #tpu.memory_space<semaphore_mem>>) {add = true}
          %dma_wait3A_74 = arith.constant 0 : i32
          %dma_wait3A_75 = arith.constant 0 : i32
          %dma_wait3A_76 = tpu.memref_slice %arg15[%dma_wait3A_74, %dma_wait3A_75] : memref<10112x128xf32, #tpu.memory_space<vmem_shared>> -> memref<10112x128xf32, #tpu.memory_space<vmem_shared>>
          tpu.wait_indirect_dma semaphore(%run_scoped3A : memref<!tpu.dma_semaphore, #tpu.memory_space<semaphore_mem>>) src(%arg10 : memref<128x128xf32, #tpu.memory_space<vmem>>) dst(%dma_wait3A_76 : memref<10112x128xf32, #tpu.memory_space<vmem_shared>>)
          tpu.yield
        }) : () -> ()
      } else {
      }
    }
    %scan3A_8 = arith.constant 40 : i32
    %barrier3A_9 = arith.constant 0 : index
    tpu.barrier barrier_id(%barrier3A_9)
    %eq3A = arith.constant 0 : i32
    %eq3A_10 = arith.cmpi eq, %arg0, %eq3A : i32
    %convert_element_type3A_11 = arith.extui %eq3A_10 : i1 to i32
    %cond3A_12 = arith.constant 0 : i32
    %cond3A_13 = arith.cmpi ne, %convert_element_type3A_11, %cond3A_12 : i32
    scf.if %cond3A_13 {
      "tpu.region"() ({
        %run_scoped3A = tpu.sem_alloc : memref<!tpu.dma_semaphore, #tpu.memory_space<semaphore_mem>>
        %dma_start3A = arith.constant 0 : i32
        %dma_start3A_19 = tpu.memref_slice %arg5[%mul3A_0, %dma_start3A] : memref<10112x128xf32, #tpu.memory_space<hbm>> -> memref<632x128xf32, #tpu.memory_space<hbm>>
        %dma_start3A_20 = arith.constant 0 : i32
        %dma_start3A_21 = tpu.memref_slice %arg15[%mul3A_0, %dma_start3A_20] : memref<10112x128xf32, #tpu.memory_space<vmem_shared>> -> memref<632x128xf32, #tpu.memory_space<vmem_shared>>
        tpu.enqueue_dma source(%dma_start3A_21 : memref<632x128xf32, #tpu.memory_space<vmem_shared>>) target(%dma_start3A_19 : memref<632x128xf32, #tpu.memory_space<hbm>>) target_semaphore(%run_scoped3A : memref<!tpu.dma_semaphore, #tpu.memory_space<semaphore_mem>>)
        %dma_wait3A = arith.constant 0 : i32
        %dma_wait3A_22 = tpu.memref_slice %arg5[%mul3A_0, %dma_wait3A] : memref<10112x128xf32, #tpu.memory_space<hbm>> -> memref<632x128xf32, #tpu.memory_space<hbm>>
        %dma_wait3A_23 = arith.constant 0 : i32
        %dma_wait3A_24 = tpu.memref_slice %arg15[%mul3A_0, %dma_wait3A_23] : memref<10112x128xf32, #tpu.memory_space<vmem_shared>> -> memref<632x128xf32, #tpu.memory_space<vmem_shared>>
        tpu.wait_dma2 semaphore(%run_scoped3A : memref<!tpu.dma_semaphore, #tpu.memory_space<semaphore_mem>>) src(%dma_wait3A_24 : memref<632x128xf32, #tpu.memory_space<vmem_shared>>) dst(%dma_wait3A_22 : memref<632x128xf32, #tpu.memory_space<hbm>>)
        tpu.yield
      }) : () -> ()
    } else {
    }
    %eq3A_14 = arith.constant 1 : i32
    %eq3A_15 = arith.cmpi eq, %arg0, %eq3A_14 : i32
    %convert_element_type3A_16 = arith.extui %eq3A_15 : i1 to i32
    %cond3A_17 = arith.constant 0 : i32
    %cond3A_18 = arith.cmpi ne, %convert_element_type3A_16, %cond3A_17 : i32
    scf.if %cond3A_18 {
      "tpu.region"() ({
        %run_scoped3A = tpu.sem_alloc : memref<!tpu.dma_semaphore, #tpu.memory_space<semaphore_mem>>
        %dma_start3A = arith.constant 0 : i32
        %dma_start3A_19 = tpu.memref_slice %arg6[%mul3A_0, %dma_start3A] : memref<10112x128xf32, #tpu.memory_space<hbm>> -> memref<632x128xf32, #tpu.memory_space<hbm>>
        %dma_start3A_20 = arith.constant 0 : i32
        %dma_start3A_21 = tpu.memref_slice %arg15[%mul3A_0, %dma_start3A_20] : memref<10112x128xf32, #tpu.memory_space<vmem_shared>> -> memref<632x128xf32, #tpu.memory_space<vmem_shared>>
        tpu.enqueue_dma source(%dma_start3A_21 : memref<632x128xf32, #tpu.memory_space<vmem_shared>>) target(%dma_start3A_19 : memref<632x128xf32, #tpu.memory_space<hbm>>) target_semaphore(%run_scoped3A : memref<!tpu.dma_semaphore, #tpu.memory_space<semaphore_mem>>)
        %dma_wait3A = arith.constant 0 : i32
        %dma_wait3A_22 = tpu.memref_slice %arg6[%mul3A_0, %dma_wait3A] : memref<10112x128xf32, #tpu.memory_space<hbm>> -> memref<632x128xf32, #tpu.memory_space<hbm>>
        %dma_wait3A_23 = arith.constant 0 : i32
        %dma_wait3A_24 = tpu.memref_slice %arg15[%mul3A_0, %dma_wait3A_23] : memref<10112x128xf32, #tpu.memory_space<vmem_shared>> -> memref<632x128xf32, #tpu.memory_space<vmem_shared>>
        tpu.wait_dma2 semaphore(%run_scoped3A : memref<!tpu.dma_semaphore, #tpu.memory_space<semaphore_mem>>) src(%dma_wait3A_24 : memref<632x128xf32, #tpu.memory_space<vmem_shared>>) dst(%dma_wait3A_22 : memref<632x128xf32, #tpu.memory_space<hbm>>)
        tpu.yield
      }) : () -> ()
    } else {
    }
    return
  }
}

#map = affine_map<(d0, d1) -> (0, 0)>
#map1 = affine_map<(d0, d1) -> (0)>
module attributes {stable_mosaic.version = 14 : i64} {
  func.func @_sc_scatter_body(%arg0: i32, %arg1: i32, %arg2: memref<320000x128xf32, #tpu.memory_space<hbm>>, %arg3: memref<320000xi32, #tpu.memory_space<hbm>>, %arg4: memref<10112x128xf32, #tpu.memory_space<hbm>>, %arg5: memref<10112x128xf32, #tpu.memory_space<hbm>>, %arg6: memref<10112x128xf32, #tpu.memory_space<hbm>>, %arg7: memref<128xi32, #tpu.memory_space<vmem>>, %arg8: memref<128x128xf32, #tpu.memory_space<vmem>>, %arg9: memref<128xi32, #tpu.memory_space<vmem>>, %arg10: memref<128x128xf32, #tpu.memory_space<vmem>>, %arg11: memref<!tpu.dma_semaphore, #tpu.memory_space<semaphore_mem>>, %arg12: memref<!tpu.dma_semaphore, #tpu.memory_space<semaphore_mem>>, %arg13: memref<!tpu.dma_semaphore, #tpu.memory_space<semaphore_mem>>, %arg14: memref<!tpu.dma_semaphore, #tpu.memory_space<semaphore_mem>>, %arg15: memref<10112x128xf32, #tpu.memory_space<vmem_shared>>) attributes {dimension_semantics = [#tpu.dimension_semantics<core_parallel>, #tpu.dimension_semantics<subcore_parallel>], iteration_bounds = array<i64: 2, 16>, scalar_prefetch = 0 : i64, scratch_operands = 9 : i64, tpu.core_type = #tpu.core_type<sc_vector_subcore>, window_params = [{transform_indices = #map}, {transform_indices = #map1}, {transform_indices = #map}, {transform_indices = #map}, {transform_indices = #map}]} {
    %mul3A = arith.constant 632 : i32
    %mul3A_0 = arith.muli %arg1, %mul3A : i32
    "tpu.region"() ({
      %run_scoped3A = tpu.sem_alloc : memref<!tpu.dma_semaphore, #tpu.memory_space<semaphore_mem>>
      %dma_start3A = arith.constant 0 : i32
      %dma_start3A_19 = tpu.memref_slice %arg15[%mul3A_0, %dma_start3A] : memref<10112x128xf32, #tpu.memory_space<vmem_shared>> -> memref<632x128xf32, #tpu.memory_space<vmem_shared>>
      %dma_start3A_20 = arith.constant 0 : i32
      %dma_start3A_21 = tpu.memref_slice %arg4[%mul3A_0, %dma_start3A_20] : memref<10112x128xf32, #tpu.memory_space<hbm>> -> memref<632x128xf32, #tpu.memory_space<hbm>>
      tpu.enqueue_dma source(%dma_start3A_21 : memref<632x128xf32, #tpu.memory_space<hbm>>) target(%dma_start3A_19 : memref<632x128xf32, #tpu.memory_space<vmem_shared>>) target_semaphore(%run_scoped3A : memref<!tpu.dma_semaphore, #tpu.memory_space<semaphore_mem>>)
      %dma_wait3A = arith.constant 0 : i32
      %dma_wait3A_22 = tpu.memref_slice %arg15[%mul3A_0, %dma_wait3A] : memref<10112x128xf32, #tpu.memory_space<vmem_shared>> -> memref<632x128xf32, #tpu.memory_space<vmem_shared>>
      %dma_wait3A_23 = arith.constant 0 : i32
      %dma_wait3A_24 = tpu.memref_slice %arg4[%mul3A_0, %dma_wait3A_23] : memref<10112x128xf32, #tpu.memory_space<hbm>> -> memref<632x128xf32, #tpu.memory_space<hbm>>
      tpu.wait_dma2 semaphore(%run_scoped3A : memref<!tpu.dma_semaphore, #tpu.memory_space<semaphore_mem>>) src(%dma_wait3A_24 : memref<632x128xf32, #tpu.memory_space<hbm>>) dst(%dma_wait3A_22 : memref<632x128xf32, #tpu.memory_space<vmem_shared>>)
      tpu.yield
    }) : () -> ()
    %barrier3A = arith.constant 0 : index
    tpu.barrier barrier_id(%barrier3A)
    %add3A = arith.constant 0 : i32
    %add3A_1 = arith.addi %add3A, %arg1 : i32
    %lt3A = arith.constant 1250 : i32
    %lt3A_2 = arith.cmpi slt, %add3A_1, %lt3A : i32
    %convert_element_type3A = arith.extui %lt3A_2 : i1 to i32
    %cond3A = arith.constant 0 : i32
    %cond3A_3 = arith.cmpi ne, %convert_element_type3A, %cond3A : i32
    scf.if %cond3A_3 {
      %mul3A_19 = arith.constant 1250 : i32
      %mul3A_20 = arith.muli %arg0, %mul3A_19 : i32
      %add3A_21 = arith.addi %mul3A_20, %add3A_1 : i32
      %mul3A_22 = arith.constant 128 : i32
      %mul3A_23 = arith.muli %add3A_21, %mul3A_22 : i32
      %dma_start3A = arith.constant 0 : i32
      %dma_start3A_24 = tpu.memref_slice %arg2[%mul3A_23, %dma_start3A] : memref<320000x128xf32, #tpu.memory_space<hbm>> -> memref<128x128xf32, #tpu.memory_space<hbm>>
      %dma_start3A_25 = arith.constant 0 : i32
      %dma_start3A_26 = tpu.memref_slice %arg2[%mul3A_23, %dma_start3A_25] : memref<320000x128xf32, #tpu.memory_space<hbm>> -> memref<128x128xf32, #tpu.memory_space<hbm>>
      tpu.enqueue_dma source(%dma_start3A_26 : memref<128x128xf32, #tpu.memory_space<hbm>>) target(%arg8 : memref<128x128xf32, #tpu.memory_space<vmem>>) target_semaphore(%arg12 : memref<!tpu.dma_semaphore, #tpu.memory_space<semaphore_mem>>)
      %mul3A_27 = arith.constant 128 : i32
      %mul3A_28 = arith.muli %add3A_21, %mul3A_27 : i32
      %dma_start3A_29 = tpu.memref_slice %arg3[%mul3A_28] : memref<320000xi32, #tpu.memory_space<hbm>> -> memref<128xi32, #tpu.memory_space<hbm>>
      %dma_start3A_30 = tpu.memref_slice %arg3[%mul3A_28] : memref<320000xi32, #tpu.memory_space<hbm>> -> memref<128xi32, #tpu.memory_space<hbm>>
      tpu.enqueue_dma source(%dma_start3A_30 : memref<128xi32, #tpu.memory_space<hbm>>) target(%arg7 : memref<128xi32, #tpu.memory_space<vmem>>) target_semaphore(%arg11 : memref<!tpu.dma_semaphore, #tpu.memory_space<semaphore_mem>>)
    } else {
    }
    %scan3A = arith.constant 0 : i32
    %scan3A_4 = arith.constant 0 : i32
    %scan3A_5 = arith.constant 40 : i32
    %scan3A_6 = arith.addi %scan3A_4, %scan3A_5 : i32
    %scan3A_7 = arith.constant 1 : i32
    scf.for %scan3A_19 = %scan3A_4 to %scan3A_6 step %scan3A_7  : i32 {
      %mul3A_20 = arith.constant 2 : i32
      %mul3A_21 = arith.muli %scan3A_19, %mul3A_20 : i32
      %add3A_22 = arith.constant 1 : i32
      %add3A_23 = arith.addi %mul3A_21, %add3A_22 : i32
      %mul3A_24 = arith.constant 16 : i32
      %mul3A_25 = arith.muli %add3A_23, %mul3A_24 : i32
      %add3A_26 = arith.addi %mul3A_25, %arg1 : i32
      %lt3A_27 = arith.constant 1250 : i32
      %lt3A_28 = arith.cmpi slt, %add3A_26, %lt3A_27 : i32
      %convert_element_type3A_29 = arith.extui %lt3A_28 : i1 to i32
      %cond3A_30 = arith.constant 0 : i32
      %cond3A_31 = arith.cmpi ne, %convert_element_type3A_29, %cond3A_30 : i32
      scf.if %cond3A_31 {
        %mul3A_60 = arith.constant 1250 : i32
        %mul3A_61 = arith.muli %arg0, %mul3A_60 : i32
        %add3A_62 = arith.addi %mul3A_61, %add3A_26 : i32
        %mul3A_63 = arith.constant 128 : i32
        %mul3A_64 = arith.muli %add3A_62, %mul3A_63 : i32
        %dma_start3A = arith.constant 0 : i32
        %dma_start3A_65 = tpu.memref_slice %arg2[%mul3A_64, %dma_start3A] : memref<320000x128xf32, #tpu.memory_space<hbm>> -> memref<128x128xf32, #tpu.memory_space<hbm>>
        %dma_start3A_66 = arith.constant 0 : i32
        %dma_start3A_67 = tpu.memref_slice %arg2[%mul3A_64, %dma_start3A_66] : memref<320000x128xf32, #tpu.memory_space<hbm>> -> memref<128x128xf32, #tpu.memory_space<hbm>>
        tpu.enqueue_dma source(%dma_start3A_67 : memref<128x128xf32, #tpu.memory_space<hbm>>) target(%arg10 : memref<128x128xf32, #tpu.memory_space<vmem>>) target_semaphore(%arg14 : memref<!tpu.dma_semaphore, #tpu.memory_space<semaphore_mem>>)
        %mul3A_68 = arith.constant 128 : i32
        %mul3A_69 = arith.muli %add3A_62, %mul3A_68 : i32
        %dma_start3A_70 = tpu.memref_slice %arg3[%mul3A_69] : memref<320000xi32, #tpu.memory_space<hbm>> -> memref<128xi32, #tpu.memory_space<hbm>>
        %dma_start3A_71 = tpu.memref_slice %arg3[%mul3A_69] : memref<320000xi32, #tpu.memory_space<hbm>> -> memref<128xi32, #tpu.memory_space<hbm>>
        tpu.enqueue_dma source(%dma_start3A_71 : memref<128xi32, #tpu.memory_space<hbm>>) target(%arg9 : memref<128xi32, #tpu.memory_space<vmem>>) target_semaphore(%arg13 : memref<!tpu.dma_semaphore, #tpu.memory_space<semaphore_mem>>)
      } else {
      }
      %mul3A_32 = arith.constant 16 : i32
      %mul3A_33 = arith.muli %mul3A_21, %mul3A_32 : i32
      %add3A_34 = arith.addi %mul3A_33, %arg1 : i32
      %lt3A_35 = arith.constant 1250 : i32
      %lt3A_36 = arith.cmpi slt, %add3A_34, %lt3A_35 : i32
      %convert_element_type3A_37 = arith.extui %lt3A_36 : i1 to i32
      %cond3A_38 = arith.constant 0 : i32
      %cond3A_39 = arith.cmpi ne, %convert_element_type3A_37, %cond3A_38 : i32
      scf.if %cond3A_39 {
        %mul3A_60 = arith.constant 1250 : i32
        %mul3A_61 = arith.muli %arg0, %mul3A_60 : i32
        %add3A_62 = arith.addi %mul3A_61, %add3A_34 : i32
        %mul3A_63 = arith.constant 128 : i32
        %mul3A_64 = arith.muli %add3A_62, %mul3A_63 : i32
        %dma_wait3A = arith.constant 0 : i32
        %dma_wait3A_65 = tpu.memref_slice %arg2[%mul3A_64, %dma_wait3A] : memref<320000x128xf32, #tpu.memory_space<hbm>> -> memref<128x128xf32, #tpu.memory_space<hbm>>
        %dma_wait3A_66 = arith.constant 0 : i32
        %dma_wait3A_67 = tpu.memref_slice %arg2[%mul3A_64, %dma_wait3A_66] : memref<320000x128xf32, #tpu.memory_space<hbm>> -> memref<128x128xf32, #tpu.memory_space<hbm>>
        tpu.wait_dma2 semaphore(%arg12 : memref<!tpu.dma_semaphore, #tpu.memory_space<semaphore_mem>>) src(%dma_wait3A_67 : memref<128x128xf32, #tpu.memory_space<hbm>>) dst(%arg8 : memref<128x128xf32, #tpu.memory_space<vmem>>)
        %mul3A_68 = arith.constant 128 : i32
        %mul3A_69 = arith.muli %add3A_62, %mul3A_68 : i32
        %dma_wait3A_70 = tpu.memref_slice %arg3[%mul3A_69] : memref<320000xi32, #tpu.memory_space<hbm>> -> memref<128xi32, #tpu.memory_space<hbm>>
        %dma_wait3A_71 = tpu.memref_slice %arg3[%mul3A_69] : memref<320000xi32, #tpu.memory_space<hbm>> -> memref<128xi32, #tpu.memory_space<hbm>>
        tpu.wait_dma2 semaphore(%arg11 : memref<!tpu.dma_semaphore, #tpu.memory_space<semaphore_mem>>) src(%dma_wait3A_71 : memref<128xi32, #tpu.memory_space<hbm>>) dst(%arg7 : memref<128xi32, #tpu.memory_space<vmem>>)
        "tpu.region"() ({
          %run_scoped3A = tpu.sem_alloc : memref<!tpu.dma_semaphore, #tpu.memory_space<semaphore_mem>>
          %dma_start3A = arith.constant 0 : i32
          %dma_start3A_72 = arith.constant 0 : i32
          %dma_start3A_73 = tpu.memref_slice %arg15[%dma_start3A, %dma_start3A_72] : memref<10112x128xf32, #tpu.memory_space<vmem_shared>> -> memref<10112x128xf32, #tpu.memory_space<vmem_shared>>
          tpu.enqueue_indirect_dma source(%arg8 : memref<128x128xf32, #tpu.memory_space<vmem>>) target(%dma_start3A_73 : memref<10112x128xf32, #tpu.memory_space<vmem_shared>>) offsets(%arg7 : memref<128xi32, #tpu.memory_space<vmem>>) semaphore(%run_scoped3A : memref<!tpu.dma_semaphore, #tpu.memory_space<semaphore_mem>>) {add = true}
          %dma_wait3A_74 = arith.constant 0 : i32
          %dma_wait3A_75 = arith.constant 0 : i32
          %dma_wait3A_76 = tpu.memref_slice %arg15[%dma_wait3A_74, %dma_wait3A_75] : memref<10112x128xf32, #tpu.memory_space<vmem_shared>> -> memref<10112x128xf32, #tpu.memory_space<vmem_shared>>
          tpu.wait_indirect_dma semaphore(%run_scoped3A : memref<!tpu.dma_semaphore, #tpu.memory_space<semaphore_mem>>) src(%arg8 : memref<128x128xf32, #tpu.memory_space<vmem>>) dst(%dma_wait3A_76 : memref<10112x128xf32, #tpu.memory_space<vmem_shared>>)
          tpu.yield
        }) : () -> ()
      } else {
      }
      %add3A_40 = arith.constant 2 : i32
      %add3A_41 = arith.addi %mul3A_21, %add3A_40 : i32
      %mul3A_42 = arith.constant 16 : i32
      %mul3A_43 = arith.muli %add3A_41, %mul3A_42 : i32
      %add3A_44 = arith.addi %mul3A_43, %arg1 : i32
      %lt3A_45 = arith.constant 1250 : i32
      %lt3A_46 = arith.cmpi slt, %add3A_44, %lt3A_45 : i32
      %convert_element_type3A_47 = arith.extui %lt3A_46 : i1 to i32
      %cond3A_48 = arith.constant 0 : i32
      %cond3A_49 = arith.cmpi ne, %convert_element_type3A_47, %cond3A_48 : i32
      scf.if %cond3A_49 {
        %mul3A_60 = arith.constant 1250 : i32
        %mul3A_61 = arith.muli %arg0, %mul3A_60 : i32
        %add3A_62 = arith.addi %mul3A_61, %add3A_44 : i32
        %mul3A_63 = arith.constant 128 : i32
        %mul3A_64 = arith.muli %add3A_62, %mul3A_63 : i32
        %dma_start3A = arith.constant 0 : i32
        %dma_start3A_65 = tpu.memref_slice %arg2[%mul3A_64, %dma_start3A] : memref<320000x128xf32, #tpu.memory_space<hbm>> -> memref<128x128xf32, #tpu.memory_space<hbm>>
        %dma_start3A_66 = arith.constant 0 : i32
        %dma_start3A_67 = tpu.memref_slice %arg2[%mul3A_64, %dma_start3A_66] : memref<320000x128xf32, #tpu.memory_space<hbm>> -> memref<128x128xf32, #tpu.memory_space<hbm>>
        tpu.enqueue_dma source(%dma_start3A_67 : memref<128x128xf32, #tpu.memory_space<hbm>>) target(%arg8 : memref<128x128xf32, #tpu.memory_space<vmem>>) target_semaphore(%arg12 : memref<!tpu.dma_semaphore, #tpu.memory_space<semaphore_mem>>)
        %mul3A_68 = arith.constant 128 : i32
        %mul3A_69 = arith.muli %add3A_62, %mul3A_68 : i32
        %dma_start3A_70 = tpu.memref_slice %arg3[%mul3A_69] : memref<320000xi32, #tpu.memory_space<hbm>> -> memref<128xi32, #tpu.memory_space<hbm>>
        %dma_start3A_71 = tpu.memref_slice %arg3[%mul3A_69] : memref<320000xi32, #tpu.memory_space<hbm>> -> memref<128xi32, #tpu.memory_space<hbm>>
        tpu.enqueue_dma source(%dma_start3A_71 : memref<128xi32, #tpu.memory_space<hbm>>) target(%arg7 : memref<128xi32, #tpu.memory_space<vmem>>) target_semaphore(%arg11 : memref<!tpu.dma_semaphore, #tpu.memory_space<semaphore_mem>>)
      } else {
      }
      %add3A_50 = arith.constant 1 : i32
      %add3A_51 = arith.addi %mul3A_21, %add3A_50 : i32
      %mul3A_52 = arith.constant 16 : i32
      %mul3A_53 = arith.muli %add3A_51, %mul3A_52 : i32
      %add3A_54 = arith.addi %mul3A_53, %arg1 : i32
      %lt3A_55 = arith.constant 1250 : i32
      %lt3A_56 = arith.cmpi slt, %add3A_54, %lt3A_55 : i32
      %convert_element_type3A_57 = arith.extui %lt3A_56 : i1 to i32
      %cond3A_58 = arith.constant 0 : i32
      %cond3A_59 = arith.cmpi ne, %convert_element_type3A_57, %cond3A_58 : i32
      scf.if %cond3A_59 {
        %mul3A_60 = arith.constant 1250 : i32
        %mul3A_61 = arith.muli %arg0, %mul3A_60 : i32
        %add3A_62 = arith.addi %mul3A_61, %add3A_54 : i32
        %mul3A_63 = arith.constant 128 : i32
        %mul3A_64 = arith.muli %add3A_62, %mul3A_63 : i32
        %dma_wait3A = arith.constant 0 : i32
        %dma_wait3A_65 = tpu.memref_slice %arg2[%mul3A_64, %dma_wait3A] : memref<320000x128xf32, #tpu.memory_space<hbm>> -> memref<128x128xf32, #tpu.memory_space<hbm>>
        %dma_wait3A_66 = arith.constant 0 : i32
        %dma_wait3A_67 = tpu.memref_slice %arg2[%mul3A_64, %dma_wait3A_66] : memref<320000x128xf32, #tpu.memory_space<hbm>> -> memref<128x128xf32, #tpu.memory_space<hbm>>
        tpu.wait_dma2 semaphore(%arg14 : memref<!tpu.dma_semaphore, #tpu.memory_space<semaphore_mem>>) src(%dma_wait3A_67 : memref<128x128xf32, #tpu.memory_space<hbm>>) dst(%arg10 : memref<128x128xf32, #tpu.memory_space<vmem>>)
        %mul3A_68 = arith.constant 128 : i32
        %mul3A_69 = arith.muli %add3A_62, %mul3A_68 : i32
        %dma_wait3A_70 = tpu.memref_slice %arg3[%mul3A_69] : memref<320000xi32, #tpu.memory_space<hbm>> -> memref<128xi32, #tpu.memory_space<hbm>>
        %dma_wait3A_71 = tpu.memref_slice %arg3[%mul3A_69] : memref<320000xi32, #tpu.memory_space<hbm>> -> memref<128xi32, #tpu.memory_space<hbm>>
        tpu.wait_dma2 semaphore(%arg13 : memref<!tpu.dma_semaphore, #tpu.memory_space<semaphore_mem>>) src(%dma_wait3A_71 : memref<128xi32, #tpu.memory_space<hbm>>) dst(%arg9 : memref<128xi32, #tpu.memory_space<vmem>>)
        "tpu.region"() ({
          %run_scoped3A = tpu.sem_alloc : memref<!tpu.dma_semaphore, #tpu.memory_space<semaphore_mem>>
          %dma_start3A = arith.constant 0 : i32
          %dma_start3A_72 = arith.constant 0 : i32
          %dma_start3A_73 = tpu.memref_slice %arg15[%dma_start3A, %dma_start3A_72] : memref<10112x128xf32, #tpu.memory_space<vmem_shared>> -> memref<10112x128xf32, #tpu.memory_space<vmem_shared>>
          tpu.enqueue_indirect_dma source(%arg10 : memref<128x128xf32, #tpu.memory_space<vmem>>) target(%dma_start3A_73 : memref<10112x128xf32, #tpu.memory_space<vmem_shared>>) offsets(%arg9 : memref<128xi32, #tpu.memory_space<vmem>>) semaphore(%run_scoped3A : memref<!tpu.dma_semaphore, #tpu.memory_space<semaphore_mem>>) {add = true}
          %dma_wait3A_74 = arith.constant 0 : i32
          %dma_wait3A_75 = arith.constant 0 : i32
          %dma_wait3A_76 = tpu.memref_slice %arg15[%dma_wait3A_74, %dma_wait3A_75] : memref<10112x128xf32, #tpu.memory_space<vmem_shared>> -> memref<10112x128xf32, #tpu.memory_space<vmem_shared>>
          tpu.wait_indirect_dma semaphore(%run_scoped3A : memref<!tpu.dma_semaphore, #tpu.memory_space<semaphore_mem>>) src(%arg10 : memref<128x128xf32, #tpu.memory_space<vmem>>) dst(%dma_wait3A_76 : memref<10112x128xf32, #tpu.memory_space<vmem_shared>>)
          tpu.yield
        }) : () -> ()
      } else {
      }
    }
    %scan3A_8 = arith.constant 40 : i32
    %barrier3A_9 = arith.constant 0 : index
    tpu.barrier barrier_id(%barrier3A_9)
    %eq3A = arith.constant 0 : i32
    %eq3A_10 = arith.cmpi eq, %arg0, %eq3A : i32
    %convert_element_type3A_11 = arith.extui %eq3A_10 : i1 to i32
    %cond3A_12 = arith.constant 0 : i32
    %cond3A_13 = arith.cmpi ne, %convert_element_type3A_11, %cond3A_12 : i32
    scf.if %cond3A_13 {
      "tpu.region"() ({
        %run_scoped3A = tpu.sem_alloc : memref<!tpu.dma_semaphore, #tpu.memory_space<semaphore_mem>>
        %dma_start3A = arith.constant 0 : i32
        %dma_start3A_19 = tpu.memref_slice %arg5[%mul3A_0, %dma_start3A] : memref<10112x128xf32, #tpu.memory_space<hbm>> -> memref<632x128xf32, #tpu.memory_space<hbm>>
        %dma_start3A_20 = arith.constant 0 : i32
        %dma_start3A_21 = tpu.memref_slice %arg15[%mul3A_0, %dma_start3A_20] : memref<10112x128xf32, #tpu.memory_space<vmem_shared>> -> memref<632x128xf32, #tpu.memory_space<vmem_shared>>
        tpu.enqueue_dma source(%dma_start3A_21 : memref<632x128xf32, #tpu.memory_space<vmem_shared>>) target(%dma_start3A_19 : memref<632x128xf32, #tpu.memory_space<hbm>>) target_semaphore(%run_scoped3A : memref<!tpu.dma_semaphore, #tpu.memory_space<semaphore_mem>>)
        %dma_wait3A = arith.constant 0 : i32
        %dma_wait3A_22 = tpu.memref_slice %arg5[%mul3A_0, %dma_wait3A] : memref<10112x128xf32, #tpu.memory_space<hbm>> -> memref<632x128xf32, #tpu.memory_space<hbm>>
        %dma_wait3A_23 = arith.constant 0 : i32
        %dma_wait3A_24 = tpu.memref_slice %arg15[%mul3A_0, %dma_wait3A_23] : memref<10112x128xf32, #tpu.memory_space<vmem_shared>> -> memref<632x128xf32, #tpu.memory_space<vmem_shared>>
        tpu.wait_dma2 semaphore(%run_scoped3A : memref<!tpu.dma_semaphore, #tpu.memory_space<semaphore_mem>>) src(%dma_wait3A_24 : memref<632x128xf32, #tpu.memory_space<vmem_shared>>) dst(%dma_wait3A_22 : memref<632x128xf32, #tpu.memory_space<hbm>>)
        tpu.yield
      }) : () -> ()
    } else {
    }
    %eq3A_14 = arith.constant 1 : i32
    %eq3A_15 = arith.cmpi eq, %arg0, %eq3A_14 : i32
    %convert_element_type3A_16 = arith.extui %eq3A_15 : i1 to i32
    %cond3A_17 = arith.constant 0 : i32
    %cond3A_18 = arith.cmpi ne, %convert_element_type3A_16, %cond3A_17 : i32
    scf.if %cond3A_18 {
      "tpu.region"() ({
        %run_scoped3A = tpu.sem_alloc : memref<!tpu.dma_semaphore, #tpu.memory_space<semaphore_mem>>
        %dma_start3A = arith.constant 0 : i32
        %dma_start3A_19 = tpu.memref_slice %arg6[%mul3A_0, %dma_start3A] : memref<10112x128xf32, #tpu.memory_space<hbm>> -> memref<632x128xf32, #tpu.memory_space<hbm>>
        %dma_start3A_20 = arith.constant 0 : i32
        %dma_start3A_21 = tpu.memref_slice %arg15[%mul3A_0, %dma_start3A_20] : memref<10112x128xf32, #tpu.memory_space<vmem_shared>> -> memref<632x128xf32, #tpu.memory_space<vmem_shared>>
        tpu.enqueue_dma source(%dma_start3A_21 : memref<632x128xf32, #tpu.memory_space<vmem_shared>>) target(%dma_start3A_19 : memref<632x128xf32, #tpu.memory_space<hbm>>) target_semaphore(%run_scoped3A : memref<!tpu.dma_semaphore, #tpu.memory_space<semaphore_mem>>)
        %dma_wait3A = arith.constant 0 : i32
        %dma_wait3A_22 = tpu.memref_slice %arg6[%mul3A_0, %dma_wait3A] : memref<10112x128xf32, #tpu.memory_space<hbm>> -> memref<632x128xf32, #tpu.memory_space<hbm>>
        %dma_wait3A_23 = arith.constant 0 : i32
        %dma_wait3A_24 = tpu.memref_slice %arg15[%mul3A_0, %dma_wait3A_23] : memref<10112x128xf32, #tpu.memory_space<vmem_shared>> -> memref<632x128xf32, #tpu.memory_space<vmem_shared>>
        tpu.wait_dma2 semaphore(%run_scoped3A : memref<!tpu.dma_semaphore, #tpu.memory_space<semaphore_mem>>) src(%dma_wait3A_24 : memref<632x128xf32, #tpu.memory_space<vmem_shared>>) dst(%dma_wait3A_22 : memref<632x128xf32, #tpu.memory_space<hbm>>)
        tpu.yield
      }) : () -> ()
    } else {
    }
    return
  }
}

module attributes {stable_mosaic.version = 14 : i64} {
  func.func @_embed_body(%arg0: memref<10000x1xi32, #tpu.memory_space<vmem>>, %arg1: memref<100x128xf32, #tpu.memory_space<vmem>>, %arg2: memref<128x128xf32, #tpu.memory_space<vmem>>, %arg3: memref<128x128xf32, #tpu.memory_space<vmem>>, %arg4: memref<10000x128xf32, #tpu.memory_space<vmem>>, %arg5: memref<10112x128xf32, #tpu.memory_space<vmem>>, %arg6: memref<10112x128xf32, #tpu.memory_space<vmem>>) attributes {dimension_semantics = [], scalar_prefetch = 0 : i64, scratch_operands = 0 : i64, tpu.core_type = #tpu.core_type<tc>} {
    %get3A = arith.constant 0 : index
    %get3A_0 = arith.constant 0 : index
    %get3A_1 = vector.load %arg0[%get3A, %get3A_0] : memref<10000x1xi32, #tpu.memory_space<vmem>>, vector<10000x1xi32>
    %iota3A = tpu.iota {dimensions = array<i32: 1>} : vector<1x100xi32>
    %eq3A = vector.broadcast %get3A_1 : vector<10000x1xi32> to vector<10000x100xi32>
    %eq3A_2 = vector.broadcast %iota3A : vector<1x100xi32> to vector<10000x100xi32>
    %eq3A_3 = arith.cmpi eq, %eq3A, %eq3A_2 : vector<10000x100xi32>
    %convert_element_type3A = arith.extui %eq3A_3 : vector<10000x100xi1> to vector<10000x100xi32>
    %convert_element_type3A_4 = arith.sitofp %convert_element_type3A : vector<10000x100xi32> to vector<10000x100xf32>
    %get3A_5 = arith.constant 0 : index
    %get3A_6 = arith.constant 0 : index
    %get3A_7 = vector.load %arg1[%get3A_5, %get3A_6] : memref<100x128xf32, #tpu.memory_space<vmem>>, vector<100x128xf32>
    %dot_general3A = arith.constant dense<0.000000e+00> : vector<10000x128xf32>
    %dot_general3A_8 = tpu.matmul %convert_element_type3A_4, %get3A_7, %dot_general3A {dimension_numbers = #tpu.dot_dimension_numbers<[1], [0], [0], [1], [0, 0, 1, 1], [], []>, transpose_lhs_hint = false} : vector<10000x100xf32>, vector<100x128xf32>, vector<10000x128xf32> -> vector<10000x128xf32>
    %swap3A = arith.constant 0 : index
    %swap3A_9 = arith.constant 0 : index
    %swap3A_10 = vector.load %arg4[%swap3A, %swap3A_9] : memref<10000x128xf32, #tpu.memory_space<vmem>>, vector<10000x128xf32>
    tpu.vector_store %arg4[%swap3A, %swap3A_9], %dot_general3A_8 {strides = array<i32>} : memref<10000x128xf32, #tpu.memory_space<vmem>>, vector<10000x128xf32>,
    %get3A_11 = arith.constant 0 : index
    %get3A_12 = arith.constant 0 : index
    %get3A_13 = vector.load %arg2[%get3A_11, %get3A_12] : memref<128x128xf32, #tpu.memory_space<vmem>>, vector<128x128xf32>
    %dot_general3A_14 = arith.constant dense<0.000000e+00> : vector<10000x128xf32>
    %dot_general3A_15 = tpu.matmul %dot_general3A_8, %get3A_13, %dot_general3A_14 {dimension_numbers = #tpu.dot_dimension_numbers<[1], [0], [0], [1], [0, 0, 1, 1], [], []>, transpose_lhs_hint = false} : vector<10000x128xf32>, vector<128x128xf32>, vector<10000x128xf32> -> vector<10000x128xf32>
    %swap3A_16 = arith.constant 0 : index
    %swap3A_17 = arith.constant 0 : index
    %swap3A_18 = vector.load %arg5[%swap3A_16, %swap3A_17] : memref<10112x128xf32, #tpu.memory_space<vmem>>, vector<10000x128xf32>
    tpu.vector_store %arg5[%swap3A_16, %swap3A_17], %dot_general3A_15 {strides = array<i32>} : memref<10112x128xf32, #tpu.memory_space<vmem>>, vector<10000x128xf32>,
    %get3A_19 = arith.constant 0 : index
    %get3A_20 = arith.constant 0 : index
    %get3A_21 = vector.load %arg3[%get3A_19, %get3A_20] : memref<128x128xf32, #tpu.memory_space<vmem>>, vector<128x128xf32>
    %dot_general3A_22 = arith.constant dense<0.000000e+00> : vector<10000x128xf32>
    %dot_general3A_23 = tpu.matmul %dot_general3A_8, %get3A_21, %dot_general3A_22 {dimension_numbers = #tpu.dot_dimension_numbers<[1], [0], [0], [1], [0, 0, 1, 1], [], []>, transpose_lhs_hint = false} : vector<10000x128xf32>, vector<128x128xf32>, vector<10000x128xf32> -> vector<10000x128xf32>
    %swap3A_24 = arith.constant 0 : index
    %swap3A_25 = arith.constant 0 : index
    %swap3A_26 = vector.load %arg6[%swap3A_24, %swap3A_25] : memref<10112x128xf32, #tpu.memory_space<vmem>>, vector<10000x128xf32>
    tpu.vector_store %arg6[%swap3A_24, %swap3A_25], %dot_general3A_23 {strides = array<i32>} : memref<10112x128xf32, #tpu.memory_space<vmem>>, vector<10000x128xf32>,
    return
  }
}

module attributes {stable_mosaic.version = 14 : i64} {
  func.func @_edge_body(%arg0: i32, %arg1: memref<2560x128xf32, #tpu.memory_space<vmem>>, %arg2: memref<2560x128xf32, #tpu.memory_space<vmem>>, %arg3: memref<2560x1xf32, #tpu.memory_space<vmem>>, %arg4: memref<128x128xbf16, #tpu.memory_space<vmem>>, %arg5: memref<128x128xbf16, #tpu.memory_space<vmem>>, %arg6: memref<128x128xbf16, #tpu.memory_space<vmem>>, %arg7: memref<1x128xf32, #tpu.memory_space<vmem>>, %arg8: memref<1x128xf32, #tpu.memory_space<vmem>>, %arg9: memref<1x128xf32, #tpu.memory_space<vmem>>, %arg10: memref<1x128xf32, #tpu.memory_space<vmem>>, %arg11: memref<2560x128xf32, #tpu.memory_space<vmem>>) attributes {dimension_semantics = [#tpu.dimension_semantics<arbitrary>], iteration_bounds = array<i64: 125>, scalar_prefetch = 0 : i64, scratch_operands = 0 : i64, tpu.core_type = #tpu.core_type<tc>, window_params = [{transform_indices = @transform_0, window_bounds = array<i64: 2560, 128>}, {transform_indices = @transform_1, window_bounds = array<i64: 2560, 128>}, {transform_indices = @transform_2, window_bounds = array<i64: 2560, 1>}, {pipeline_mode = #tpu.pipeline_mode<synchronous>, transform_indices = @transform_3, window_bounds = array<i64: 128, 128>}, {pipeline_mode = #tpu.pipeline_mode<synchronous>, transform_indices = @transform_4, window_bounds = array<i64: 128, 128>}, {pipeline_mode = #tpu.pipeline_mode<synchronous>, transform_indices = @transform_5, window_bounds = array<i64: 128, 128>}, {pipeline_mode = #tpu.pipeline_mode<synchronous>, transform_indices = @transform_6, window_bounds = array<i64: 1, 128>}, {pipeline_mode = #tpu.pipeline_mode<synchronous>, transform_indices = @transform_7, window_bounds = array<i64: 1, 128>}, {pipeline_mode = #tpu.pipeline_mode<synchronous>, transform_indices = @transform_8, window_bounds = array<i64: 1, 128>}, {pipeline_mode = #tpu.pipeline_mode<synchronous>, transform_indices = @transform_9, window_bounds = array<i64: 1, 128>}, {transform_indices = @transform_10, window_bounds = array<i64: 2560, 128>}]} {
    %get3A = arith.constant 0 : index
    %get3A_0 = arith.constant 0 : index
    %get3A_1 = vector.load %arg3[%get3A, %get3A_0] : memref<2560x1xf32, #tpu.memory_space<vmem>>, vector<2560x1xf32>
    %min3A = arith.constant 5.000000e+00 : f32
    %min3A_2 = vector.broadcast %min3A : f32 to vector<2560x1xf32>
    %min3A_3 = arith.minimumf %get3A_1, %min3A_2 : vector<2560x1xf32>
    %mul3A = arith.constant 0.628318548 : f32
    %mul3A_4 = vector.broadcast %mul3A : f32 to vector<2560x1xf32>
    %mul3A_5 = arith.mulf %min3A_3, %mul3A_4 : vector<2560x1xf32>
    %cos3A = math.cos %mul3A_5 : vector<2560x1xf32>
    %add3A = arith.constant 1.000000e+00 : f32
    %add3A_6 = vector.broadcast %add3A : f32 to vector<2560x1xf32>
    %add3A_7 = arith.addf %cos3A, %add3A_6 : vector<2560x1xf32>
    %mul3A_8 = arith.constant 5.000000e-01 : f32
    %mul3A_9 = vector.broadcast %mul3A_8 : f32 to vector<2560x1xf32>
    %mul3A_10 = arith.mulf %mul3A_9, %add3A_7 : vector<2560x1xf32>
    %get3A_11 = arith.constant 0 : index
    %get3A_12 = arith.constant 0 : index
    %get3A_13 = vector.load %arg10[%get3A_11, %get3A_12] : memref<1x128xf32, #tpu.memory_space<vmem>>, vector<1x128xf32>
    %neg3A = arith.constant 0.000000e+00 : f32
    %neg3A_14 = vector.broadcast %neg3A : f32 to vector<1x128xf32>
    %neg3A_15 = arith.subf %neg3A_14, %get3A_13 : vector<1x128xf32>
    %neg3A_16 = arith.constant 0.000000e+00 : f32
    %neg3A_17 = vector.broadcast %neg3A_16 : f32 to vector<2560x1xf32>
    %neg3A_18 = arith.subf %neg3A_17, %get3A_1 : vector<2560x1xf32>
    %exp3A = math.exp %neg3A_18 : vector<2560x1xf32>
    %get3A_19 = arith.constant 0 : index
    %get3A_20 = arith.constant 0 : index
    %get3A_21 = vector.load %arg9[%get3A_19, %get3A_20] : memref<1x128xf32, #tpu.memory_space<vmem>>, vector<1x128xf32>
    %sub3A = vector.broadcast %exp3A : vector<2560x1xf32> to vector<2560x128xf32>
    %sub3A_22 = vector.broadcast %get3A_21 : vector<1x128xf32> to vector<2560x128xf32>
    %sub3A_23 = arith.subf %sub3A, %sub3A_22 : vector<2560x128xf32>
    %integer_pow3A = arith.mulf %sub3A_23, %sub3A_23 : vector<2560x128xf32>
    %mul3A_24 = vector.broadcast %neg3A_15 : vector<1x128xf32> to vector<2560x128xf32>
    %mul3A_25 = arith.mulf %mul3A_24, %integer_pow3A : vector<2560x128xf32>
    %exp3A_26 = math.exp %mul3A_25 : vector<2560x128xf32>
    %mul3A_27 = vector.broadcast %mul3A_10 : vector<2560x1xf32> to vector<2560x128xf32>
    %mul3A_28 = arith.mulf %mul3A_27, %exp3A_26 : vector<2560x128xf32>
    %convert_element_type3A = arith.truncf %mul3A_28 : vector<2560x128xf32> to vector<2560x128xbf16>
    %get3A_29 = arith.constant 0 : index
    %get3A_30 = arith.constant 0 : index
    %get3A_31 = vector.load %arg4[%get3A_29, %get3A_30] : memref<128x128xbf16, #tpu.memory_space<vmem>>, vector<128x128xbf16>
    %dot_general3A = arith.constant dense<0.000000e+00> : vector<2560x128xf32>
    %dot_general3A_32 = tpu.matmul %convert_element_type3A, %get3A_31, %dot_general3A {dimension_numbers = #tpu.dot_dimension_numbers<[1], [0], [0], [1], [0, 0, 1, 1], [], []>, transpose_lhs_hint = false} : vector<2560x128xbf16>, vector<128x128xbf16>, vector<2560x128xf32> -> vector<2560x128xf32>
    %tanh3A = math.tanh %dot_general3A_32 : vector<2560x128xf32>
    %get3A_33 = arith.constant 0 : index
    %get3A_34 = arith.constant 0 : index
    %get3A_35 = vector.load %arg1[%get3A_33, %get3A_34] : memref<2560x128xf32, #tpu.memory_space<vmem>>, vector<2560x128xf32>
    %get3A_36 = arith.constant 0 : index
    %get3A_37 = arith.constant 0 : index
    %get3A_38 = vector.load %arg2[%get3A_36, %get3A_37] : memref<2560x128xf32, #tpu.memory_space<vmem>>, vector<2560x128xf32>
    %add3A_39 = arith.addf %get3A_35, %get3A_38 : vector<2560x128xf32>
    %mul3A_40 = arith.mulf %tanh3A, %add3A_39 : vector<2560x128xf32>
    %convert_element_type3A_41 = arith.truncf %mul3A_40 : vector<2560x128xf32> to vector<2560x128xbf16>
    %get3A_42 = arith.constant 0 : index
    %get3A_43 = arith.constant 0 : index
    %get3A_44 = vector.load %arg5[%get3A_42, %get3A_43] : memref<128x128xbf16, #tpu.memory_space<vmem>>, vector<128x128xbf16>
    %dot_general3A_45 = arith.constant dense<0.000000e+00> : vector<2560x128xf32>
    %dot_general3A_46 = tpu.matmul %convert_element_type3A_41, %get3A_44, %dot_general3A_45 {dimension_numbers = #tpu.dot_dimension_numbers<[1], [0], [0], [1], [0, 0, 1, 1], [], []>, transpose_lhs_hint = false} : vector<2560x128xbf16>, vector<128x128xbf16>, vector<2560x128xf32> -> vector<2560x128xf32>
    %get3A_47 = arith.constant 0 : index
    %get3A_48 = arith.constant 0 : index
    %get3A_49 = vector.load %arg7[%get3A_47, %get3A_48] : memref<1x128xf32, #tpu.memory_space<vmem>>, vector<1x128xf32>
    %add3A_50 = vector.broadcast %get3A_49 : vector<1x128xf32> to vector<2560x128xf32>
    %add3A_51 = arith.addf %dot_general3A_46, %add3A_50 : vector<2560x128xf32>
    %gt3A = arith.constant 0.000000e+00 : f32
    %gt3A_52 = vector.broadcast %gt3A : f32 to vector<2560x128xf32>
    %gt3A_53 = arith.cmpf ogt, %add3A_51, %gt3A_52 : vector<2560x128xf32>
    %min3A_54 = arith.constant 0.000000e+00 : f32
    %min3A_55 = vector.broadcast %min3A_54 : f32 to vector<2560x128xf32>
    %min3A_56 = arith.minimumf %add3A_51, %min3A_55 : vector<2560x128xf32>
    %exp3A_57 = math.exp %min3A_56 : vector<2560x128xf32>
    %sub3A_58 = arith.constant 1.000000e+00 : f32
    %sub3A_59 = vector.broadcast %sub3A_58 : f32 to vector<2560x128xf32>
    %sub3A_60 = arith.subf %exp3A_57, %sub3A_59 : vector<2560x128xf32>
    %select_n3A = arith.select %gt3A_53, %add3A_51, %sub3A_60 : vector<2560x128xi1>, vector<2560x128xf32>
    %convert_element_type3A_61 = arith.truncf %select_n3A : vector<2560x128xf32> to vector<2560x128xbf16>
    %get3A_62 = arith.constant 0 : index
    %get3A_63 = arith.constant 0 : index
    %get3A_64 = vector.load %arg6[%get3A_62, %get3A_63] : memref<128x128xbf16, #tpu.memory_space<vmem>>, vector<128x128xbf16>
    %dot_general3A_65 = arith.constant dense<0.000000e+00> : vector<2560x128xf32>
    %dot_general3A_66 = tpu.matmul %convert_element_type3A_61, %get3A_64, %dot_general3A_65 {dimension_numbers = #tpu.dot_dimension_numbers<[1], [0], [0], [1], [0, 0, 1, 1], [], []>, transpose_lhs_hint = false} : vector<2560x128xbf16>, vector<128x128xbf16>, vector<2560x128xf32> -> vector<2560x128xf32>
    %get3A_67 = arith.constant 0 : index
    %get3A_68 = arith.constant 0 : index
    %get3A_69 = vector.load %arg8[%get3A_67, %get3A_68] : memref<1x128xf32, #tpu.memory_space<vmem>>, vector<1x128xf32>
    %add3A_70 = vector.broadcast %get3A_69 : vector<1x128xf32> to vector<2560x128xf32>
    %add3A_71 = arith.addf %dot_general3A_66, %add3A_70 : vector<2560x128xf32>
    %gt3A_72 = arith.constant 0.000000e+00 : f32
    %gt3A_73 = vector.broadcast %gt3A_72 : f32 to vector<2560x128xf32>
    %gt3A_74 = arith.cmpf ogt, %add3A_71, %gt3A_73 : vector<2560x128xf32>
    %min3A_75 = arith.constant 0.000000e+00 : f32
    %min3A_76 = vector.broadcast %min3A_75 : f32 to vector<2560x128xf32>
    %min3A_77 = arith.minimumf %add3A_71, %min3A_76 : vector<2560x128xf32>
    %exp3A_78 = math.exp %min3A_77 : vector<2560x128xf32>
    %sub3A_79 = arith.constant 1.000000e+00 : f32
    %sub3A_80 = vector.broadcast %sub3A_79 : f32 to vector<2560x128xf32>
    %sub3A_81 = arith.subf %exp3A_78, %sub3A_80 : vector<2560x128xf32>
    %select_n3A_82 = arith.select %gt3A_74, %add3A_71, %sub3A_81 : vector<2560x128xi1>, vector<2560x128xf32>
    %swap3A = arith.constant 0 : index
    %swap3A_83 = arith.constant 0 : index
    %swap3A_84 = vector.load %arg11[%swap3A, %swap3A_83] : memref<2560x128xf32, #tpu.memory_space<vmem>>, vector<2560x128xf32>
    tpu.vector_store %arg11[%swap3A, %swap3A_83], %select_n3A_82 {strides = array<i32>} : memref<2560x128xf32, #tpu.memory_space<vmem>>, vector<2560x128xf32>,
    return
  }
  func.func @transform_0(%arg0: i32) -> (i32, i32) {
    %c0_i32 = arith.constant 0 : i32
    %c0_i32_0 = arith.constant 0 : i32
    return %arg0, %c0_i32 : i32, i32
  }
  func.func @transform_1(%arg0: i32) -> (i32, i32) {
    %c0_i32 = arith.constant 0 : i32
    %c0_i32_0 = arith.constant 0 : i32
    return %arg0, %c0_i32 : i32, i32
  }
  func.func @transform_2(%arg0: i32) -> (i32, i32) {
    %c0_i32 = arith.constant 0 : i32
    %c0_i32_0 = arith.constant 0 : i32
    return %arg0, %c0_i32 : i32, i32
  }
  func.func @transform_3(%arg0: i32) -> (i32, i32) {
    %c0_i32 = arith.constant 0 : i32
    %c0_i32_0 = arith.constant 0 : i32
    %c0_i32_1 = arith.constant 0 : i32
    return %c0_i32, %c0_i32_0 : i32, i32
  }
  func.func @transform_4(%arg0: i32) -> (i32, i32) {
    %c0_i32 = arith.constant 0 : i32
    %c0_i32_0 = arith.constant 0 : i32
    %c0_i32_1 = arith.constant 0 : i32
    return %c0_i32, %c0_i32_0 : i32, i32
  }
  func.func @transform_5(%arg0: i32) -> (i32, i32) {
    %c0_i32 = arith.constant 0 : i32
    %c0_i32_0 = arith.constant 0 : i32
    %c0_i32_1 = arith.constant 0 : i32
    return %c0_i32, %c0_i32_0 : i32, i32
  }
  func.func @transform_6(%arg0: i32) -> (i32, i32) {
    %c0_i32 = arith.constant 0 : i32
    %c0_i32_0 = arith.constant 0 : i32
    %c0_i32_1 = arith.constant 0 : i32
    return %c0_i32, %c0_i32_0 : i32, i32
  }
  func.func @transform_7(%arg0: i32) -> (i32, i32) {
    %c0_i32 = arith.constant 0 : i32
    %c0_i32_0 = arith.constant 0 : i32
    %c0_i32_1 = arith.constant 0 : i32
    return %c0_i32, %c0_i32_0 : i32, i32
  }
  func.func @transform_8(%arg0: i32) -> (i32, i32) {
    %c0_i32 = arith.constant 0 : i32
    %c0_i32_0 = arith.constant 0 : i32
    %c0_i32_1 = arith.constant 0 : i32
    return %c0_i32, %c0_i32_0 : i32, i32
  }
  func.func @transform_9(%arg0: i32) -> (i32, i32) {
    %c0_i32 = arith.constant 0 : i32
    %c0_i32_0 = arith.constant 0 : i32
    %c0_i32_1 = arith.constant 0 : i32
    return %c0_i32, %c0_i32_0 : i32, i32
  }
  func.func @transform_10(%arg0: i32) -> (i32, i32) {
    %c0_i32 = arith.constant 0 : i32
    %c0_i32_0 = arith.constant 0 : i32
    return %arg0, %c0_i32 : i32, i32
  }
}

module attributes {stable_mosaic.version = 14 : i64} {
  func.func @_node_body(%arg0: memref<10000x128xf32, #tpu.memory_space<vmem>>, %arg1: memref<10112x128xf32, #tpu.memory_space<vmem>>, %arg2: memref<10112x128xf32, #tpu.memory_space<vmem>>, %arg3: memref<10000x1xi32, #tpu.memory_space<vmem>>, %arg4: memref<1x10000xi32, #tpu.memory_space<vmem>>, %arg5: memref<128x128xf32, #tpu.memory_space<vmem>>, %arg6: memref<128x128xf32, #tpu.memory_space<vmem>>, %arg7: memref<1x128xf32, #tpu.memory_space<vmem>>, %arg8: memref<1x128xf32, #tpu.memory_space<vmem>>, %arg9: memref<1x128xf32, #tpu.memory_space<vmem>>, %arg10: memref<1x128xf32, #tpu.memory_space<vmem>>, %arg11: memref<128x128xf32, #tpu.memory_space<vmem>>, %arg12: memref<128x128xf32, #tpu.memory_space<vmem>>, %arg13: memref<10000x128xf32, #tpu.memory_space<vmem>>, %arg14: memref<10112x128xf32, #tpu.memory_space<vmem>>, %arg15: memref<10112x128xf32, #tpu.memory_space<vmem>>) attributes {dimension_semantics = [], scalar_prefetch = 0 : i64, scratch_operands = 0 : i64, tpu.core_type = #tpu.core_type<tc>} {
    %get3A = arith.constant 0 : index
    %get3A_0 = arith.constant 0 : index
    %get3A_1 = vector.load %arg0[%get3A, %get3A_0] : memref<10000x128xf32, #tpu.memory_space<vmem>>, vector<10000x128xf32>
    %get3A_2 = arith.constant 0 : index
    %get3A_3 = arith.constant 0 : index
    %get3A_4 = vector.load %arg1[%get3A_2, %get3A_3] : memref<10112x128xf32, #tpu.memory_space<vmem>>, vector<10112x128xf32>
    %slice3A = vector.extract_strided_slice %get3A_4 {offsets = [0, 0], sizes = [10000, 128], strides = [1, 1]} : vector<10112x128xf32> to vector<10000x128xf32>
    %get3A_5 = arith.constant 0 : index
    %get3A_6 = arith.constant 0 : index
    %get3A_7 = vector.load %arg2[%get3A_5, %get3A_6] : memref<10112x128xf32, #tpu.memory_space<vmem>>, vector<10112x128xf32>
    %slice3A_8 = vector.extract_strided_slice %get3A_7 {offsets = [0, 0], sizes = [10000, 128], strides = [1, 1]} : vector<10112x128xf32> to vector<10000x128xf32>
    %add3A = arith.addf %slice3A, %slice3A_8 : vector<10000x128xf32>
    %get3A_9 = arith.constant 0 : index
    %get3A_10 = arith.constant 0 : index
    %get3A_11 = vector.load %arg5[%get3A_9, %get3A_10] : memref<128x128xf32, #tpu.memory_space<vmem>>, vector<128x128xf32>
    %dot_general3A = arith.constant dense<0.000000e+00> : vector<10000x128xf32>
    %dot_general3A_12 = tpu.matmul %get3A_1, %get3A_11, %dot_general3A {dimension_numbers = #tpu.dot_dimension_numbers<[1], [0], [0], [1], [0, 0, 1, 1], [], []>, transpose_lhs_hint = false} : vector<10000x128xf32>, vector<128x128xf32>, vector<10000x128xf32> -> vector<10000x128xf32>
    %get3A_13 = arith.constant 0 : index
    %get3A_14 = arith.constant 0 : index
    %get3A_15 = vector.load %arg6[%get3A_13, %get3A_14] : memref<128x128xf32, #tpu.memory_space<vmem>>, vector<128x128xf32>
    %dot_general3A_16 = arith.constant dense<0.000000e+00> : vector<10000x128xf32>
    %dot_general3A_17 = tpu.matmul %add3A, %get3A_15, %dot_general3A_16 {dimension_numbers = #tpu.dot_dimension_numbers<[1], [0], [0], [1], [0, 0, 1, 1], [], []>, transpose_lhs_hint = false} : vector<10000x128xf32>, vector<128x128xf32>, vector<10000x128xf32> -> vector<10000x128xf32>
    %add3A_18 = arith.addf %dot_general3A_12, %dot_general3A_17 : vector<10000x128xf32>
    %get3A_19 = arith.constant 0 : index
    %get3A_20 = arith.constant 0 : index
    %get3A_21 = vector.load %arg7[%get3A_19, %get3A_20] : memref<1x128xf32, #tpu.memory_space<vmem>>, vector<1x128xf32>
    %add3A_22 = vector.broadcast %get3A_21 : vector<1x128xf32> to vector<10000x128xf32>
    %add3A_23 = arith.addf %add3A_18, %add3A_22 : vector<10000x128xf32>
    %gt3A = arith.constant 0.000000e+00 : f32
    %gt3A_24 = vector.broadcast %gt3A : f32 to vector<10000x128xf32>
    %gt3A_25 = arith.cmpf ogt, %add3A_23, %gt3A_24 : vector<10000x128xf32>
    %min3A = arith.constant 0.000000e+00 : f32
    %min3A_26 = vector.broadcast %min3A : f32 to vector<10000x128xf32>
    %min3A_27 = arith.minimumf %add3A_23, %min3A_26 : vector<10000x128xf32>
    %exp3A = math.exp %min3A_27 : vector<10000x128xf32>
    %sub3A = arith.constant 1.000000e+00 : f32
    %sub3A_28 = vector.broadcast %sub3A : f32 to vector<10000x128xf32>
    %sub3A_29 = arith.subf %exp3A, %sub3A_28 : vector<10000x128xf32>
    %select_n3A = arith.select %gt3A_25, %add3A_23, %sub3A_29 : vector<10000x128xi1>, vector<10000x128xf32>
    %iota3A = tpu.iota {dimensions = array<i32: 1>} : vector<1x64xi32>
    %iota3A_30 = tpu.iota {dimensions = array<i32: 0>} : vector<64x1xi32>
    %get3A_31 = arith.constant 0 : index
    %get3A_32 = arith.constant 0 : index
    %get3A_33 = vector.load %arg3[%get3A_31, %get3A_32] : memref<10000x1xi32, #tpu.memory_space<vmem>>, vector<10000x1xi32>
    %eq3A = vector.broadcast %get3A_33 : vector<10000x1xi32> to vector<10000x64xi32>
    %eq3A_34 = vector.broadcast %iota3A : vector<1x64xi32> to vector<10000x64xi32>
    %eq3A_35 = arith.cmpi eq, %eq3A, %eq3A_34 : vector<10000x64xi32>
    %convert_element_type3A = arith.extui %eq3A_35 : vector<10000x64xi1> to vector<10000x64xi32>
    %convert_element_type3A_36 = arith.sitofp %convert_element_type3A : vector<10000x64xi32> to vector<10000x64xf32>
    %get3A_37 = arith.constant 0 : index
    %get3A_38 = arith.constant 0 : index
    %get3A_39 = vector.load %arg4[%get3A_37, %get3A_38] : memref<1x10000xi32, #tpu.memory_space<vmem>>, vector<1x10000xi32>
    %eq3A_40 = vector.broadcast %iota3A_30 : vector<64x1xi32> to vector<64x10000xi32>
    %eq3A_41 = vector.broadcast %get3A_39 : vector<1x10000xi32> to vector<64x10000xi32>
    %eq3A_42 = arith.cmpi eq, %eq3A_40, %eq3A_41 : vector<64x10000xi32>
    %convert_element_type3A_43 = arith.extui %eq3A_42 : vector<64x10000xi1> to vector<64x10000xi32>
    %convert_element_type3A_44 = arith.sitofp %convert_element_type3A_43 : vector<64x10000xi32> to vector<64x10000xf32>
    %reduce_sum3A = arith.constant dense<0.000000e+00> : vector<64xf32>
    %reduce_sum3A_45 = vector.multi_reduction <add>, %convert_element_type3A_44, %reduce_sum3A [1] : vector<64x10000xf32> to vector<64xf32>
    %broadcast_in_dim3A = vector.shape_cast %reduce_sum3A_45 : vector<64xf32> to vector<64x1xf32>
    %max3A = arith.constant 1.000000e+00 : f32
    %max3A_46 = vector.broadcast %max3A : f32 to vector<64x1xf32>
    %max3A_47 = arith.maximumf %broadcast_in_dim3A, %max3A_46 : vector<64x1xf32>
    %dot_general3A_48 = arith.constant dense<0.000000e+00> : vector<64x128xf32>
    %dot_general3A_49 = tpu.matmul %convert_element_type3A_44, %select_n3A, %dot_general3A_48 {dimension_numbers = #tpu.dot_dimension_numbers<[1], [0], [0], [1], [0, 0, 1, 1], [], []>, transpose_lhs_hint = false} : vector<64x10000xf32>, vector<10000x128xf32>, vector<64x128xf32> -> vector<64x128xf32>
    %div3A = vector.broadcast %max3A_47 : vector<64x1xf32> to vector<64x128xf32>
    %div3A_50 = arith.divf %dot_general3A_49, %div3A : vector<64x128xf32>
    %get3A_51 = arith.constant 0 : index
    %get3A_52 = arith.constant 0 : index
    %get3A_53 = vector.load %arg10[%get3A_51, %get3A_52] : memref<1x128xf32, #tpu.memory_space<vmem>>, vector<1x128xf32>
    %mul3A = vector.broadcast %get3A_53 : vector<1x128xf32> to vector<64x128xf32>
    %mul3A_54 = arith.mulf %div3A_50, %mul3A : vector<64x128xf32>
    %dot_general3A_55 = arith.constant dense<0.000000e+00> : vector<10000x128xf32>
    %dot_general3A_56 = tpu.matmul %convert_element_type3A_36, %mul3A_54, %dot_general3A_55 {dimension_numbers = #tpu.dot_dimension_numbers<[1], [0], [0], [1], [0, 0, 1, 1], [], []>, transpose_lhs_hint = false} : vector<10000x64xf32>, vector<64x128xf32>, vector<10000x128xf32> -> vector<10000x128xf32>
    %sub3A_57 = arith.subf %select_n3A, %dot_general3A_56 : vector<10000x128xf32>
    %mul3A_58 = arith.mulf %sub3A_57, %sub3A_57 : vector<10000x128xf32>
    %dot_general3A_59 = arith.constant dense<0.000000e+00> : vector<64x128xf32>
    %dot_general3A_60 = tpu.matmul %convert_element_type3A_44, %mul3A_58, %dot_general3A_59 {dimension_numbers = #tpu.dot_dimension_numbers<[1], [0], [0], [1], [0, 0, 1, 1], [], []>, transpose_lhs_hint = false} : vector<64x10000xf32>, vector<10000x128xf32>, vector<64x128xf32> -> vector<64x128xf32>
    %div3A_61 = vector.broadcast %max3A_47 : vector<64x1xf32> to vector<64x128xf32>
    %div3A_62 = arith.divf %dot_general3A_60, %div3A_61 : vector<64x128xf32>
    %add3A_63 = arith.constant 9.99999974E-6 : f32
    %add3A_64 = vector.broadcast %add3A_63 : f32 to vector<64x128xf32>
    %add3A_65 = arith.addf %div3A_62, %add3A_64 : vector<64x128xf32>
    %rsqrt3A = math.rsqrt %add3A_65 : vector<64x128xf32>
    %dot_general3A_66 = arith.constant dense<0.000000e+00> : vector<10000x128xf32>
    %dot_general3A_67 = tpu.matmul %convert_element_type3A_36, %rsqrt3A, %dot_general3A_66 {dimension_numbers = #tpu.dot_dimension_numbers<[1], [0], [0], [1], [0, 0, 1, 1], [], []>, transpose_lhs_hint = false} : vector<10000x64xf32>, vector<64x128xf32>, vector<10000x128xf32> -> vector<10000x128xf32>
    %get3A_68 = arith.constant 0 : index
    %get3A_69 = arith.constant 0 : index
    %get3A_70 = vector.load %arg8[%get3A_68, %get3A_69] : memref<1x128xf32, #tpu.memory_space<vmem>>, vector<1x128xf32>
    %mul3A_71 = vector.broadcast %get3A_70 : vector<1x128xf32> to vector<10000x128xf32>
    %mul3A_72 = arith.mulf %mul3A_71, %sub3A_57 : vector<10000x128xf32>
    %mul3A_73 = arith.mulf %mul3A_72, %dot_general3A_67 : vector<10000x128xf32>
    %add3A_74 = arith.addf %get3A_1, %mul3A_73 : vector<10000x128xf32>
    %get3A_75 = arith.constant 0 : index
    %get3A_76 = arith.constant 0 : index
    %get3A_77 = vector.load %arg9[%get3A_75, %get3A_76] : memref<1x128xf32, #tpu.memory_space<vmem>>, vector<1x128xf32>
    %add3A_78 = vector.broadcast %get3A_77 : vector<1x128xf32> to vector<10000x128xf32>
    %add3A_79 = arith.addf %add3A_74, %add3A_78 : vector<10000x128xf32>
    %swap3A = arith.constant 0 : index
    %swap3A_80 = arith.constant 0 : index
    %swap3A_81 = vector.load %arg13[%swap3A, %swap3A_80] : memref<10000x128xf32, #tpu.memory_space<vmem>>, vector<10000x128xf32>
    tpu.vector_store %arg13[%swap3A, %swap3A_80], %add3A_79 {strides = array<i32>} : memref<10000x128xf32, #tpu.memory_space<vmem>>, vector<10000x128xf32>,
    %get3A_82 = arith.constant 0 : index
    %get3A_83 = arith.constant 0 : index
    %get3A_84 = vector.load %arg11[%get3A_82, %get3A_83] : memref<128x128xf32, #tpu.memory_space<vmem>>, vector<128x128xf32>
    %dot_general3A_85 = arith.constant dense<0.000000e+00> : vector<10000x128xf32>
    %dot_general3A_86 = tpu.matmul %add3A_79, %get3A_84, %dot_general3A_85 {dimension_numbers = #tpu.dot_dimension_numbers<[1], [0], [0], [1], [0, 0, 1, 1], [], []>, transpose_lhs_hint = false} : vector<10000x128xf32>, vector<128x128xf32>, vector<10000x128xf32> -> vector<10000x128xf32>
    %swap3A_87 = arith.constant 0 : index
    %swap3A_88 = arith.constant 0 : index
    %swap3A_89 = vector.load %arg14[%swap3A_87, %swap3A_88] : memref<10112x128xf32, #tpu.memory_space<vmem>>, vector<10000x128xf32>
    tpu.vector_store %arg14[%swap3A_87, %swap3A_88], %dot_general3A_86 {strides = array<i32>} : memref<10112x128xf32, #tpu.memory_space<vmem>>, vector<10000x128xf32>,
    %get3A_90 = arith.constant 0 : index
    %get3A_91 = arith.constant 0 : index
    %get3A_92 = vector.load %arg12[%get3A_90, %get3A_91] : memref<128x128xf32, #tpu.memory_space<vmem>>, vector<128x128xf32>
    %dot_general3A_93 = arith.constant dense<0.000000e+00> : vector<10000x128xf32>
    %dot_general3A_94 = tpu.matmul %add3A_79, %get3A_92, %dot_general3A_93 {dimension_numbers = #tpu.dot_dimension_numbers<[1], [0], [0], [1], [0, 0, 1, 1], [], []>, transpose_lhs_hint = false} : vector<10000x128xf32>, vector<128x128xf32>, vector<10000x128xf32> -> vector<10000x128xf32>
    %swap3A_95 = arith.constant 0 : index
    %swap3A_96 = arith.constant 0 : index
    %swap3A_97 = vector.load %arg15[%swap3A_95, %swap3A_96] : memref<10112x128xf32, #tpu.memory_space<vmem>>, vector<10000x128xf32>
    tpu.vector_store %arg15[%swap3A_95, %swap3A_96], %dot_general3A_94 {strides = array<i32>} : memref<10112x128xf32, #tpu.memory_space<vmem>>, vector<10000x128xf32>,
    return
  }
}

module attributes {stable_mosaic.version = 14 : i64} {
  func.func @_node_body(%arg0: memref<10000x128xf32, #tpu.memory_space<vmem>>, %arg1: memref<10112x128xf32, #tpu.memory_space<vmem>>, %arg2: memref<10112x128xf32, #tpu.memory_space<vmem>>, %arg3: memref<10000x1xi32, #tpu.memory_space<vmem>>, %arg4: memref<1x10000xi32, #tpu.memory_space<vmem>>, %arg5: memref<128x128xf32, #tpu.memory_space<vmem>>, %arg6: memref<128x128xf32, #tpu.memory_space<vmem>>, %arg7: memref<1x128xf32, #tpu.memory_space<vmem>>, %arg8: memref<1x128xf32, #tpu.memory_space<vmem>>, %arg9: memref<1x128xf32, #tpu.memory_space<vmem>>, %arg10: memref<1x128xf32, #tpu.memory_space<vmem>>, %arg11: memref<10000x128xf32, #tpu.memory_space<vmem>>) attributes {dimension_semantics = [], scalar_prefetch = 0 : i64, scratch_operands = 0 : i64, tpu.core_type = #tpu.core_type<tc>} {
    %get3A = arith.constant 0 : index
    %get3A_0 = arith.constant 0 : index
    %get3A_1 = vector.load %arg0[%get3A, %get3A_0] : memref<10000x128xf32, #tpu.memory_space<vmem>>, vector<10000x128xf32>
    %get3A_2 = arith.constant 0 : index
    %get3A_3 = arith.constant 0 : index
    %get3A_4 = vector.load %arg1[%get3A_2, %get3A_3] : memref<10112x128xf32, #tpu.memory_space<vmem>>, vector<10112x128xf32>
    %slice3A = vector.extract_strided_slice %get3A_4 {offsets = [0, 0], sizes = [10000, 128], strides = [1, 1]} : vector<10112x128xf32> to vector<10000x128xf32>
    %get3A_5 = arith.constant 0 : index
    %get3A_6 = arith.constant 0 : index
    %get3A_7 = vector.load %arg2[%get3A_5, %get3A_6] : memref<10112x128xf32, #tpu.memory_space<vmem>>, vector<10112x128xf32>
    %slice3A_8 = vector.extract_strided_slice %get3A_7 {offsets = [0, 0], sizes = [10000, 128], strides = [1, 1]} : vector<10112x128xf32> to vector<10000x128xf32>
    %add3A = arith.addf %slice3A, %slice3A_8 : vector<10000x128xf32>
    %get3A_9 = arith.constant 0 : index
    %get3A_10 = arith.constant 0 : index
    %get3A_11 = vector.load %arg5[%get3A_9, %get3A_10] : memref<128x128xf32, #tpu.memory_space<vmem>>, vector<128x128xf32>
    %dot_general3A = arith.constant dense<0.000000e+00> : vector<10000x128xf32>
    %dot_general3A_12 = tpu.matmul %get3A_1, %get3A_11, %dot_general3A {dimension_numbers = #tpu.dot_dimension_numbers<[1], [0], [0], [1], [0, 0, 1, 1], [], []>, transpose_lhs_hint = false} : vector<10000x128xf32>, vector<128x128xf32>, vector<10000x128xf32> -> vector<10000x128xf32>
    %get3A_13 = arith.constant 0 : index
    %get3A_14 = arith.constant 0 : index
    %get3A_15 = vector.load %arg6[%get3A_13, %get3A_14] : memref<128x128xf32, #tpu.memory_space<vmem>>, vector<128x128xf32>
    %dot_general3A_16 = arith.constant dense<0.000000e+00> : vector<10000x128xf32>
    %dot_general3A_17 = tpu.matmul %add3A, %get3A_15, %dot_general3A_16 {dimension_numbers = #tpu.dot_dimension_numbers<[1], [0], [0], [1], [0, 0, 1, 1], [], []>, transpose_lhs_hint = false} : vector<10000x128xf32>, vector<128x128xf32>, vector<10000x128xf32> -> vector<10000x128xf32>
    %add3A_18 = arith.addf %dot_general3A_12, %dot_general3A_17 : vector<10000x128xf32>
    %get3A_19 = arith.constant 0 : index
    %get3A_20 = arith.constant 0 : index
    %get3A_21 = vector.load %arg7[%get3A_19, %get3A_20] : memref<1x128xf32, #tpu.memory_space<vmem>>, vector<1x128xf32>
    %add3A_22 = vector.broadcast %get3A_21 : vector<1x128xf32> to vector<10000x128xf32>
    %add3A_23 = arith.addf %add3A_18, %add3A_22 : vector<10000x128xf32>
    %gt3A = arith.constant 0.000000e+00 : f32
    %gt3A_24 = vector.broadcast %gt3A : f32 to vector<10000x128xf32>
    %gt3A_25 = arith.cmpf ogt, %add3A_23, %gt3A_24 : vector<10000x128xf32>
    %min3A = arith.constant 0.000000e+00 : f32
    %min3A_26 = vector.broadcast %min3A : f32 to vector<10000x128xf32>
    %min3A_27 = arith.minimumf %add3A_23, %min3A_26 : vector<10000x128xf32>
    %exp3A = math.exp %min3A_27 : vector<10000x128xf32>
    %sub3A = arith.constant 1.000000e+00 : f32
    %sub3A_28 = vector.broadcast %sub3A : f32 to vector<10000x128xf32>
    %sub3A_29 = arith.subf %exp3A, %sub3A_28 : vector<10000x128xf32>
    %select_n3A = arith.select %gt3A_25, %add3A_23, %sub3A_29 : vector<10000x128xi1>, vector<10000x128xf32>
    %iota3A = tpu.iota {dimensions = array<i32: 1>} : vector<1x64xi32>
    %iota3A_30 = tpu.iota {dimensions = array<i32: 0>} : vector<64x1xi32>
    %get3A_31 = arith.constant 0 : index
    %get3A_32 = arith.constant 0 : index
    %get3A_33 = vector.load %arg3[%get3A_31, %get3A_32] : memref<10000x1xi32, #tpu.memory_space<vmem>>, vector<10000x1xi32>
    %eq3A = vector.broadcast %get3A_33 : vector<10000x1xi32> to vector<10000x64xi32>
    %eq3A_34 = vector.broadcast %iota3A : vector<1x64xi32> to vector<10000x64xi32>
    %eq3A_35 = arith.cmpi eq, %eq3A, %eq3A_34 : vector<10000x64xi32>
    %convert_element_type3A = arith.extui %eq3A_35 : vector<10000x64xi1> to vector<10000x64xi32>
    %convert_element_type3A_36 = arith.sitofp %convert_element_type3A : vector<10000x64xi32> to vector<10000x64xf32>
    %get3A_37 = arith.constant 0 : index
    %get3A_38 = arith.constant 0 : index
    %get3A_39 = vector.load %arg4[%get3A_37, %get3A_38] : memref<1x10000xi32, #tpu.memory_space<vmem>>, vector<1x10000xi32>
    %eq3A_40 = vector.broadcast %iota3A_30 : vector<64x1xi32> to vector<64x10000xi32>
    %eq3A_41 = vector.broadcast %get3A_39 : vector<1x10000xi32> to vector<64x10000xi32>
    %eq3A_42 = arith.cmpi eq, %eq3A_40, %eq3A_41 : vector<64x10000xi32>
    %convert_element_type3A_43 = arith.extui %eq3A_42 : vector<64x10000xi1> to vector<64x10000xi32>
    %convert_element_type3A_44 = arith.sitofp %convert_element_type3A_43 : vector<64x10000xi32> to vector<64x10000xf32>
    %reduce_sum3A = arith.constant dense<0.000000e+00> : vector<64xf32>
    %reduce_sum3A_45 = vector.multi_reduction <add>, %convert_element_type3A_44, %reduce_sum3A [1] : vector<64x10000xf32> to vector<64xf32>
    %broadcast_in_dim3A = vector.shape_cast %reduce_sum3A_45 : vector<64xf32> to vector<64x1xf32>
    %max3A = arith.constant 1.000000e+00 : f32
    %max3A_46 = vector.broadcast %max3A : f32 to vector<64x1xf32>
    %max3A_47 = arith.maximumf %broadcast_in_dim3A, %max3A_46 : vector<64x1xf32>
    %dot_general3A_48 = arith.constant dense<0.000000e+00> : vector<64x128xf32>
    %dot_general3A_49 = tpu.matmul %convert_element_type3A_44, %select_n3A, %dot_general3A_48 {dimension_numbers = #tpu.dot_dimension_numbers<[1], [0], [0], [1], [0, 0, 1, 1], [], []>, transpose_lhs_hint = false} : vector<64x10000xf32>, vector<10000x128xf32>, vector<64x128xf32> -> vector<64x128xf32>
    %div3A = vector.broadcast %max3A_47 : vector<64x1xf32> to vector<64x128xf32>
    %div3A_50 = arith.divf %dot_general3A_49, %div3A : vector<64x128xf32>
    %get3A_51 = arith.constant 0 : index
    %get3A_52 = arith.constant 0 : index
    %get3A_53 = vector.load %arg10[%get3A_51, %get3A_52] : memref<1x128xf32, #tpu.memory_space<vmem>>, vector<1x128xf32>
    %mul3A = vector.broadcast %get3A_53 : vector<1x128xf32> to vector<64x128xf32>
    %mul3A_54 = arith.mulf %div3A_50, %mul3A : vector<64x128xf32>
    %dot_general3A_55 = arith.constant dense<0.000000e+00> : vector<10000x128xf32>
    %dot_general3A_56 = tpu.matmul %convert_element_type3A_36, %mul3A_54, %dot_general3A_55 {dimension_numbers = #tpu.dot_dimension_numbers<[1], [0], [0], [1], [0, 0, 1, 1], [], []>, transpose_lhs_hint = false} : vector<10000x64xf32>, vector<64x128xf32>, vector<10000x128xf32> -> vector<10000x128xf32>
    %sub3A_57 = arith.subf %select_n3A, %dot_general3A_56 : vector<10000x128xf32>
    %mul3A_58 = arith.mulf %sub3A_57, %sub3A_57 : vector<10000x128xf32>
    %dot_general3A_59 = arith.constant dense<0.000000e+00> : vector<64x128xf32>
    %dot_general3A_60 = tpu.matmul %convert_element_type3A_44, %mul3A_58, %dot_general3A_59 {dimension_numbers = #tpu.dot_dimension_numbers<[1], [0], [0], [1], [0, 0, 1, 1], [], []>, transpose_lhs_hint = false} : vector<64x10000xf32>, vector<10000x128xf32>, vector<64x128xf32> -> vector<64x128xf32>
    %div3A_61 = vector.broadcast %max3A_47 : vector<64x1xf32> to vector<64x128xf32>
    %div3A_62 = arith.divf %dot_general3A_60, %div3A_61 : vector<64x128xf32>
    %add3A_63 = arith.constant 9.99999974E-6 : f32
    %add3A_64 = vector.broadcast %add3A_63 : f32 to vector<64x128xf32>
    %add3A_65 = arith.addf %div3A_62, %add3A_64 : vector<64x128xf32>
    %rsqrt3A = math.rsqrt %add3A_65 : vector<64x128xf32>
    %dot_general3A_66 = arith.constant dense<0.000000e+00> : vector<10000x128xf32>
    %dot_general3A_67 = tpu.matmul %convert_element_type3A_36, %rsqrt3A, %dot_general3A_66 {dimension_numbers = #tpu.dot_dimension_numbers<[1], [0], [0], [1], [0, 0, 1, 1], [], []>, transpose_lhs_hint = false} : vector<10000x64xf32>, vector<64x128xf32>, vector<10000x128xf32> -> vector<10000x128xf32>
    %get3A_68 = arith.constant 0 : index
    %get3A_69 = arith.constant 0 : index
    %get3A_70 = vector.load %arg8[%get3A_68, %get3A_69] : memref<1x128xf32, #tpu.memory_space<vmem>>, vector<1x128xf32>
    %mul3A_71 = vector.broadcast %get3A_70 : vector<1x128xf32> to vector<10000x128xf32>
    %mul3A_72 = arith.mulf %mul3A_71, %sub3A_57 : vector<10000x128xf32>
    %mul3A_73 = arith.mulf %mul3A_72, %dot_general3A_67 : vector<10000x128xf32>
    %add3A_74 = arith.addf %get3A_1, %mul3A_73 : vector<10000x128xf32>
    %get3A_75 = arith.constant 0 : index
    %get3A_76 = arith.constant 0 : index
    %get3A_77 = vector.load %arg9[%get3A_75, %get3A_76] : memref<1x128xf32, #tpu.memory_space<vmem>>, vector<1x128xf32>
    %add3A_78 = vector.broadcast %get3A_77 : vector<1x128xf32> to vector<10000x128xf32>
    %add3A_79 = arith.addf %add3A_74, %add3A_78 : vector<10000x128xf32>
    %swap3A = arith.constant 0 : index
    %swap3A_80 = arith.constant 0 : index
    %swap3A_81 = vector.load %arg11[%swap3A, %swap3A_80] : memref<10000x128xf32, #tpu.memory_space<vmem>>, vector<10000x128xf32>
    tpu.vector_store %arg11[%swap3A, %swap3A_80], %add3A_79 {strides = array<i32>} : memref<10000x128xf32, #tpu.memory_space<vmem>>, vector<10000x128xf32>,
    return
  }
}

</mosaic_0001>

<sc_bundles>
// kernel: kernel.11.cloned.1.call-start
scs
__scs_entry_jumppad:
0x0: {  	(pc) =	sbr.rel $0x88, $3  }
0x1: {  	(tag) =	ssettag $0x0;
	lr =	simm.s32 $0x1  }
0x2: {  	[smem:$0x3F84] =	sst lr;
	_ =	strace $0xD0000000  }
0x3: {  	_ = 	snop  }
0x4: {  	_ = 	snop  }
0x5: {  	_ = 	snop  }
0x6: {  	_ = 	snop  }
0x7: {  	_ = 	snop  }
__scs_overlays_trampoline_lowered:
0x8: {  	[smem:$0x3F93] =	sst s0  }
0x9: {  	[smem:$0x3F94] =	sst s1  }
0xa: {  	[smem:$0x3F95] =	sst s2  }
0xb: {  	[smem:$0x3F96] =	sst s3  }
0xc: {  	[smem:$0x3F97] =	sst s4  }
0xd: {  	[smem:$0x3F98] =	sst s5  }
0xe: {  	[smem:$0x3F99] =	sst s6  }
0xf: {  	[smem:$0x3F9A] =	sst s7  }
0x10: {  	[smem:$0x3F9B] =	sst s8  }
0x11: {  	[smem:$0x3F9C] =	sst s9;
	s0 =	simm.s32 @!p0 $0x0  }
0x12: {  	s1 =	sld [smem:$0x3F82];
	s0 =	simm.s32 @p0 $0x1  }
0x13: {  	[smem:$0x3F9D] =	sst s0;
	s0 =	simm.s32 @!p1 $0x0  }
0x14: {  	s2 =	sld [smem:$0x3F81];
	s0 =	simm.s32 @p1 $0x1  }
0x15: {  	[smem:$0x3F9E] =	sst s0;
	s0 =	simm.s32 @!p2 $0x0  }
0x16: {  	s3 =	sld [smem:$0x3FDB];
	s0 =	simm.s32 @p2 $0x1  }
0x17: {  	s4 =	simm.s32 $0x1BF5;
	[smem:$0x3FA0] =	sst s0  }
0x18: {  	s0 =	sld [smem:$0x3F83];
	_ =	swait.ge [sflag:s4], $0x0  }
0x19: {  	s7 =	sld [smem:$0x3F84]  }
0x1a: {  	s8 =	sadd.s32 $0xFFFFE003, lr  }
0x1b: {  	s9 =	sadd.s32 $0xFFFFFEF7, lr;
	s5 =	simm.s32 $0xFFFFFFFF;
	p2 =	slt.u32 s8, $0xFFFFF086  }
0x1c: {  	p1 =	slt.u32 s9, $0xF7A;
	s5 =	simm.s32 @!p2 $0x0  }
0x1d: {  	s5 =	simm.s32 @p1 $0x1;
	p0 =	seq.s32 s7, s2  }
0x1e: {  	s7 =	smul.u32 @!p0 $0xF7A, s2;
	p2 =	seq.s32 @!p0 s5, $0x0  }
0x1f: {  	s9 =	smul.u32 $0xF7A, s1;
	s8 =	simm.s32 @!p0 $0x1BF5;
	p2 =	por !p2, p0  }
0x20: {  	[sflag:s8] =	ssyncset.s32 @!p0 $0xFFFFF086;
	s6 =	sadd.s32 @!p0 s3, s7;
	s7 =	simm.s32 @!p0 $0x108  }
0x21: {  	s3 =	sadd.s32 s3, s9;
	s6 =	sadd.s32 @!p0 $0x88, s6;
	s7 =	simm.s32 @p2 $0x1082  }
0x22: {  	[simem:s7], [sflag:s8] =	dma.local @!p0 [hbm:s6], $0xF7A  }
0x23: {  	s9 =	sor.u32 $0xD0000000, s2;
	s6 =	simm.s32 $0x108;
	_ =	swait.ge @!p0 [sflag:s8], $0x0  }
0x24: {  	s3 =	sadd.s32 $0x88, s3;
	s6 =	simm.s32 @!p1 $0x1082;
	[sflag:s4] =	ssyncset.s32 $0xFFFFF086  }
0x25: {  	[simem:s6], [sflag:s4] =	dma.local [hbm:s3], $0xF7A  }
0x26: {  	[smem:$0x3F84] =	sst s1;
	(tag) =	ssettag s2;
	_ =	strace s9  }
0x27: {  	s1 =	sld [smem:$0x3F94]  }
0x28: {  	s2 =	sld [smem:$0x3F95]  }
0x29: {  	s4 =	sld [smem:$0x3F97]  }
0x2a: {  	p0 =	seq.s32 s5, $0x0;
	s5 =	sld [smem:$0x3F98]  }
0x2b: {  	s6 =	sld [smem:$0x3F99]  }
0x2c: {  	s7 =	sld [smem:$0x3F9A]  }
0x2d: {  	s3 =	simm.s32 $0x108;
	s8 =	sld [smem:$0x3F9B]  }
0x2e: {  	s3 =	simm.s32 @!p0 $0x1082;
	s9 =	sld [smem:$0x3F9C]  }
0x2f: {  	lr =	sadd.s32 s0, s3;
	s0 =	sld [smem:$0x3F93]  }
0x30: {  	s3 =	sld [smem:$0x3F96]  }
0x31: {  	[smem:$0x3F9F] =	sst s10  }
0x32: {  	s10 =	sld [smem:$0x3F9D];
	_ =	sdelay $0x3  }
0x33: {  	p0 =	seq.s32 s10, $0x1;
	s10 =	sld [smem:$0x3F9F];
	_ =	sdelay $0x3  }
0x34: {  	[smem:$0x3F9F] =	sst s10  }
0x35: {  	s10 =	sld [smem:$0x3F9E];
	_ =	sdelay $0x3  }
0x36: {  	p1 =	seq.s32 s10, $0x1;
	s10 =	sld [smem:$0x3F9F];
	_ =	sdelay $0x3  }
0x37: {  	[smem:$0x3F9F] =	sst s10  }
0x38: {  	s10 =	sld [smem:$0x3FA0]  }
0x39: {  	_ = 	snop;
	(pc) =	sbr.ind lr, $3  }
0x3a: {  	_ = 	snop  }
0x3b: {  	_ = 	snop  }
0x3c: {  	p2 =	seq.s32 s10, $0x1;
	s10 =	sld [smem:$0x3F9F]  }
0x3d: {  	_ =	shalt  }
0x3e: {  	_ =	shalt  }
0x3f: {  	_ =	shalt  }
0x40: {  	_ =	shalt  }
0x41: {  	_ =	shalt  }
0x42: {  	_ =	shalt  }
0x43: {  	_ =	shalt  }
0x44: {  	_ =	shalt  }
0x45: {  	_ =	shalt  }
0x46: {  	_ =	shalt  }
0x47: {  	_ =	shalt  }
0x48: {  	_ =	shalt  }
0x49: {  	_ =	shalt  }
0x4a: {  	_ =	shalt  }
0x4b: {  	_ =	shalt  }
0x4c: {  	_ =	shalt  }
0x4d: {  	_ =	shalt  }
0x4e: {  	_ =	shalt  }
0x4f: {  	_ =	shalt  }
0x50: {  	_ =	shalt  }
0x51: {  	_ =	shalt  }
0x52: {  	_ =	shalt  }
0x53: {  	_ =	shalt  }
0x54: {  	_ =	shalt  }
0x55: {  	_ =	shalt  }
0x56: {  	_ =	shalt  }
0x57: {  	_ =	shalt  }
0x58: {  	_ =	shalt  }
0x59: {  	_ =	shalt  }
0x5a: {  	_ =	shalt  }
0x5b: {  	_ =	shalt  }
0x5c: {  	_ =	shalt  }
0x5d: {  	_ =	shalt  }
0x5e: {  	_ =	shalt  }
0x5f: {  	_ =	shalt  }
0x60: {  	_ =	shalt  }
0x61: {  	_ =	shalt  }
0x62: {  	_ =	shalt  }
0x63: {  	_ =	shalt  }
0x64: {  	_ =	shalt  }
0x65: {  	_ =	shalt  }
0x66: {  	_ =	shalt  }
0x67: {  	_ =	shalt  }
0x68: {  	_ =	shalt  }
0x69: {  	_ =	shalt  }
0x6a: {  	_ =	shalt  }
0x6b: {  	_ =	shalt  }
0x6c: {  	_ =	shalt  }
0x6d: {  	_ =	shalt  }
0x6e: {  	_ =	shalt  }
0x6f: {  	_ =	shalt  }
0x70: {  	_ =	shalt  }
0x71: {  	_ =	shalt  }
0x72: {  	_ =	shalt  }
0x73: {  	_ =	shalt  }
0x74: {  	_ =	shalt  }
0x75: {  	_ =	shalt  }
0x76: {  	_ =	shalt  }
0x77: {  	_ =	shalt  }
0x78: {  	_ =	shalt  }
0x79: {  	_ =	shalt  }
0x7a: {  	_ =	shalt  }
0x7b: {  	_ =	shalt  }
0x7c: {  	_ =	shalt  }
0x7d: {  	_ =	shalt  }
0x7e: {  	_ =	shalt  }
0x7f: {  	_ =	shalt  }
0x80: {  	_ =	shalt  }
0x81: {  	_ =	shalt  }
0x82: {  	_ =	shalt  }
0x83: {  	_ =	shalt  }
0x84: {  	_ =	shalt  }
0x85: {  	_ =	shalt  }
0x86: {  	_ =	shalt  }
0x87: {  	_ =	shalt  }
.Lfunc_end0:
.L_simem_size_0:
called_computation_lowered:
.L_overlay_start_0:
0x88: {  	s2 =	sld [smem:$0x3FD9]  }
0x89: {  	s3 =	sld [smem:$0x3FFE];
	_ =	sdelay $0x1  }
0x8a: {  	s1 =	srdreg.scid  }
0x8b: {  	s0 =	sand.u32 $0x1, s1  }
0x8c: {  	s16 =	sshll.u32 s0, $0xA;
	s2 =	sadd.s32 s3, s2  }
0x8d: {  	s2 =	sadd.s32 s2, s16  }
0x8e: {  	[smem:$0x3FAB] =	sst s2  }
0x8f: {  	_ = 	snop  }
0x90: {  	(tm) =	ssettm $0x1  }
0x91: {  	s17 =	sld [smem:$0x3FFB];
	_ =	sdelay $0x3  }
0x92: {  	_ =	strace s17  }
0x93: {  	s2 =	sld [smem:$0x3FFC];
	_ =	sdelay $0x3  }
0x94: {  	_ =	strace s2  }
0x95: {  	s2 =	sld [smem:$0x3FFD];
	_ =	sdelay $0x3  }
0x96: {  	_ =	strace s2  }
0x97: {  	_ =	strace $0x8FFFFFFF  }
0x98: {  	s18 =	sld [smem:$0x3FDB];
	_ =	sdelay $0x1  }
0x99: {  	s19 =	simm.s32 $_scs_section_size  }
0x9a: {  	s4 =	simm.s32 $_size__tile_overlayer_lowered;
	s5 =	simm.s32 $_tile_overlayer_lowered  }
0x9b: {  	s22 =	simm.s32 $0x1BFF;
	s21 =	sshll.u32 s5, $0x1;
	s2 =	sadd.s32 s19, s18  }
0x9c: {  	s6 =	simm.s32 $0x0;
	s20 =	sshll.u32 s4, $0x1;
	s4 =	sadd.s32 s21, s2  }
0x9d: {  	[timem:s6], [sflag:s22] =	dma.local [hbm:s4], s20  }
0x9e: {  	_ =	swait.ge [sflag:s22], s20  }
0x9f: {  	s3 =	ssub.s32 $0x0, s20;
	[sflag:s22] =	ssyncset.done $0x0  }
0xa0: {  	[sflag:s22] =	ssyncadd.s32 s3;
	_ =	sdelay $0x1  }
0xa1: {  	s23 =	simm.s32 $0x1B8B  }
0xa2: {  	_ =	swait.ge [sflag:s23], $0x1  }
0xa3: {  	[sflag:s23] =	ssyncset.done $0x0  }
0xa4: {  	s25 =	simm.s32 $0x1B8E;
	s24 =	sld [smem:$0x3FFE];
	[sflag:s23] =	ssyncadd.s32 $0xFFFFFFFF  }
0xa5: {  	s26 =	simm.s32 $execute0_lowered;
	[smem:$0x3FD2] =	sst s25  }
0xa6: {  	s4 =	sshll.u32 s26, $0x1;
	_ =	strace $0x80000046;
	[dreg:$0x1] =	wrdreg $0xFFFFFFFF  }
0xa7: {  	s28 =	simm.s32 $_size_execute0_lowered;
	s2 =	sadd.s32 s2, s4;
	[dreg:$0x0] =	wrdreg $0x0  }
0xa8: {  	s4 =	sshll.u32 s28, $0x1;
	[dreg:$0x2] =	wrdreg s2  }
0xa9: {  	[dreg:$0x3] =	wrdreg s4  }
0xaa: {  	[dreg:$0x4] =	wrdreg $0xC0  }
0xab: {  	_ =	task [dreg:s6], $0x5FFFF  }
0xac: {  	[dreg:$0x1] =	wrdreg $0xFFFFFFFF  }
0xad: {  	[dreg:$0x0] =	wrdreg $0x60  }
0xae: {  	[dreg:$0x2] =	wrdreg s24  }
0xaf: {  	[dreg:$0x3] =	wrdreg $0x81000  }
0xb0: {  	[dreg:$0x4] =	wrdreg $0x9  }
0xb1: {  	_ =	task.clear_ibuf [dreg:s6], $0x5FFFF;
	_ =	strace $0x90000046  }
0xb2: {  	s29 =	simm.s32 $0x9;
	_ =	strace $0x80000048  }
0xb3: {  	_ =	swait.ge [sflag:s29], $0x1  }
0xb4: {  	[sflag:s29] =	ssyncadd.s32 $0xFFFFFFFF  }
0xb5: {  	_ =	strace $0x90000048  }
0xb6: {  	_ =	sfence  }
0xb7: {  	s30 =	sld [smem:$0x0];
	_ =	sdelay $0x2  }
0xb8: {  	s31 =	sshll.u32 s1, $0xD;
	s1 =	sshrl.u32 s1, $0x2  }
0xb9: {  	s3 =	sand.u32 $0x4000, s31;
	s1 =	sadd.s32 s1, s30  }
0xba: {  	s0 =	sor.u32 s3, s0;
	s1 =	sshll.u32 s1, $0x11  }
0xbb: {  	s0 =	sor.u32 s1, s0  }
0xbc: {  	s0 =	sadd.s32 $0x8F2B, s0  }
0xbd: {  	[sflag:s0] =	ssyncadd.remote.s32 $0x1  }
0xbe: {  	_ =	sfence.sel $0xFFFF  }
0xbf: {  	[dreg:$0x0] =	wrdreg $0xFFFFFFFF;
	(pc) =	sbr.abs _section_cstart, $3  }
0xc0: {  	[dreg:$0x1] =	wrdreg $0xFFFFFFFF  }
0xc1: {  	_ =	task.clear_ibuf [dreg:s6], $0x2FFFF;
	_ =	strace $0x9FFFFFFF  }
0xc2: {  	(tm) =	ssettm $0x7FFFFFFF  }
0xc3: {  	_ =	shalt  }
tec
execute0_lowered:
.L_overlay_start_1:
0x0: {  	(tag) =	ssettag $0x1  }
0x1: {  	s7 =	rddreg [dreg:$0x0]  }
0x2: {  	s1 =	rddreg [dreg:$0x1]  }
0x3: {  	s0 =	rddreg [dreg:$0x2]  }
0x4: {  	s2 =	simm.s32 $0x0;
	s3 =	stileid.u32;
	s5 =	srdreg.scid  }
0x5: {  	s17 =	simm.s32 $0x3;
	s18 =	simm.s32 $0x80;
	s19 =	simm.s32 $0x1  }
0x6: {  	s20 =	simm.s32 $0x4;
	s21 =	simm.s32 $0x0;
	[smem:$0x7FF] =	sst s2  }
0x7: {  	s8 =	sadd.s32 $0x1BA00, s7;
	s9 =	sadd.s32 $0x43200, s7;
	s4 =	sadd.s32 $0x7E00, s7  }
0x8: {  	s5 =	sand.u32 $0x1, s5;
	s10 =	smul.u32 $0x4F000, s3;
	s6 =	sadd.s32 $0x11C00, s7  }
0x9: {  	s11 =	sshll.u32 s3, $0xB;
	s29 =	smul.u32 $0x2780, s3;
	s30 =	sshll.u32 s3, $0x4  }
0xa: {  	s31 =	sshll.u32 s3, $0x6;
	_ =	strace $0x80000047;
	s12 =	ssub.s32 $0x2, s5  }
0xb: {  	s14 =	sadd.s32 s11, s7;
	p0 =	seq.s32 s5, $0x0;
	s15 =	smov.u32 s6  }
0xc: {  	s11 =	sor.u32 $0x200, s30;
	s28 =	sshrl.u32 s12, $0x1;
	s10 =	sshrl.u32 s10, $0x2  }
.Ltmp0:
0xd: {  	s9 =	smov.u32 @p0 s8;
	s15 =	smov.u32 @p0 s4;
	(pc) =	sbr.rel .LBB2_1-.Ltmp0, $4  }
0xe: {  	s13 =	sadd.s32 $0x54CA00, s14;
	s14 =	sadd.s32 $0x6AA00, s14;
	p0 =	sne.s32 s5, $0x0  }
0xf: {  	s7 =	ssub.s32 s12, s28;
	s16 =	sadd.s32 s10, s1;
	s8 =	sadd.s32 s9, s29  }
0x10: {  	s9 =	sadd.s32 s15, s30;
	s10 =	sor.u32 $0x1C03, s31;
	s12 =	sor.u32 $0x20, s3  }
0x11: {  	s15 =	sadd.s32 $0x100, s15;
	s7 =	smax.u32 s7, $0x1;
	s16 =	sshrl.u32 s16, $0x3  }
.LBB2_9:
0x12: {  	s21 =	sadd.s32 $0x1, s21  }
0x13: {  	p1 =	sne.s32 s21, s7  }
.Ltmp1:
0x14: {  	_ = 	snop;
	(pc) =	sbr.rel @!p1 .LBB2_10-.Ltmp1, $1  }
0x15: {  	_ =	sdelay $0x3  }
.LBB2_1:
0x16: {  	[spmem:s16], [sflag:s10] =	dma.local [hbm:s8], $0x2780  }
0x17: {  	_ =	swait.ge [sflag:s17], $0x2780  }
0x18: {  	[sflag:s17] =	ssyncset.done $0x0  }
0x19: {  	[sflag:s17] =	ssyncadd.s32 $0xFFFFD880  }
0x1a: {  	[bflag:$0x0] =	sbarrier.arrive $0xFFFF  }
0x1b: {  	[tilespmem:s2], [sflag:$0x3] =	stream.linear.gather [hbm4b:s9+s2], $0x80, $0x38;
	[tilespmem:$0x1BD00] =	vst v63  }
.Ltmp2:
0x1c: {  	_ = 	snop;
	(pc) =	sbr.rel .LBB2_2-.Ltmp2, $4  }
0x1d: {  	_ =	swait.ge [sflag:s17], $0x80  }
0x1e: {  	s22 =	smov.u32 s12;
	[sflag:s17] =	ssyncset.done $0x0  }
0x1f: {  	s23 =	smov.u32 s11;
	s24 =	simm.s32 $0x0;
	[sflag:s17] =	ssyncadd.s32 $0xFFFFFF80  }
0x20: {  	[tilespmem:s18], [sflag:$0x1] =	stream.indirect.gather [spmem:s1], $0x80, s2, s18, $0xb8;
	[tilespmem:$0x1BD00] =	vst v63  }
.LBB2_6:
0x21: {  	s25 =	sadd.s32 s23, s25  }
0x22: {  	[tilespmem:s2], [sflag:$0x4] =	stream.linear.gather [hbm4b:s25+s2], $0x80, $0x38;
	[tilespmem:$0x1BD00] =	vst v63  }
0x23: {  	_ =	swait.ge [sflag:s20], $0x80  }
0x24: {  	[sflag:s20] =	ssyncset.done $0x0  }
0x25: {  	[sflag:s20] =	ssyncadd.s32 $0xFFFFFF80  }
0x26: {  	[tilespmem:s18], [sflag:$0x1] =	stream.indirect.gather [spmem:s1], $0x80, s2, s18, $0xb8;
	[tilespmem:$0x1BD00] =	vst v63  }
.LBB2_7:
0x27: {  	s25 =	simm.s32 @!p1 $0x2  }
0x28: {  	p2 =	sne.s32 @!p1 s5, $0x0;
	_ =	swait.ge @!p1 [sflag:s25], $0x4000  }
0x29: {  	p3 =	por !p2, p1;
	[sflag:s25] =	ssyncset.done @!p1 $0x0  }
0x2a: {  	[sflag:s25] =	ssyncadd.s32 @!p1 $0xFFFFC000;
	s25 =	sadd.s32 @!p3 s24, s13  }
0x2b: {  	s26 =	simm.s32 @!p3 $0x0;
	s28 =	simm.s32 @!p3 $0x4100;
	s25 =	sadd.s32 @!p3 $0x8000, s25  }
0x2c: {  	[hbm4b:s25+s26] =	stream.linear.scatter @!p3 [tilespmem:s28], [sflag:$0x3], $0x4000, $0x38;
	[tilespmem:$0x1BD00] =	vst v63  }
0x2d: {  	s25 =	simm.s32 @!p3 $0x3  }
0x2e: {  	_ =	swait.ge @!p3 [sflag:s25], $0x4000  }
0x2f: {  	p1 =	por p2, p1;
	[sflag:s25] =	ssyncset.done @!p3 $0x0  }
0x30: {  	[sflag:s25] =	ssyncadd.s32 @!p3 $0xFFFFC000;
	s25 =	sadd.s32 @!p1 s24, s14  }
0x31: {  	s26 =	simm.s32 @!p1 $0x0;
	s28 =	simm.s32 @!p1 $0x4100;
	s25 =	sadd.s32 @!p1 $0x8000, s25  }
0x32: {  	[hbm4b:s25+s26] =	stream.linear.scatter @!p1 [tilespmem:s28], [sflag:$0x4], $0x4000, $0x38;
	[tilespmem:$0x1BD00] =	vst v63  }
0x33: {  	s25 =	simm.s32 @!p1 $0x4  }
0x34: {  	_ =	swait.ge @!p1 [sflag:s25], $0x4000  }
0x35: {  	[sflag:s25] =	ssyncset.done @!p1 $0x0  }
0x36: {  	[sflag:s25] =	ssyncadd.s32 @!p1 $0xFFFFC000  }
.LBB2_8:
0x37: {  	s24 =	sadd.s32 $0x10000, s24  }
0x38: {  	p1 =	sne.s32 s24, $0x4F0000  }
.Ltmp3:
0x39: {  	_ = 	snop;
	(pc) =	sbr.rel @!p1 .LBB2_9-.Ltmp3, $2  }
0x3a: {  	_ =	sdelay $0x2  }
0x3b: {  	s23 =	sadd.s32 $0x200, s23;
	s22 =	sadd.s32 $0x20, s22  }
.LBB2_2:
0x3c: {  	s25 =	sadd.s32 $0xFFFFFFF0, s22  }
0x3d: {  	s31 =	sadd.s32 $0xFFFFFFE0, s22;
	p1 =	sgt.u32 s25, $0x9C3  }
0x3e: {  	p2 =	sgt.u32 s31, $0x9C3;
	s25 =	sadd.s32 @!p1 s23, s15  }
0x3f: {  	s26 =	simm.s32 @!p1 $0x0;
	s28 =	simm.s32 @!p1 $0x4080;
	s25 =	sadd.s32 @!p1 $0xFFFFFE00, s25  }
0x40: {  	[tilespmem:s28], [sflag:$0x4] =	stream.linear.gather @!p1 [hbm4b:s25+s26], $0x80, $0x38;
	[tilespmem:$0x1BD00] =	vst v63  }
.Ltmp4:
0x41: {  	s25 =	simm.s32 @!p1 $0x4;
	(pc) =	sbr.rel @p2 .LBB2_8-.Ltmp4, $4  }
0x42: {  	_ =	swait.ge @!p1 [sflag:s25], $0x80  }
0x43: {  	[sflag:s25] =	ssyncset.done @!p1 $0x0  }
0x44: {  	s29 =	simm.s32 @!p1 $0x4100;
	[sflag:s25] =	ssyncadd.s32 @!p1 $0xFFFFFF80;
	s25 =	simm.s32 @!p1 $0x80  }
0x45: {  	[tilespmem:s29], [sflag:$0x2] =	stream.indirect.gather @!p1 [spmem:s1], $0x80, s28, s25, $0xb8;
	[tilespmem:$0x1BD00] =	vst v63  }
.Ltmp5:
0x46: {  	(pc) =	sbr.rel @p0 .LBB2_5-.Ltmp5, $4  }
0x47: {  	_ = 	snop  }
0x48: {  	_ =	swait.ge [sflag:s19], $0x4000  }
0x49: {  	[sflag:s19] =	ssyncset.done $0x0  }
0x4a: {  	[sflag:s19] =	ssyncadd.s32 $0xFFFFC000  }
0x4b: {  	s25 =	sadd.s32 s24, s14;
	p2 =	slt.u32 s22, $0x9C4  }
0x4c: {  	[hbm4b:s25+s2] =	stream.linear.scatter [tilespmem:s18], [sflag:$0x4], $0x4000, $0x38;
	[tilespmem:$0x1BD00] =	vst v63  }
.Ltmp6:
0x4d: {  	_ = 	snop;
	(pc) =	sbr.rel @p2 .LBB2_6-.Ltmp6, $4  }
.Ltmp7:
0x4e: {  	_ = 	snop;
	(pc) =	sbr.rel @!p2 .LBB2_7-.Ltmp7, $4  }
0x4f: {  	_ =	swait.ge [sflag:s20], $0x4000  }
0x50: {  	[sflag:s20] =	ssyncset.done $0x0  }
0x51: {  	s25 =	smov.u32 s4;
	[sflag:s20] =	ssyncadd.s32 $0xFFFFC000  }
0x52: {  	_ = 	snop  }
.LBB2_5:
0x53: {  	s25 =	sadd.s32 s24, s13;
	p2 =	sgt.u32 s22, $0x9C3  }
0x54: {  	[hbm4b:s25+s2] =	stream.linear.scatter [tilespmem:s18], [sflag:$0x4], $0x4000, $0x38;
	[tilespmem:$0x1BD00] =	vst v63  }
.Ltmp8:
0x55: {  	_ = 	snop;
	(pc) =	sbr.rel @p2 .LBB2_7-.Ltmp8, $4  }
.Ltmp9:
0x56: {  	_ = 	snop;
	(pc) =	sbr.rel @!p2 .LBB2_6-.Ltmp9, $4  }
0x57: {  	_ =	swait.ge [sflag:s20], $0x4000  }
0x58: {  	[sflag:s20] =	ssyncset.done $0x0  }
0x59: {  	s25 =	smov.u32 s6;
	[sflag:s20] =	ssyncadd.s32 $0xFFFFC000  }
0x5a: {  	_ = 	snop  }
.LBB2_10:
0x5b: {  	_ =	sfence.sel $0x180000  }
0x5c: {  	[bflag:$0x0] =	sbarrier.arrive $0xFFFF  }
0x5d: {  	p0 =	sne.s32 s3, $0x0;
	_ =	strace $0x90000047  }
0x5e: {  	s0 =	sadd.s32 @!p0 $0x100000, s0;
	[bflag:$0x2] =	sbarrier.arrive $0xFFFF  }
0x5f: {  	[sflag:s0] =	ssyncadd.tile.s32 @!p0 $0x1;
	_ =	shalt  }
.Lfunc_end2:
_tile_overlayer_lowered:
.L_overlay_start_2:
0x60: {  	(tag) =	ssettag $0x2  }
0x61: {  	s0 =	rddreg [dreg:$0x0];
	s2 =	stileid.u32  }
0x62: {  	s1 =	rddreg [dreg:$0x1];
	p0 =	sne.s32 s2, $0x0  }
0x63: {  	s3 =	rddreg [dreg:$0x2];
	[bflag:$0x3] =	sbarrier.arrive $0xFFFF;
	s2 =	simm.s32 @!p0 $0x1C03  }
0x64: {  	[timem:s3], [sflag:s2] =	dma.local @!p0 [hbm:s0], s1  }
0x65: {  	s0 =	simm.s32 @!p0 $0x3  }
0x66: {  	_ =	swait.ge @!p0 [sflag:s0], s1  }
0x67: {  	s1 =	ssub.s32 @!p0 $0x0, s1;
	[sflag:s0] =	ssyncset.done @!p0 $0x0  }
0x68: {  	[sflag:s0] =	ssyncadd.s32 @!p0 s1  }
0x69: {  	[bflag:$0x3] =	sbarrier.arrive $0xFFFF  }
0x6a: {  	_ =	shalt  }

// kernel: kernel.14.cloned.1.call-start
scs
__scs_entry_jumppad:
0x0: {  	(pc) =	sbr.rel $0x88, $3  }
0x1: {  	(tag) =	ssettag $0x0;
	lr =	simm.s32 $0x1  }
0x2: {  	[smem:$0x3F84] =	sst lr;
	_ =	strace $0xD0000000  }
0x3: {  	_ = 	snop  }
0x4: {  	_ = 	snop  }
0x5: {  	_ = 	snop  }
0x6: {  	_ = 	snop  }
0x7: {  	_ = 	snop  }
__scs_overlays_trampoline_lowered:
0x8: {  	[smem:$0x3F93] =	sst s0  }
0x9: {  	[smem:$0x3F94] =	sst s1  }
0xa: {  	[smem:$0x3F95] =	sst s2  }
0xb: {  	[smem:$0x3F96] =	sst s3  }
0xc: {  	[smem:$0x3F97] =	sst s4  }
0xd: {  	[smem:$0x3F98] =	sst s5  }
0xe: {  	[smem:$0x3F99] =	sst s6  }
0xf: {  	[smem:$0x3F9A] =	sst s7  }
0x10: {  	[smem:$0x3F9B] =	sst s8  }
0x11: {  	[smem:$0x3F9C] =	sst s9;
	s0 =	simm.s32 @!p0 $0x0  }
0x12: {  	s1 =	sld [smem:$0x3F82];
	s0 =	simm.s32 @p0 $0x1  }
0x13: {  	[smem:$0x3F9D] =	sst s0;
	s0 =	simm.s32 @!p1 $0x0  }
0x14: {  	s2 =	sld [smem:$0x3F81];
	s0 =	simm.s32 @p1 $0x1  }
0x15: {  	[smem:$0x3F9E] =	sst s0;
	s0 =	simm.s32 @!p2 $0x0  }
0x16: {  	s3 =	sld [smem:$0x3FDB];
	s0 =	simm.s32 @p2 $0x1  }
0x17: {  	s4 =	simm.s32 $0x1BF5;
	[smem:$0x3FA0] =	sst s0  }
0x18: {  	s0 =	sld [smem:$0x3F83];
	_ =	swait.ge [sflag:s4], $0x0  }
0x19: {  	s7 =	sld [smem:$0x3F84]  }
0x1a: {  	s8 =	sadd.s32 $0xFFFFE003, lr  }
0x1b: {  	s9 =	sadd.s32 $0xFFFFFEF7, lr;
	s5 =	simm.s32 $0xFFFFFFFF;
	p2 =	slt.u32 s8, $0xFFFFF086  }
0x1c: {  	p1 =	slt.u32 s9, $0xF7A;
	s5 =	simm.s32 @!p2 $0x0  }
0x1d: {  	s5 =	simm.s32 @p1 $0x1;
	p0 =	seq.s32 s7, s2  }
0x1e: {  	s7 =	smul.u32 @!p0 $0xF7A, s2;
	p2 =	seq.s32 @!p0 s5, $0x0  }
0x1f: {  	s9 =	smul.u32 $0xF7A, s1;
	s8 =	simm.s32 @!p0 $0x1BF5;
	p2 =	por !p2, p0  }
0x20: {  	[sflag:s8] =	ssyncset.s32 @!p0 $0xFFFFF086;
	s6 =	sadd.s32 @!p0 s3, s7;
	s7 =	simm.s32 @!p0 $0x108  }
0x21: {  	s3 =	sadd.s32 s3, s9;
	s6 =	sadd.s32 @!p0 $0x88, s6;
	s7 =	simm.s32 @p2 $0x1082  }
0x22: {  	[simem:s7], [sflag:s8] =	dma.local @!p0 [hbm:s6], $0xF7A  }
0x23: {  	s9 =	sor.u32 $0xD0000000, s2;
	s6 =	simm.s32 $0x108;
	_ =	swait.ge @!p0 [sflag:s8], $0x0  }
0x24: {  	s3 =	sadd.s32 $0x88, s3;
	s6 =	simm.s32 @!p1 $0x1082;
	[sflag:s4] =	ssyncset.s32 $0xFFFFF086  }
0x25: {  	[simem:s6], [sflag:s4] =	dma.local [hbm:s3], $0xF7A  }
0x26: {  	[smem:$0x3F84] =	sst s1;
	(tag) =	ssettag s2;
	_ =	strace s9  }
0x27: {  	s1 =	sld [smem:$0x3F94]  }
0x28: {  	s2 =	sld [smem:$0x3F95]  }
0x29: {  	s4 =	sld [smem:$0x3F97]  }
0x2a: {  	p0 =	seq.s32 s5, $0x0;
	s5 =	sld [smem:$0x3F98]  }
0x2b: {  	s6 =	sld [smem:$0x3F99]  }
0x2c: {  	s7 =	sld [smem:$0x3F9A]  }
0x2d: {  	s3 =	simm.s32 $0x108;
	s8 =	sld [smem:$0x3F9B]  }
0x2e: {  	s3 =	simm.s32 @!p0 $0x1082;
	s9 =	sld [smem:$0x3F9C]  }
0x2f: {  	lr =	sadd.s32 s0, s3;
	s0 =	sld [smem:$0x3F93]  }
0x30: {  	s3 =	sld [smem:$0x3F96]  }
0x31: {  	[smem:$0x3F9F] =	sst s10  }
0x32: {  	s10 =	sld [smem:$0x3F9D];
	_ =	sdelay $0x3  }
0x33: {  	p0 =	seq.s32 s10, $0x1;
	s10 =	sld [smem:$0x3F9F];
	_ =	sdelay $0x3  }
0x34: {  	[smem:$0x3F9F] =	sst s10  }
0x35: {  	s10 =	sld [smem:$0x3F9E];
	_ =	sdelay $0x3  }
0x36: {  	p1 =	seq.s32 s10, $0x1;
	s10 =	sld [smem:$0x3F9F];
	_ =	sdelay $0x3  }
0x37: {  	[smem:$0x3F9F] =	sst s10  }
0x38: {  	s10 =	sld [smem:$0x3FA0]  }
0x39: {  	_ = 	snop;
	(pc) =	sbr.ind lr, $3  }
0x3a: {  	_ = 	snop  }
0x3b: {  	_ = 	snop  }
0x3c: {  	p2 =	seq.s32 s10, $0x1;
	s10 =	sld [smem:$0x3F9F]  }
0x3d: {  	_ =	shalt  }
0x3e: {  	_ =	shalt  }
0x3f: {  	_ =	shalt  }
0x40: {  	_ =	shalt  }
0x41: {  	_ =	shalt  }
0x42: {  	_ =	shalt  }
0x43: {  	_ =	shalt  }
0x44: {  	_ =	shalt  }
0x45: {  	_ =	shalt  }
0x46: {  	_ =	shalt  }
0x47: {  	_ =	shalt  }
0x48: {  	_ =	shalt  }
0x49: {  	_ =	shalt  }
0x4a: {  	_ =	shalt  }
0x4b: {  	_ =	shalt  }
0x4c: {  	_ =	shalt  }
0x4d: {  	_ =	shalt  }
0x4e: {  	_ =	shalt  }
0x4f: {  	_ =	shalt  }
0x50: {  	_ =	shalt  }
0x51: {  	_ =	shalt  }
0x52: {  	_ =	shalt  }
0x53: {  	_ =	shalt  }
0x54: {  	_ =	shalt  }
0x55: {  	_ =	shalt  }
0x56: {  	_ =	shalt  }
0x57: {  	_ =	shalt  }
0x58: {  	_ =	shalt  }
0x59: {  	_ =	shalt  }
0x5a: {  	_ =	shalt  }
0x5b: {  	_ =	shalt  }
0x5c: {  	_ =	shalt  }
0x5d: {  	_ =	shalt  }
0x5e: {  	_ =	shalt  }
0x5f: {  	_ =	shalt  }
0x60: {  	_ =	shalt  }
0x61: {  	_ =	shalt  }
0x62: {  	_ =	shalt  }
0x63: {  	_ =	shalt  }
0x64: {  	_ =	shalt  }
0x65: {  	_ =	shalt  }
0x66: {  	_ =	shalt  }
0x67: {  	_ =	shalt  }
0x68: {  	_ =	shalt  }
0x69: {  	_ =	shalt  }
0x6a: {  	_ =	shalt  }
0x6b: {  	_ =	shalt  }
0x6c: {  	_ =	shalt  }
0x6d: {  	_ =	shalt  }
0x6e: {  	_ =	shalt  }
0x6f: {  	_ =	shalt  }
0x70: {  	_ =	shalt  }
0x71: {  	_ =	shalt  }
0x72: {  	_ =	shalt  }
0x73: {  	_ =	shalt  }
0x74: {  	_ =	shalt  }
0x75: {  	_ =	shalt  }
0x76: {  	_ =	shalt  }
0x77: {  	_ =	shalt  }
0x78: {  	_ =	shalt  }
0x79: {  	_ =	shalt  }
0x7a: {  	_ =	shalt  }
0x7b: {  	_ =	shalt  }
0x7c: {  	_ =	shalt  }
0x7d: {  	_ =	shalt  }
0x7e: {  	_ =	shalt  }
0x7f: {  	_ =	shalt  }
0x80: {  	_ =	shalt  }
0x81: {  	_ =	shalt  }
0x82: {  	_ =	shalt  }
0x83: {  	_ =	shalt  }
0x84: {  	_ =	shalt  }
0x85: {  	_ =	shalt  }
0x86: {  	_ =	shalt  }
0x87: {  	_ =	shalt  }
.Lfunc_end0:
.L_simem_size_0:
called_computation.1_lowered:
.L_overlay_start_0:
0x88: {  	s2 =	sld [smem:$0x3FD9]  }
0x89: {  	s3 =	sld [smem:$0x3FFE];
	_ =	sdelay $0x1  }
0x8a: {  	s1 =	srdreg.scid  }
0x8b: {  	s0 =	sand.u32 $0x1, s1  }
0x8c: {  	s16 =	sshll.u32 s0, $0xA;
	s2 =	sadd.s32 s3, s2  }
0x8d: {  	s2 =	sadd.s32 s2, s16  }
0x8e: {  	[smem:$0x3FAB] =	sst s2  }
0x8f: {  	_ = 	snop  }
0x90: {  	(tm) =	ssettm $0x1  }
0x91: {  	s17 =	sld [smem:$0x3FFB];
	_ =	sdelay $0x3  }
0x92: {  	_ =	strace s17  }
0x93: {  	s2 =	sld [smem:$0x3FFC];
	_ =	sdelay $0x3  }
0x94: {  	_ =	strace s2  }
0x95: {  	s2 =	sld [smem:$0x3FFD];
	_ =	sdelay $0x3  }
0x96: {  	_ =	strace s2  }
0x97: {  	_ =	strace $0x8FFFFFFF  }
0x98: {  	s18 =	sld [smem:$0x3FDB];
	_ =	sdelay $0x1  }
0x99: {  	s19 =	simm.s32 $_scs_section_size  }
0x9a: {  	s4 =	simm.s32 $_size__tile_overlayer_lowered;
	s5 =	simm.s32 $_tile_overlayer_lowered  }
0x9b: {  	s22 =	simm.s32 $0x1BFF;
	s21 =	sshll.u32 s5, $0x1;
	s2 =	sadd.s32 s19, s18  }
0x9c: {  	s6 =	simm.s32 $0x0;
	s20 =	sshll.u32 s4, $0x1;
	s4 =	sadd.s32 s21, s2  }
0x9d: {  	[timem:s6], [sflag:s22] =	dma.local [hbm:s4], s20  }
0x9e: {  	_ =	swait.ge [sflag:s22], s20  }
0x9f: {  	s3 =	ssub.s32 $0x0, s20;
	[sflag:s22] =	ssyncset.done $0x0  }
0xa0: {  	[sflag:s22] =	ssyncadd.s32 s3;
	_ =	sdelay $0x1  }
0xa1: {  	s23 =	simm.s32 $0x1B8B  }
0xa2: {  	_ =	swait.ge [sflag:s23], $0x1  }
0xa3: {  	[sflag:s23] =	ssyncset.done $0x0  }
0xa4: {  	s25 =	simm.s32 $0x1B8E;
	s24 =	sld [smem:$0x3FFE];
	[sflag:s23] =	ssyncadd.s32 $0xFFFFFFFF  }
0xa5: {  	s26 =	simm.s32 $execute0_lowered;
	[smem:$0x3FD2] =	sst s25  }
0xa6: {  	s4 =	sshll.u32 s26, $0x1;
	_ =	strace $0x80000049;
	[dreg:$0x1] =	wrdreg $0xFFFFFFFF  }
0xa7: {  	s28 =	simm.s32 $_size_execute0_lowered;
	s2 =	sadd.s32 s2, s4;
	[dreg:$0x0] =	wrdreg $0x0  }
0xa8: {  	s4 =	sshll.u32 s28, $0x1;
	[dreg:$0x2] =	wrdreg s2  }
0xa9: {  	[dreg:$0x3] =	wrdreg s4  }
0xaa: {  	[dreg:$0x4] =	wrdreg $0xC0  }
0xab: {  	_ =	task [dreg:s6], $0x5FFFF  }
0xac: {  	[dreg:$0x1] =	wrdreg $0xFFFFFFFF  }
0xad: {  	[dreg:$0x0] =	wrdreg $0x60  }
0xae: {  	[dreg:$0x2] =	wrdreg s24  }
0xaf: {  	[dreg:$0x3] =	wrdreg $0x81000  }
0xb0: {  	[dreg:$0x4] =	wrdreg $0x9  }
0xb1: {  	_ =	task.clear_ibuf [dreg:s6], $0x5FFFF;
	_ =	strace $0x90000049  }
0xb2: {  	s29 =	simm.s32 $0x9;
	_ =	strace $0x8000004B  }
0xb3: {  	_ =	swait.ge [sflag:s29], $0x1  }
0xb4: {  	[sflag:s29] =	ssyncadd.s32 $0xFFFFFFFF  }
0xb5: {  	_ =	strace $0x9000004B  }
0xb6: {  	_ =	sfence  }
0xb7: {  	s30 =	sld [smem:$0x0];
	_ =	sdelay $0x2  }
0xb8: {  	s31 =	sshll.u32 s1, $0xD;
	s1 =	sshrl.u32 s1, $0x2  }
0xb9: {  	s3 =	sand.u32 $0x4000, s31;
	s1 =	sadd.s32 s1, s30  }
0xba: {  	s0 =	sor.u32 s3, s0;
	s1 =	sshll.u32 s1, $0x11  }
0xbb: {  	s0 =	sor.u32 s1, s0  }
0xbc: {  	s0 =	sadd.s32 $0x8F2B, s0  }
0xbd: {  	[sflag:s0] =	ssyncadd.remote.s32 $0x1  }
0xbe: {  	_ =	sfence.sel $0xFFFF  }
0xbf: {  	[dreg:$0x0] =	wrdreg $0xFFFFFFFF;
	(pc) =	sbr.abs _section_cstart, $3  }
0xc0: {  	[dreg:$0x1] =	wrdreg $0xFFFFFFFF  }
0xc1: {  	_ =	task.clear_ibuf [dreg:s6], $0x2FFFF;
	_ =	strace $0x9FFFFFFF  }
0xc2: {  	(tm) =	ssettm $0x7FFFFFFF  }
0xc3: {  	_ =	shalt  }
tec
execute0_lowered:
.L_overlay_start_1:
0x0: {  	(tag) =	ssettag $0x1  }
0x1: {  	s4 =	rddreg [dreg:$0x0]  }
0x2: {  	s1 =	rddreg [dreg:$0x1]  }
0x3: {  	s0 =	rddreg [dreg:$0x2];
	s3 =	simm.s32 $0x0;
	s2 =	stileid.u32  }
0x4: {  	s5 =	srdreg.scid;
	s17 =	simm.s32 $0x4080;
	s18 =	simm.s32 $0x2  }
0x5: {  	s19 =	simm.s32 $0x1;
	s20 =	simm.s32 $0x6;
	s21 =	simm.s32 $0x4  }
0x6: {  	s22 =	simm.s32 $0x3;
	[smem:$0x7FF] =	sst s3;
	s10 =	sadd.s32 $0xF10C00, s4  }
0x7: {  	s9 =	sand.u32 $0x1, s5;
	s25 =	smul.u32 $0x4F000, s2;
	s11 =	sadd.s32 $0x11C00, s4  }
0x8: {  	s6 =	smul.u32 $0x2780, s2;
	s26 =	sshll.u32 s2, $0x6;
	s23 =	sor.u32 $0x4E0, s2  }
0x9: {  	s30 =	sshll.u32 s2, $0xB;
	s31 =	sshll.u32 s2, $0x4;
	s12 =	smul.u32 $0x4E2, s9  }
0xa: {  	_ =	strace $0x8000004A;
	s7 =	ssub.s32 $0x2, s9;
	s15 =	smul.u32 $0x271000, s9  }
0xb: {  	p0 =	seq.s32 s9, $0x1;
	s16 =	smul.u32 $0x4E20, s9;
	s8 =	sshrl.u32 s7, $0x1  }
0xc: {  	s5 =	sshrl.u32 s25, $0x2;
	s13 =	sadd.s32 s6, s4;
	s8 =	ssub.s32 s7, s8  }
0xd: {  	s14 =	sadd.s32 s5, s1;
	s4 =	sadd.s32 $0x1BC00, s13;
	s28 =	sadd.s32 s2, s12  }
0xe: {  	s5 =	sor.u32 $0x1C05, s26;
	s29 =	sshll.u32 s28, $0xB;
	s12 =	sshll.u32 s28, $0x4  }
0xf: {  	s8 =	smax.u32 s8, $0x1;
	s6 =	sadd.s32 s10, s29;
	s7 =	sadd.s32 s11, s12  }
0x10: {  	s12 =	simm.s32 $0x6AC00;
	s10 =	sadd.s32 s15, s10;
	s11 =	sadd.s32 s16, s11  }
0x11: {  	s15 =	simm.s32 $0x80;
	s16 =	simm.s32 $0x4100;
	s12 =	simm.s32 @!p0 $0x43400  }
0x12: {  	p0 =	sgt.u32 s23, $0x4E1;
	s23 =	simm.s32 $0x0;
	s9 =	sadd.s32 s12, s13  }
0x13: {  	s12 =	sadd.s32 s30, s10;
	s10 =	sadd.s32 s31, s11;
	s13 =	sshrl.u32 s14, $0x3  }
0x14: {  	s14 =	simm.s32 $0x5;
	s11 =	sadd.s32 $0x8000, s12;
	s12 =	sor.u32 $0x20, s2  }
.LBB2_1:
0x15: {  	[spmem:s13], [sflag:s5] =	dma.local [hbm:s4], $0x2780  }
0x16: {  	_ =	swait.ge [sflag:s14], $0x2780  }
0x17: {  	[sflag:s14] =	ssyncset.done $0x0  }
0x18: {  	[sflag:s14] =	ssyncadd.s32 $0xFFFFD880  }
0x19: {  	[bflag:$0x0] =	sbarrier.arrive $0xFFFF  }
0x1a: {  	[tilespmem:s15], [sflag:$0x2] =	stream.linear.gather [hbm4b:s6+s3], $0x4000, $0x38;
	[tilespmem:$0x1BD00] =	vst v63  }
0x1b: {  	_ = 	snop  }
0x1c: {  	[tilespmem:s3], [sflag:$0x1] =	stream.linear.gather [hbm4b:s7+s3], $0x80, $0x38;
	[tilespmem:$0x1BD00] =	vst v63  }
0x1d: {  	s24 =	sadd.s32 $0x0, s10  }
0x1e: {  	[tilespmem:s16], [sflag:$0x4] =	stream.linear.gather [hbm4b:s11+s3], $0x4000, $0x38;
	[tilespmem:$0x1BD00] =	vst v63  }
0x1f: {  	s24 =	sadd.s32 $0x100, s24  }
0x20: {  	[tilespmem:s17], [sflag:$0x3] =	stream.linear.gather [hbm4b:s24+s3], $0x80, $0x38;
	[tilespmem:$0x1BD00] =	vst v63  }
0x21: {  	_ =	swait.ge [sflag:s18], $0x4000  }
0x22: {  	[sflag:s18] =	ssyncset.done $0x0  }
0x23: {  	[sflag:s18] =	ssyncadd.s32 $0xFFFFC000  }
0x24: {  	_ =	swait.ge [sflag:s19], $0x80  }
0x25: {  	[sflag:s19] =	ssyncset.done $0x0  }
0x26: {  	[sflag:s19] =	ssyncadd.s32 $0xFFFFFF80  }
0x27: {  	[spmem:s1] =	stream.indirect.scatter.add.f32 [tilespmem:s15], [sflag:$0x6], $0x80, s3, s15, $0xb8;
	[tilespmem:$0x1BD00] =	vst v63  }
0x28: {  	p1 =	sgt.u32 s12, $0x4E1;
	_ =	swait.ge [sflag:s20], $0x4000  }
0x29: {  	s25 =	simm.s32 @!p1 $0x0;
	s26 =	simm.s32 @!p1 $0x80;
	[sflag:s20] =	ssyncset.done $0x0  }
0x2a: {  	s28 =	sadd.s32 @!p1 $0x0, s10;
	s24 =	sadd.s32 @!p1 $0x8000, s11;
	[sflag:s20] =	ssyncadd.s32 $0xFFFFC000  }
0x2b: {  	[tilespmem:s26], [sflag:$0x2] =	stream.linear.gather @!p1 [hbm4b:s24+s25], $0x4000, $0x38;
	[tilespmem:$0x1BD00] =	vst v63  }
0x2c: {  	s24 =	sadd.s32 @!p1 $0x200, s28  }
0x2d: {  	[tilespmem:s25], [sflag:$0x1] =	stream.linear.gather @!p1 [hbm4b:s24+s25], $0x80, $0x38;
	[tilespmem:$0x1BD00] =	vst v63  }
0x2e: {  	_ =	swait.ge [sflag:s21], $0x4000  }
0x2f: {  	[sflag:s21] =	ssyncset.done $0x0  }
0x30: {  	[sflag:s21] =	ssyncadd.s32 $0xFFFFC000  }
0x31: {  	_ =	swait.ge [sflag:s22], $0x80  }
0x32: {  	[sflag:s22] =	ssyncset.done $0x0  }
0x33: {  	s26 =	sadd.s32 $0x20, s12;
	[sflag:s22] =	ssyncadd.s32 $0xFFFFFF80  }
0x34: {  	[spmem:s1] =	stream.indirect.scatter.add.f32 [tilespmem:s16], [sflag:$0x5], $0x80, s17, s15, $0xb8;
	[tilespmem:$0x1BD00] =	vst v63  }
0x35: {  	s24 =	simm.s32 $0x200;
	s25 =	sadd.s32 $0x10000, s11;
	_ =	swait.ge [sflag:s14], $0x4000  }
.LBB2_2:
0x36: {  	s28 =	sadd.s32 s24, s10  }
0x37: {  	[sflag:s14] =	ssyncset.done $0x0;
	s29 =	smov.u32 s24;
	s24 =	sadd.s32 $0x200, s24  }
0x38: {  	p1 =	sne.s32 s24, $0x4E00;
	[sflag:s14] =	ssyncadd.s32 $0xFFFFC000  }
0x39: {  	[tilespmem:s16], [sflag:$0x4] =	stream.linear.gather [hbm4b:s25+s3], $0x4000, $0x38;
	[tilespmem:$0x1BD00] =	vst v63  }
0x3a: {  	s28 =	sadd.s32 $0x100, s28  }
0x3b: {  	[tilespmem:s17], [sflag:$0x3] =	stream.linear.gather [hbm4b:s28+s3], $0x80, $0x38;
	[tilespmem:$0x1BD00] =	vst v63  }
0x3c: {  	_ =	swait.ge [sflag:s18], $0x4000  }
0x3d: {  	[sflag:s18] =	ssyncset.done $0x0  }
0x3e: {  	[sflag:s18] =	ssyncadd.s32 $0xFFFFC000  }
0x3f: {  	_ =	swait.ge [sflag:s19], $0x80  }
0x40: {  	[sflag:s19] =	ssyncset.done $0x0  }
0x41: {  	[sflag:s19] =	ssyncadd.s32 $0xFFFFFF80  }
0x42: {  	[spmem:s1] =	stream.indirect.scatter.add.f32 [tilespmem:s15], [sflag:$0x6], $0x80, s3, s15, $0xb8;
	[tilespmem:$0x1BD00] =	vst v63  }
0x43: {  	p2 =	sgt.u32 s26, $0x4E1;
	_ =	swait.ge [sflag:s20], $0x4000  }
0x44: {  	s30 =	simm.s32 @!p2 $0x0;
	s28 =	sadd.s32 @!p2 $0x8000, s25;
	[sflag:s20] =	ssyncset.done $0x0  }
0x45: {  	s31 =	simm.s32 @!p2 $0x80;
	s29 =	sadd.s32 @!p2 s29, s10;
	[sflag:s20] =	ssyncadd.s32 $0xFFFFC000  }
0x46: {  	[tilespmem:s31], [sflag:$0x2] =	stream.linear.gather @!p2 [hbm4b:s28+s30], $0x4000, $0x38;
	[tilespmem:$0x1BD00] =	vst v63  }
0x47: {  	s28 =	sadd.s32 @!p2 $0x200, s29  }
0x48: {  	[tilespmem:s30], [sflag:$0x1] =	stream.linear.gather @!p2 [hbm4b:s28+s30], $0x80, $0x38;
	[tilespmem:$0x1BD00] =	vst v63  }
0x49: {  	_ =	swait.ge [sflag:s21], $0x4000  }
0x4a: {  	[sflag:s21] =	ssyncset.done $0x0  }
0x4b: {  	[sflag:s21] =	ssyncadd.s32 $0xFFFFC000  }
.Ltmp0:
0x4c: {  	_ =	swait.ge [sflag:s22], $0x80;
	(pc) =	sbr.rel @p1 .LBB2_2-.Ltmp0, $4  }
0x4d: {  	[sflag:s22] =	ssyncset.done $0x0  }
0x4e: {  	[sflag:s22] =	ssyncadd.s32 $0xFFFFFF80  }
0x4f: {  	[spmem:s1] =	stream.indirect.scatter.add.f32 [tilespmem:s16], [sflag:$0x5], $0x80, s17, s15, $0xb8;
	[tilespmem:$0x1BD00] =	vst v63  }
0x50: {  	s26 =	sadd.s32 $0x20, s26;
	s25 =	sadd.s32 $0x10000, s25;
	_ =	swait.ge [sflag:s14], $0x4000  }
0x51: {  	[sflag:s14] =	ssyncset.done $0x0  }
0x52: {  	s24 =	simm.s32 @!p0 $0x2;
	[sflag:s14] =	ssyncadd.s32 $0xFFFFC000  }
0x53: {  	_ =	swait.ge @!p0 [sflag:s24], $0x4000  }
0x54: {  	[sflag:s24] =	ssyncset.done @!p0 $0x0  }
0x55: {  	[sflag:s24] =	ssyncadd.s32 @!p0 $0xFFFFC000;
	s24 =	simm.s32 @!p0 $0x1  }
0x56: {  	_ =	swait.ge @!p0 [sflag:s24], $0x80  }
0x57: {  	[sflag:s24] =	ssyncset.done @!p0 $0x0  }
0x58: {  	s25 =	simm.s32 @!p0 $0x80;
	[sflag:s24] =	ssyncadd.s32 @!p0 $0xFFFFFF80;
	s24 =	simm.s32 @!p0 $0x0  }
0x59: {  	[spmem:s1] =	stream.indirect.scatter.add.f32 @!p0 [tilespmem:s25], [sflag:$0x6], $0x80, s24, s25, $0xb8;
	[tilespmem:$0x1BD00] =	vst v63  }
0x5a: {  	s24 =	simm.s32 @!p0 $0x6  }
0x5b: {  	_ =	swait.ge @!p0 [sflag:s24], $0x4000  }
0x5c: {  	s23 =	sadd.s32 $0x1, s23;
	[sflag:s24] =	ssyncset.done @!p0 $0x0  }
0x5d: {  	p1 =	sne.s32 s23, s8;
	[sflag:s24] =	ssyncadd.s32 @!p0 $0xFFFFC000  }
.Ltmp1:
0x5e: {  	[bflag:$0x0] =	sbarrier.arrive $0xFFFF;
	(pc) =	sbr.rel @p1 .LBB2_1-.Ltmp1, $4  }
0x5f: {  	[hbm:s9], [sflag:s5] =	dma.local [spmem:s13], $0x2780  }
0x60: {  	_ =	swait.ge [sflag:s14], $0x2780  }
0x61: {  	[sflag:s14] =	ssyncset.done $0x0  }
0x62: {  	[sflag:s14] =	ssyncadd.s32 $0xFFFFD880  }
0x63: {  	_ =	sfence.sel $0x180000  }
0x64: {  	[bflag:$0x0] =	sbarrier.arrive $0xFFFF  }
0x65: {  	p0 =	sne.s32 s2, $0x0;
	_ =	strace $0x9000004A  }
0x66: {  	s0 =	sadd.s32 @!p0 $0x100000, s0;
	[bflag:$0x2] =	sbarrier.arrive $0xFFFF  }
0x67: {  	[sflag:s0] =	ssyncadd.tile.s32 @!p0 $0x1;
	_ =	shalt  }
.Lfunc_end2:
_tile_overlayer_lowered:
.L_overlay_start_2:
0x68: {  	(tag) =	ssettag $0x2  }
0x69: {  	s0 =	rddreg [dreg:$0x0];
	s2 =	stileid.u32  }
0x6a: {  	s1 =	rddreg [dreg:$0x1];
	p0 =	sne.s32 s2, $0x0  }
0x6b: {  	s3 =	rddreg [dreg:$0x2];
	[bflag:$0x3] =	sbarrier.arrive $0xFFFF;
	s2 =	simm.s32 @!p0 $0x1C05  }
0x6c: {  	[timem:s3], [sflag:s2] =	dma.local @!p0 [hbm:s0], s1  }
0x6d: {  	s0 =	simm.s32 @!p0 $0x5  }
0x6e: {  	_ =	swait.ge @!p0 [sflag:s0], s1  }
0x6f: {  	s1 =	ssub.s32 @!p0 $0x0, s1;
	[sflag:s0] =	ssyncset.done @!p0 $0x0  }
0x70: {  	[sflag:s0] =	ssyncadd.s32 @!p0 s1  }
0x71: {  	[bflag:$0x3] =	sbarrier.arrive $0xFFFF  }
0x72: {  	_ =	shalt  }

// kernel: kernel.17.cloned.1.call-start
scs
__scs_entry_jumppad:
0x0: {  	(pc) =	sbr.rel $0x88, $3  }
0x1: {  	(tag) =	ssettag $0x0;
	lr =	simm.s32 $0x1  }
0x2: {  	[smem:$0x3F84] =	sst lr;
	_ =	strace $0xD0000000  }
0x3: {  	_ = 	snop  }
0x4: {  	_ = 	snop  }
0x5: {  	_ = 	snop  }
0x6: {  	_ = 	snop  }
0x7: {  	_ = 	snop  }
__scs_overlays_trampoline_lowered:
0x8: {  	[smem:$0x3F93] =	sst s0  }
0x9: {  	[smem:$0x3F94] =	sst s1  }
0xa: {  	[smem:$0x3F95] =	sst s2  }
0xb: {  	[smem:$0x3F96] =	sst s3  }
0xc: {  	[smem:$0x3F97] =	sst s4  }
0xd: {  	[smem:$0x3F98] =	sst s5  }
0xe: {  	[smem:$0x3F99] =	sst s6  }
0xf: {  	[smem:$0x3F9A] =	sst s7  }
0x10: {  	[smem:$0x3F9B] =	sst s8  }
0x11: {  	[smem:$0x3F9C] =	sst s9;
	s0 =	simm.s32 @!p0 $0x0  }
0x12: {  	s1 =	sld [smem:$0x3F82];
	s0 =	simm.s32 @p0 $0x1  }
0x13: {  	[smem:$0x3F9D] =	sst s0;
	s0 =	simm.s32 @!p1 $0x0  }
0x14: {  	s2 =	sld [smem:$0x3F81];
	s0 =	simm.s32 @p1 $0x1  }
0x15: {  	[smem:$0x3F9E] =	sst s0;
	s0 =	simm.s32 @!p2 $0x0  }
0x16: {  	s3 =	sld [smem:$0x3FDB];
	s0 =	simm.s32 @p2 $0x1  }
0x17: {  	s4 =	simm.s32 $0x1BF5;
	[smem:$0x3FA0] =	sst s0  }
0x18: {  	s0 =	sld [smem:$0x3F83];
	_ =	swait.ge [sflag:s4], $0x0  }
0x19: {  	s7 =	sld [smem:$0x3F84]  }
0x1a: {  	s8 =	sadd.s32 $0xFFFFE003, lr  }
0x1b: {  	s9 =	sadd.s32 $0xFFFFFEF7, lr;
	s5 =	simm.s32 $0xFFFFFFFF;
	p2 =	slt.u32 s8, $0xFFFFF086  }
0x1c: {  	p1 =	slt.u32 s9, $0xF7A;
	s5 =	simm.s32 @!p2 $0x0  }
0x1d: {  	s5 =	simm.s32 @p1 $0x1;
	p0 =	seq.s32 s7, s2  }
0x1e: {  	s7 =	smul.u32 @!p0 $0xF7A, s2;
	p2 =	seq.s32 @!p0 s5, $0x0  }
0x1f: {  	s9 =	smul.u32 $0xF7A, s1;
	s8 =	simm.s32 @!p0 $0x1BF5;
	p2 =	por !p2, p0  }
0x20: {  	[sflag:s8] =	ssyncset.s32 @!p0 $0xFFFFF086;
	s6 =	sadd.s32 @!p0 s3, s7;
	s7 =	simm.s32 @!p0 $0x108  }
0x21: {  	s3 =	sadd.s32 s3, s9;
	s6 =	sadd.s32 @!p0 $0x88, s6;
	s7 =	simm.s32 @p2 $0x1082  }
0x22: {  	[simem:s7], [sflag:s8] =	dma.local @!p0 [hbm:s6], $0xF7A  }
0x23: {  	s9 =	sor.u32 $0xD0000000, s2;
	s6 =	simm.s32 $0x108;
	_ =	swait.ge @!p0 [sflag:s8], $0x0  }
0x24: {  	s3 =	sadd.s32 $0x88, s3;
	s6 =	simm.s32 @!p1 $0x1082;
	[sflag:s4] =	ssyncset.s32 $0xFFFFF086  }
0x25: {  	[simem:s6], [sflag:s4] =	dma.local [hbm:s3], $0xF7A  }
0x26: {  	[smem:$0x3F84] =	sst s1;
	(tag) =	ssettag s2;
	_ =	strace s9  }
0x27: {  	s1 =	sld [smem:$0x3F94]  }
0x28: {  	s2 =	sld [smem:$0x3F95]  }
0x29: {  	s4 =	sld [smem:$0x3F97]  }
0x2a: {  	p0 =	seq.s32 s5, $0x0;
	s5 =	sld [smem:$0x3F98]  }
0x2b: {  	s6 =	sld [smem:$0x3F99]  }
0x2c: {  	s7 =	sld [smem:$0x3F9A]  }
0x2d: {  	s3 =	simm.s32 $0x108;
	s8 =	sld [smem:$0x3F9B]  }
0x2e: {  	s3 =	simm.s32 @!p0 $0x1082;
	s9 =	sld [smem:$0x3F9C]  }
0x2f: {  	lr =	sadd.s32 s0, s3;
	s0 =	sld [smem:$0x3F93]  }
0x30: {  	s3 =	sld [smem:$0x3F96]  }
0x31: {  	[smem:$0x3F9F] =	sst s10  }
0x32: {  	s10 =	sld [smem:$0x3F9D];
	_ =	sdelay $0x3  }
0x33: {  	p0 =	seq.s32 s10, $0x1;
	s10 =	sld [smem:$0x3F9F];
	_ =	sdelay $0x3  }
0x34: {  	[smem:$0x3F9F] =	sst s10  }
0x35: {  	s10 =	sld [smem:$0x3F9E];
	_ =	sdelay $0x3  }
0x36: {  	p1 =	seq.s32 s10, $0x1;
	s10 =	sld [smem:$0x3F9F];
	_ =	sdelay $0x3  }
0x37: {  	[smem:$0x3F9F] =	sst s10  }
0x38: {  	s10 =	sld [smem:$0x3FA0]  }
0x39: {  	_ = 	snop;
	(pc) =	sbr.ind lr, $3  }
0x3a: {  	_ = 	snop  }
0x3b: {  	_ = 	snop  }
0x3c: {  	p2 =	seq.s32 s10, $0x1;
	s10 =	sld [smem:$0x3F9F]  }
0x3d: {  	_ =	shalt  }
0x3e: {  	_ =	shalt  }
0x3f: {  	_ =	shalt  }
0x40: {  	_ =	shalt  }
0x41: {  	_ =	shalt  }
0x42: {  	_ =	shalt  }
0x43: {  	_ =	shalt  }
0x44: {  	_ =	shalt  }
0x45: {  	_ =	shalt  }
0x46: {  	_ =	shalt  }
0x47: {  	_ =	shalt  }
0x48: {  	_ =	shalt  }
0x49: {  	_ =	shalt  }
0x4a: {  	_ =	shalt  }
0x4b: {  	_ =	shalt  }
0x4c: {  	_ =	shalt  }
0x4d: {  	_ =	shalt  }
0x4e: {  	_ =	shalt  }
0x4f: {  	_ =	shalt  }
0x50: {  	_ =	shalt  }
0x51: {  	_ =	shalt  }
0x52: {  	_ =	shalt  }
0x53: {  	_ =	shalt  }
0x54: {  	_ =	shalt  }
0x55: {  	_ =	shalt  }
0x56: {  	_ =	shalt  }
0x57: {  	_ =	shalt  }
0x58: {  	_ =	shalt  }
0x59: {  	_ =	shalt  }
0x5a: {  	_ =	shalt  }
0x5b: {  	_ =	shalt  }
0x5c: {  	_ =	shalt  }
0x5d: {  	_ =	shalt  }
0x5e: {  	_ =	shalt  }
0x5f: {  	_ =	shalt  }
0x60: {  	_ =	shalt  }
0x61: {  	_ =	shalt  }
0x62: {  	_ =	shalt  }
0x63: {  	_ =	shalt  }
0x64: {  	_ =	shalt  }
0x65: {  	_ =	shalt  }
0x66: {  	_ =	shalt  }
0x67: {  	_ =	shalt  }
0x68: {  	_ =	shalt  }
0x69: {  	_ =	shalt  }
0x6a: {  	_ =	shalt  }
0x6b: {  	_ =	shalt  }
0x6c: {  	_ =	shalt  }
0x6d: {  	_ =	shalt  }
0x6e: {  	_ =	shalt  }
0x6f: {  	_ =	shalt  }
0x70: {  	_ =	shalt  }
0x71: {  	_ =	shalt  }
0x72: {  	_ =	shalt  }
0x73: {  	_ =	shalt  }
0x74: {  	_ =	shalt  }
0x75: {  	_ =	shalt  }
0x76: {  	_ =	shalt  }
0x77: {  	_ =	shalt  }
0x78: {  	_ =	shalt  }
0x79: {  	_ =	shalt  }
0x7a: {  	_ =	shalt  }
0x7b: {  	_ =	shalt  }
0x7c: {  	_ =	shalt  }
0x7d: {  	_ =	shalt  }
0x7e: {  	_ =	shalt  }
0x7f: {  	_ =	shalt  }
0x80: {  	_ =	shalt  }
0x81: {  	_ =	shalt  }
0x82: {  	_ =	shalt  }
0x83: {  	_ =	shalt  }
0x84: {  	_ =	shalt  }
0x85: {  	_ =	shalt  }
0x86: {  	_ =	shalt  }
0x87: {  	_ =	shalt  }
.Lfunc_end0:
.L_simem_size_0:
called_computation.2_lowered:
.L_overlay_start_0:
0x88: {  	s2 =	sld [smem:$0x3FD9]  }
0x89: {  	s3 =	sld [smem:$0x3FFE];
	_ =	sdelay $0x1  }
0x8a: {  	s1 =	srdreg.scid  }
0x8b: {  	s0 =	sand.u32 $0x1, s1  }
0x8c: {  	s16 =	sshll.u32 s0, $0xA;
	s2 =	sadd.s32 s3, s2  }
0x8d: {  	s2 =	sadd.s32 s2, s16  }
0x8e: {  	[smem:$0x3FAB] =	sst s2  }
0x8f: {  	_ = 	snop  }
0x90: {  	(tm) =	ssettm $0x1  }
0x91: {  	s17 =	sld [smem:$0x3FFB];
	_ =	sdelay $0x3  }
0x92: {  	_ =	strace s17  }
0x93: {  	s2 =	sld [smem:$0x3FFC];
	_ =	sdelay $0x3  }
0x94: {  	_ =	strace s2  }
0x95: {  	s2 =	sld [smem:$0x3FFD];
	_ =	sdelay $0x3  }
0x96: {  	_ =	strace s2  }
0x97: {  	_ =	strace $0x8FFFFFFF  }
0x98: {  	s18 =	sld [smem:$0x3FDB];
	_ =	sdelay $0x1  }
0x99: {  	s19 =	simm.s32 $_scs_section_size  }
0x9a: {  	s4 =	simm.s32 $_size__tile_overlayer_lowered;
	s5 =	simm.s32 $_tile_overlayer_lowered  }
0x9b: {  	s22 =	simm.s32 $0x1BFF;
	s21 =	sshll.u32 s5, $0x1;
	s2 =	sadd.s32 s19, s18  }
0x9c: {  	s6 =	simm.s32 $0x0;
	s20 =	sshll.u32 s4, $0x1;
	s4 =	sadd.s32 s21, s2  }
0x9d: {  	[timem:s6], [sflag:s22] =	dma.local [hbm:s4], s20  }
0x9e: {  	_ =	swait.ge [sflag:s22], s20  }
0x9f: {  	s3 =	ssub.s32 $0x0, s20;
	[sflag:s22] =	ssyncset.done $0x0  }
0xa0: {  	[sflag:s22] =	ssyncadd.s32 s3;
	_ =	sdelay $0x1  }
0xa1: {  	s23 =	simm.s32 $0x1B8B  }
0xa2: {  	_ =	swait.ge [sflag:s23], $0x1  }
0xa3: {  	[sflag:s23] =	ssyncset.done $0x0  }
0xa4: {  	s25 =	simm.s32 $0x1B8E;
	s24 =	sld [smem:$0x3FFE];
	[sflag:s23] =	ssyncadd.s32 $0xFFFFFFFF  }
0xa5: {  	s26 =	simm.s32 $execute0_lowered;
	[smem:$0x3FD2] =	sst s25  }
0xa6: {  	s4 =	sshll.u32 s26, $0x1;
	_ =	strace $0x8000004C;
	[dreg:$0x1] =	wrdreg $0xFFFFFFFF  }
0xa7: {  	s28 =	simm.s32 $_size_execute0_lowered;
	s2 =	sadd.s32 s2, s4;
	[dreg:$0x0] =	wrdreg $0x0  }
0xa8: {  	s4 =	sshll.u32 s28, $0x1;
	[dreg:$0x2] =	wrdreg s2  }
0xa9: {  	[dreg:$0x3] =	wrdreg s4  }
0xaa: {  	[dreg:$0x4] =	wrdreg $0xC0  }
0xab: {  	_ =	task [dreg:s6], $0x5FFFF  }
0xac: {  	[dreg:$0x1] =	wrdreg $0xFFFFFFFF  }
0xad: {  	[dreg:$0x0] =	wrdreg $0x60  }
0xae: {  	[dreg:$0x2] =	wrdreg s24  }
0xaf: {  	[dreg:$0x3] =	wrdreg $0x81000  }
0xb0: {  	[dreg:$0x4] =	wrdreg $0x9  }
0xb1: {  	_ =	task.clear_ibuf [dreg:s6], $0x5FFFF;
	_ =	strace $0x9000004C  }
0xb2: {  	s29 =	simm.s32 $0x9;
	_ =	strace $0x8000004E  }
0xb3: {  	_ =	swait.ge [sflag:s29], $0x1  }
0xb4: {  	[sflag:s29] =	ssyncadd.s32 $0xFFFFFFFF  }
0xb5: {  	_ =	strace $0x9000004E  }
0xb6: {  	_ =	sfence  }
0xb7: {  	s30 =	sld [smem:$0x0];
	_ =	sdelay $0x2  }
0xb8: {  	s31 =	sshll.u32 s1, $0xD;
	s1 =	sshrl.u32 s1, $0x2  }
0xb9: {  	s3 =	sand.u32 $0x4000, s31;
	s1 =	sadd.s32 s1, s30  }
0xba: {  	s0 =	sor.u32 s3, s0;
	s1 =	sshll.u32 s1, $0x11  }
0xbb: {  	s0 =	sor.u32 s1, s0  }
0xbc: {  	s0 =	sadd.s32 $0x8F2B, s0  }
0xbd: {  	[sflag:s0] =	ssyncadd.remote.s32 $0x1  }
0xbe: {  	_ =	sfence.sel $0xFFFF  }
0xbf: {  	[dreg:$0x0] =	wrdreg $0xFFFFFFFF;
	(pc) =	sbr.abs _section_cstart, $3  }
0xc0: {  	[dreg:$0x1] =	wrdreg $0xFFFFFFFF  }
0xc1: {  	_ =	task.clear_ibuf [dreg:s6], $0x2FFFF;
	_ =	strace $0x9FFFFFFF  }
0xc2: {  	(tm) =	ssettm $0x7FFFFFFF  }
0xc3: {  	_ =	shalt  }
tec
execute0_lowered:
.L_overlay_start_1:
0x0: {  	(tag) =	ssettag $0x1  }
0x1: {  	s7 =	rddreg [dreg:$0x0]  }
0x2: {  	s1 =	rddreg [dreg:$0x1]  }
0x3: {  	s0 =	rddreg [dreg:$0x2]  }
0x4: {  	s2 =	simm.s32 $0x0;
	s3 =	stileid.u32;
	s5 =	srdreg.scid  }
0x5: {  	s17 =	simm.s32 $0x3;
	s18 =	simm.s32 $0x80;
	s19 =	simm.s32 $0x1  }
0x6: {  	s20 =	simm.s32 $0x4;
	s21 =	simm.s32 $0x0;
	[smem:$0x7FF] =	sst s2  }
0x7: {  	s8 =	sadd.s32 $0x43400, s7;
	s9 =	sadd.s32 $0xB9C00, s7;
	s4 =	sadd.s32 $0x7E00, s7  }
0x8: {  	s5 =	sand.u32 $0x1, s5;
	s10 =	smul.u32 $0x4F000, s3;
	s6 =	sadd.s32 $0x11C00, s7  }
0x9: {  	s11 =	sshll.u32 s3, $0xB;
	s29 =	smul.u32 $0x2780, s3;
	s30 =	sshll.u32 s3, $0x4  }
0xa: {  	s31 =	sshll.u32 s3, $0x6;
	_ =	strace $0x8000004D;
	s12 =	ssub.s32 $0x2, s5  }
0xb: {  	s14 =	sadd.s32 s11, s7;
	p0 =	seq.s32 s5, $0x0;
	s15 =	smov.u32 s6  }
0xc: {  	s11 =	sor.u32 $0x200, s30;
	s28 =	sshrl.u32 s12, $0x1;
	s10 =	sshrl.u32 s10, $0x2  }
.Ltmp0:
0xd: {  	s9 =	smov.u32 @p0 s8;
	s15 =	smov.u32 @p0 s4;
	(pc) =	sbr.rel .LBB2_1-.Ltmp0, $4  }
0xe: {  	s13 =	sadd.s32 $0xF10C00, s14;
	s14 =	sadd.s32 $0xE1400, s14;
	p0 =	sne.s32 s5, $0x0  }
0xf: {  	s7 =	ssub.s32 s12, s28;
	s16 =	sadd.s32 s10, s1;
	s8 =	sadd.s32 s9, s29  }
0x10: {  	s9 =	sadd.s32 s15, s30;
	s10 =	sor.u32 $0x1C03, s31;
	s12 =	sor.u32 $0x20, s3  }
0x11: {  	s15 =	sadd.s32 $0x100, s15;
	s7 =	smax.u32 s7, $0x1;
	s16 =	sshrl.u32 s16, $0x3  }
.LBB2_9:
0x12: {  	s21 =	sadd.s32 $0x1, s21  }
0x13: {  	p1 =	sne.s32 s21, s7  }
.Ltmp1:
0x14: {  	_ = 	snop;
	(pc) =	sbr.rel @!p1 .LBB2_10-.Ltmp1, $1  }
0x15: {  	_ =	sdelay $0x3  }
.LBB2_1:
0x16: {  	[spmem:s16], [sflag:s10] =	dma.local [hbm:s8], $0x2780  }
0x17: {  	_ =	swait.ge [sflag:s17], $0x2780  }
0x18: {  	[sflag:s17] =	ssyncset.done $0x0  }
0x19: {  	[sflag:s17] =	ssyncadd.s32 $0xFFFFD880  }
0x1a: {  	[bflag:$0x0] =	sbarrier.arrive $0xFFFF  }
0x1b: {  	[tilespmem:s2], [sflag:$0x3] =	stream.linear.gather [hbm4b:s9+s2], $0x80, $0x38;
	[tilespmem:$0x1BD00] =	vst v63  }
.Ltmp2:
0x1c: {  	_ = 	snop;
	(pc) =	sbr.rel .LBB2_2-.Ltmp2, $4  }
0x1d: {  	_ =	swait.ge [sflag:s17], $0x80  }
0x1e: {  	s22 =	smov.u32 s12;
	[sflag:s17] =	ssyncset.done $0x0  }
0x1f: {  	s23 =	smov.u32 s11;
	s24 =	simm.s32 $0x0;
	[sflag:s17] =	ssyncadd.s32 $0xFFFFFF80  }
0x20: {  	[tilespmem:s18], [sflag:$0x1] =	stream.indirect.gather [spmem:s1], $0x80, s2, s18, $0xb8;
	[tilespmem:$0x1BD00] =	vst v63  }
.LBB2_6:
0x21: {  	s25 =	sadd.s32 s23, s25  }
0x22: {  	[tilespmem:s2], [sflag:$0x4] =	stream.linear.gather [hbm4b:s25+s2], $0x80, $0x38;
	[tilespmem:$0x1BD00] =	vst v63  }
0x23: {  	_ =	swait.ge [sflag:s20], $0x80  }
0x24: {  	[sflag:s20] =	ssyncset.done $0x0  }
0x25: {  	[sflag:s20] =	ssyncadd.s32 $0xFFFFFF80  }
0x26: {  	[tilespmem:s18], [sflag:$0x1] =	stream.indirect.gather [spmem:s1], $0x80, s2, s18, $0xb8;
	[tilespmem:$0x1BD00] =	vst v63  }
.LBB2_7:
0x27: {  	s25 =	simm.s32 @!p1 $0x2  }
0x28: {  	p2 =	sne.s32 @!p1 s5, $0x0;
	_ =	swait.ge @!p1 [sflag:s25], $0x4000  }
0x29: {  	p3 =	por !p2, p1;
	[sflag:s25] =	ssyncset.done @!p1 $0x0  }
0x2a: {  	[sflag:s25] =	ssyncadd.s32 @!p1 $0xFFFFC000;
	s25 =	sadd.s32 @!p3 s24, s13  }
0x2b: {  	s26 =	simm.s32 @!p3 $0x0;
	s28 =	simm.s32 @!p3 $0x4100;
	s25 =	sadd.s32 @!p3 $0x8000, s25  }
0x2c: {  	[hbm4b:s25+s26] =	stream.linear.scatter @!p3 [tilespmem:s28], [sflag:$0x3], $0x4000, $0x38;
	[tilespmem:$0x1BD00] =	vst v63  }
0x2d: {  	s25 =	simm.s32 @!p3 $0x3  }
0x2e: {  	_ =	swait.ge @!p3 [sflag:s25], $0x4000  }
0x2f: {  	p1 =	por p2, p1;
	[sflag:s25] =	ssyncset.done @!p3 $0x0  }
0x30: {  	[sflag:s25] =	ssyncadd.s32 @!p3 $0xFFFFC000;
	s25 =	sadd.s32 @!p1 s24, s14  }
0x31: {  	s26 =	simm.s32 @!p1 $0x0;
	s28 =	simm.s32 @!p1 $0x4100;
	s25 =	sadd.s32 @!p1 $0x8000, s25  }
0x32: {  	[hbm4b:s25+s26] =	stream.linear.scatter @!p1 [tilespmem:s28], [sflag:$0x4], $0x4000, $0x38;
	[tilespmem:$0x1BD00] =	vst v63  }
0x33: {  	s25 =	simm.s32 @!p1 $0x4  }
0x34: {  	_ =	swait.ge @!p1 [sflag:s25], $0x4000  }
0x35: {  	[sflag:s25] =	ssyncset.done @!p1 $0x0  }
0x36: {  	[sflag:s25] =	ssyncadd.s32 @!p1 $0xFFFFC000  }
.LBB2_8:
0x37: {  	s24 =	sadd.s32 $0x10000, s24  }
0x38: {  	p1 =	sne.s32 s24, $0x4F0000  }
.Ltmp3:
0x39: {  	_ = 	snop;
	(pc) =	sbr.rel @!p1 .LBB2_9-.Ltmp3, $2  }
0x3a: {  	_ =	sdelay $0x2  }
0x3b: {  	s23 =	sadd.s32 $0x200, s23;
	s22 =	sadd.s32 $0x20, s22  }
.LBB2_2:
0x3c: {  	s25 =	sadd.s32 $0xFFFFFFF0, s22  }
0x3d: {  	s31 =	sadd.s32 $0xFFFFFFE0, s22;
	p1 =	sgt.u32 s25, $0x9C3  }
0x3e: {  	p2 =	sgt.u32 s31, $0x9C3;
	s25 =	sadd.s32 @!p1 s23, s15  }
0x3f: {  	s26 =	simm.s32 @!p1 $0x0;
	s28 =	simm.s32 @!p1 $0x4080;
	s25 =	sadd.s32 @!p1 $0xFFFFFE00, s25  }
0x40: {  	[tilespmem:s28], [sflag:$0x4] =	stream.linear.gather @!p1 [hbm4b:s25+s26], $0x80, $0x38;
	[tilespmem:$0x1BD00] =	vst v63  }
.Ltmp4:
0x41: {  	s25 =	simm.s32 @!p1 $0x4;
	(pc) =	sbr.rel @p2 .LBB2_8-.Ltmp4, $4  }
0x42: {  	_ =	swait.ge @!p1 [sflag:s25], $0x80  }
0x43: {  	[sflag:s25] =	ssyncset.done @!p1 $0x0  }
0x44: {  	s29 =	simm.s32 @!p1 $0x4100;
	[sflag:s25] =	ssyncadd.s32 @!p1 $0xFFFFFF80;
	s25 =	simm.s32 @!p1 $0x80  }
0x45: {  	[tilespmem:s29], [sflag:$0x2] =	stream.indirect.gather @!p1 [spmem:s1], $0x80, s28, s25, $0xb8;
	[tilespmem:$0x1BD00] =	vst v63  }
.Ltmp5:
0x46: {  	(pc) =	sbr.rel @p0 .LBB2_5-.Ltmp5, $4  }
0x47: {  	_ = 	snop  }
0x48: {  	_ =	swait.ge [sflag:s19], $0x4000  }
0x49: {  	[sflag:s19] =	ssyncset.done $0x0  }
0x4a: {  	[sflag:s19] =	ssyncadd.s32 $0xFFFFC000  }
0x4b: {  	s25 =	sadd.s32 s24, s14;
	p2 =	slt.u32 s22, $0x9C4  }
0x4c: {  	[hbm4b:s25+s2] =	stream.linear.scatter [tilespmem:s18], [sflag:$0x4], $0x4000, $0x38;
	[tilespmem:$0x1BD00] =	vst v63  }
.Ltmp6:
0x4d: {  	_ = 	snop;
	(pc) =	sbr.rel @p2 .LBB2_6-.Ltmp6, $4  }
.Ltmp7:
0x4e: {  	_ = 	snop;
	(pc) =	sbr.rel @!p2 .LBB2_7-.Ltmp7, $4  }
0x4f: {  	_ =	swait.ge [sflag:s20], $0x4000  }
0x50: {  	[sflag:s20] =	ssyncset.done $0x0  }
0x51: {  	s25 =	smov.u32 s4;
	[sflag:s20] =	ssyncadd.s32 $0xFFFFC000  }
0x52: {  	_ = 	snop  }
.LBB2_5:
0x53: {  	s25 =	sadd.s32 s24, s13;
	p2 =	sgt.u32 s22, $0x9C3  }
0x54: {  	[hbm4b:s25+s2] =	stream.linear.scatter [tilespmem:s18], [sflag:$0x4], $0x4000, $0x38;
	[tilespmem:$0x1BD00] =	vst v63  }
.Ltmp8:
0x55: {  	_ = 	snop;
	(pc) =	sbr.rel @p2 .LBB2_7-.Ltmp8, $4  }
.Ltmp9:
0x56: {  	_ = 	snop;
	(pc) =	sbr.rel @!p2 .LBB2_6-.Ltmp9, $4  }
0x57: {  	_ =	swait.ge [sflag:s20], $0x4000  }
0x58: {  	[sflag:s20] =	ssyncset.done $0x0  }
0x59: {  	s25 =	smov.u32 s6;
	[sflag:s20] =	ssyncadd.s32 $0xFFFFC000  }
0x5a: {  	_ = 	snop  }
.LBB2_10:
0x5b: {  	_ =	sfence.sel $0x180000  }
0x5c: {  	[bflag:$0x0] =	sbarrier.arrive $0xFFFF  }
0x5d: {  	p0 =	sne.s32 s3, $0x0;
	_ =	strace $0x9000004D  }
0x5e: {  	s0 =	sadd.s32 @!p0 $0x100000, s0;
	[bflag:$0x2] =	sbarrier.arrive $0xFFFF  }
0x5f: {  	[sflag:s0] =	ssyncadd.tile.s32 @!p0 $0x1;
	_ =	shalt  }
.Lfunc_end2:
_tile_overlayer_lowered:
.L_overlay_start_2:
0x60: {  	(tag) =	ssettag $0x2  }
0x61: {  	s0 =	rddreg [dreg:$0x0];
	s2 =	stileid.u32  }
0x62: {  	s1 =	rddreg [dreg:$0x1];
	p0 =	sne.s32 s2, $0x0  }
0x63: {  	s3 =	rddreg [dreg:$0x2];
	[bflag:$0x3] =	sbarrier.arrive $0xFFFF;
	s2 =	simm.s32 @!p0 $0x1C03  }
0x64: {  	[timem:s3], [sflag:s2] =	dma.local @!p0 [hbm:s0], s1  }
0x65: {  	s0 =	simm.s32 @!p0 $0x3  }
0x66: {  	_ =	swait.ge @!p0 [sflag:s0], s1  }
0x67: {  	s1 =	ssub.s32 @!p0 $0x0, s1;
	[sflag:s0] =	ssyncset.done @!p0 $0x0  }
0x68: {  	[sflag:s0] =	ssyncadd.s32 @!p0 s1  }
0x69: {  	[bflag:$0x3] =	sbarrier.arrive $0xFFFF  }
0x6a: {  	_ =	shalt  }

// kernel: kernel.20.cloned.1.call-start
scs
__scs_entry_jumppad:
0x0: {  	(pc) =	sbr.rel $0x88, $3  }
0x1: {  	(tag) =	ssettag $0x0;
	lr =	simm.s32 $0x1  }
0x2: {  	[smem:$0x3F84] =	sst lr;
	_ =	strace $0xD0000000  }
0x3: {  	_ = 	snop  }
0x4: {  	_ = 	snop  }
0x5: {  	_ = 	snop  }
0x6: {  	_ = 	snop  }
0x7: {  	_ = 	snop  }
__scs_overlays_trampoline_lowered:
0x8: {  	[smem:$0x3F93] =	sst s0  }
0x9: {  	[smem:$0x3F94] =	sst s1  }
0xa: {  	[smem:$0x3F95] =	sst s2  }
0xb: {  	[smem:$0x3F96] =	sst s3  }
0xc: {  	[smem:$0x3F97] =	sst s4  }
0xd: {  	[smem:$0x3F98] =	sst s5  }
0xe: {  	[smem:$0x3F99] =	sst s6  }
0xf: {  	[smem:$0x3F9A] =	sst s7  }
0x10: {  	[smem:$0x3F9B] =	sst s8  }
0x11: {  	[smem:$0x3F9C] =	sst s9;
	s0 =	simm.s32 @!p0 $0x0  }
0x12: {  	s1 =	sld [smem:$0x3F82];
	s0 =	simm.s32 @p0 $0x1  }
0x13: {  	[smem:$0x3F9D] =	sst s0;
	s0 =	simm.s32 @!p1 $0x0  }
0x14: {  	s2 =	sld [smem:$0x3F81];
	s0 =	simm.s32 @p1 $0x1  }
0x15: {  	[smem:$0x3F9E] =	sst s0;
	s0 =	simm.s32 @!p2 $0x0  }
0x16: {  	s3 =	sld [smem:$0x3FDB];
	s0 =	simm.s32 @p2 $0x1  }
0x17: {  	s4 =	simm.s32 $0x1BF5;
	[smem:$0x3FA0] =	sst s0  }
0x18: {  	s0 =	sld [smem:$0x3F83];
	_ =	swait.ge [sflag:s4], $0x0  }
0x19: {  	s7 =	sld [smem:$0x3F84]  }
0x1a: {  	s8 =	sadd.s32 $0xFFFFE003, lr  }
0x1b: {  	s9 =	sadd.s32 $0xFFFFFEF7, lr;
	s5 =	simm.s32 $0xFFFFFFFF;
	p2 =	slt.u32 s8, $0xFFFFF086  }
0x1c: {  	p1 =	slt.u32 s9, $0xF7A;
	s5 =	simm.s32 @!p2 $0x0  }
0x1d: {  	s5 =	simm.s32 @p1 $0x1;
	p0 =	seq.s32 s7, s2  }
0x1e: {  	s7 =	smul.u32 @!p0 $0xF7A, s2;
	p2 =	seq.s32 @!p0 s5, $0x0  }
0x1f: {  	s9 =	smul.u32 $0xF7A, s1;
	s8 =	simm.s32 @!p0 $0x1BF5;
	p2 =	por !p2, p0  }
0x20: {  	[sflag:s8] =	ssyncset.s32 @!p0 $0xFFFFF086;
	s6 =	sadd.s32 @!p0 s3, s7;
	s7 =	simm.s32 @!p0 $0x108  }
0x21: {  	s3 =	sadd.s32 s3, s9;
	s6 =	sadd.s32 @!p0 $0x88, s6;
	s7 =	simm.s32 @p2 $0x1082  }
0x22: {  	[simem:s7], [sflag:s8] =	dma.local @!p0 [hbm:s6], $0xF7A  }
0x23: {  	s9 =	sor.u32 $0xD0000000, s2;
	s6 =	simm.s32 $0x108;
	_ =	swait.ge @!p0 [sflag:s8], $0x0  }
0x24: {  	s3 =	sadd.s32 $0x88, s3;
	s6 =	simm.s32 @!p1 $0x1082;
	[sflag:s4] =	ssyncset.s32 $0xFFFFF086  }
0x25: {  	[simem:s6], [sflag:s4] =	dma.local [hbm:s3], $0xF7A  }
0x26: {  	[smem:$0x3F84] =	sst s1;
	(tag) =	ssettag s2;
	_ =	strace s9  }
0x27: {  	s1 =	sld [smem:$0x3F94]  }
0x28: {  	s2 =	sld [smem:$0x3F95]  }
0x29: {  	s4 =	sld [smem:$0x3F97]  }
0x2a: {  	p0 =	seq.s32 s5, $0x0;
	s5 =	sld [smem:$0x3F98]  }
0x2b: {  	s6 =	sld [smem:$0x3F99]  }
0x2c: {  	s7 =	sld [smem:$0x3F9A]  }
0x2d: {  	s3 =	simm.s32 $0x108;
	s8 =	sld [smem:$0x3F9B]  }
0x2e: {  	s3 =	simm.s32 @!p0 $0x1082;
	s9 =	sld [smem:$0x3F9C]  }
0x2f: {  	lr =	sadd.s32 s0, s3;
	s0 =	sld [smem:$0x3F93]  }
0x30: {  	s3 =	sld [smem:$0x3F96]  }
0x31: {  	[smem:$0x3F9F] =	sst s10  }
0x32: {  	s10 =	sld [smem:$0x3F9D];
	_ =	sdelay $0x3  }
0x33: {  	p0 =	seq.s32 s10, $0x1;
	s10 =	sld [smem:$0x3F9F];
	_ =	sdelay $0x3  }
0x34: {  	[smem:$0x3F9F] =	sst s10  }
0x35: {  	s10 =	sld [smem:$0x3F9E];
	_ =	sdelay $0x3  }
0x36: {  	p1 =	seq.s32 s10, $0x1;
	s10 =	sld [smem:$0x3F9F];
	_ =	sdelay $0x3  }
0x37: {  	[smem:$0x3F9F] =	sst s10  }
0x38: {  	s10 =	sld [smem:$0x3FA0]  }
0x39: {  	_ = 	snop;
	(pc) =	sbr.ind lr, $3  }
0x3a: {  	_ = 	snop  }
0x3b: {  	_ = 	snop  }
0x3c: {  	p2 =	seq.s32 s10, $0x1;
	s10 =	sld [smem:$0x3F9F]  }
0x3d: {  	_ =	shalt  }
0x3e: {  	_ =	shalt  }
0x3f: {  	_ =	shalt  }
0x40: {  	_ =	shalt  }
0x41: {  	_ =	shalt  }
0x42: {  	_ =	shalt  }
0x43: {  	_ =	shalt  }
0x44: {  	_ =	shalt  }
0x45: {  	_ =	shalt  }
0x46: {  	_ =	shalt  }
0x47: {  	_ =	shalt  }
0x48: {  	_ =	shalt  }
0x49: {  	_ =	shalt  }
0x4a: {  	_ =	shalt  }
0x4b: {  	_ =	shalt  }
0x4c: {  	_ =	shalt  }
0x4d: {  	_ =	shalt  }
0x4e: {  	_ =	shalt  }
0x4f: {  	_ =	shalt  }
0x50: {  	_ =	shalt  }
0x51: {  	_ =	shalt  }
0x52: {  	_ =	shalt  }
0x53: {  	_ =	shalt  }
0x54: {  	_ =	shalt  }
0x55: {  	_ =	shalt  }
0x56: {  	_ =	shalt  }
0x57: {  	_ =	shalt  }
0x58: {  	_ =	shalt  }
0x59: {  	_ =	shalt  }
0x5a: {  	_ =	shalt  }
0x5b: {  	_ =	shalt  }
0x5c: {  	_ =	shalt  }
0x5d: {  	_ =	shalt  }
0x5e: {  	_ =	shalt  }
0x5f: {  	_ =	shalt  }
0x60: {  	_ =	shalt  }
0x61: {  	_ =	shalt  }
0x62: {  	_ =	shalt  }
0x63: {  	_ =	shalt  }
0x64: {  	_ =	shalt  }
0x65: {  	_ =	shalt  }
0x66: {  	_ =	shalt  }
0x67: {  	_ =	shalt  }
0x68: {  	_ =	shalt  }
0x69: {  	_ =	shalt  }
0x6a: {  	_ =	shalt  }
0x6b: {  	_ =	shalt  }
0x6c: {  	_ =	shalt  }
0x6d: {  	_ =	shalt  }
0x6e: {  	_ =	shalt  }
0x6f: {  	_ =	shalt  }
0x70: {  	_ =	shalt  }
0x71: {  	_ =	shalt  }
0x72: {  	_ =	shalt  }
0x73: {  	_ =	shalt  }
0x74: {  	_ =	shalt  }
0x75: {  	_ =	shalt  }
0x76: {  	_ =	shalt  }
0x77: {  	_ =	shalt  }
0x78: {  	_ =	shalt  }
0x79: {  	_ =	shalt  }
0x7a: {  	_ =	shalt  }
0x7b: {  	_ =	shalt  }
0x7c: {  	_ =	shalt  }
0x7d: {  	_ =	shalt  }
0x7e: {  	_ =	shalt  }
0x7f: {  	_ =	shalt  }
0x80: {  	_ =	shalt  }
0x81: {  	_ =	shalt  }
0x82: {  	_ =	shalt  }
0x83: {  	_ =	shalt  }
0x84: {  	_ =	shalt  }
0x85: {  	_ =	shalt  }
0x86: {  	_ =	shalt  }
0x87: {  	_ =	shalt  }
.Lfunc_end0:
.L_simem_size_0:
called_computation.3_lowered:
.L_overlay_start_0:
0x88: {  	s2 =	sld [smem:$0x3FD9]  }
0x89: {  	s3 =	sld [smem:$0x3FFE];
	_ =	sdelay $0x1  }
0x8a: {  	s1 =	srdreg.scid  }
0x8b: {  	s0 =	sand.u32 $0x1, s1  }
0x8c: {  	s16 =	sshll.u32 s0, $0xA;
	s2 =	sadd.s32 s3, s2  }
0x8d: {  	s2 =	sadd.s32 s2, s16  }
0x8e: {  	[smem:$0x3FAB] =	sst s2  }
0x8f: {  	_ = 	snop  }
0x90: {  	(tm) =	ssettm $0x1  }
0x91: {  	s17 =	sld [smem:$0x3FFB];
	_ =	sdelay $0x3  }
0x92: {  	_ =	strace s17  }
0x93: {  	s2 =	sld [smem:$0x3FFC];
	_ =	sdelay $0x3  }
0x94: {  	_ =	strace s2  }
0x95: {  	s2 =	sld [smem:$0x3FFD];
	_ =	sdelay $0x3  }
0x96: {  	_ =	strace s2  }
0x97: {  	_ =	strace $0x8FFFFFFF  }
0x98: {  	s18 =	sld [smem:$0x3FDB];
	_ =	sdelay $0x1  }
0x99: {  	s19 =	simm.s32 $_scs_section_size  }
0x9a: {  	s4 =	simm.s32 $_size__tile_overlayer_lowered;
	s5 =	simm.s32 $_tile_overlayer_lowered  }
0x9b: {  	s22 =	simm.s32 $0x1BFF;
	s21 =	sshll.u32 s5, $0x1;
	s2 =	sadd.s32 s19, s18  }
0x9c: {  	s6 =	simm.s32 $0x0;
	s20 =	sshll.u32 s4, $0x1;
	s4 =	sadd.s32 s21, s2  }
0x9d: {  	[timem:s6], [sflag:s22] =	dma.local [hbm:s4], s20  }
0x9e: {  	_ =	swait.ge [sflag:s22], s20  }
0x9f: {  	s3 =	ssub.s32 $0x0, s20;
	[sflag:s22] =	ssyncset.done $0x0  }
0xa0: {  	[sflag:s22] =	ssyncadd.s32 s3;
	_ =	sdelay $0x1  }
0xa1: {  	s23 =	simm.s32 $0x1B8B  }
0xa2: {  	_ =	swait.ge [sflag:s23], $0x1  }
0xa3: {  	[sflag:s23] =	ssyncset.done $0x0  }
0xa4: {  	s25 =	simm.s32 $0x1B8E;
	s24 =	sld [smem:$0x3FFE];
	[sflag:s23] =	ssyncadd.s32 $0xFFFFFFFF  }
0xa5: {  	s26 =	simm.s32 $execute0_lowered;
	[smem:$0x3FD2] =	sst s25  }
0xa6: {  	s4 =	sshll.u32 s26, $0x1;
	_ =	strace $0x8000004F;
	[dreg:$0x1] =	wrdreg $0xFFFFFFFF  }
0xa7: {  	s28 =	simm.s32 $_size_execute0_lowered;
	s2 =	sadd.s32 s2, s4;
	[dreg:$0x0] =	wrdreg $0x0  }
0xa8: {  	s4 =	sshll.u32 s28, $0x1;
	[dreg:$0x2] =	wrdreg s2  }
0xa9: {  	[dreg:$0x3] =	wrdreg s4  }
0xaa: {  	[dreg:$0x4] =	wrdreg $0xC0  }
0xab: {  	_ =	task [dreg:s6], $0x5FFFF  }
0xac: {  	[dreg:$0x1] =	wrdreg $0xFFFFFFFF  }
0xad: {  	[dreg:$0x0] =	wrdreg $0x60  }
0xae: {  	[dreg:$0x2] =	wrdreg s24  }
0xaf: {  	[dreg:$0x3] =	wrdreg $0x81000  }
0xb0: {  	[dreg:$0x4] =	wrdreg $0x9  }
0xb1: {  	_ =	task.clear_ibuf [dreg:s6], $0x5FFFF;
	_ =	strace $0x9000004F  }
0xb2: {  	s29 =	simm.s32 $0x9;
	_ =	strace $0x80000051  }
0xb3: {  	_ =	swait.ge [sflag:s29], $0x1  }
0xb4: {  	[sflag:s29] =	ssyncadd.s32 $0xFFFFFFFF  }
0xb5: {  	_ =	strace $0x90000051  }
0xb6: {  	_ =	sfence  }
0xb7: {  	s30 =	sld [smem:$0x0];
	_ =	sdelay $0x2  }
0xb8: {  	s31 =	sshll.u32 s1, $0xD;
	s1 =	sshrl.u32 s1, $0x2  }
0xb9: {  	s3 =	sand.u32 $0x4000, s31;
	s1 =	sadd.s32 s1, s30  }
0xba: {  	s0 =	sor.u32 s3, s0;
	s1 =	sshll.u32 s1, $0x11  }
0xbb: {  	s0 =	sor.u32 s1, s0  }
0xbc: {  	s0 =	sadd.s32 $0x8F2B, s0  }
0xbd: {  	[sflag:s0] =	ssyncadd.remote.s32 $0x1  }
0xbe: {  	_ =	sfence.sel $0xFFFF  }
0xbf: {  	[dreg:$0x0] =	wrdreg $0xFFFFFFFF;
	(pc) =	sbr.abs _section_cstart, $3  }
0xc0: {  	[dreg:$0x1] =	wrdreg $0xFFFFFFFF  }
0xc1: {  	_ =	task.clear_ibuf [dreg:s6], $0x2FFFF;
	_ =	strace $0x9FFFFFFF  }
0xc2: {  	(tm) =	ssettm $0x7FFFFFFF  }
0xc3: {  	_ =	shalt  }
tec
execute0_lowered:
.L_overlay_start_1:
0x0: {  	(tag) =	ssettag $0x1  }
0x1: {  	s4 =	rddreg [dreg:$0x0]  }
0x2: {  	s1 =	rddreg [dreg:$0x1]  }
0x3: {  	s0 =	rddreg [dreg:$0x2];
	s3 =	simm.s32 $0x0;
	s2 =	stileid.u32  }
0x4: {  	s5 =	srdreg.scid;
	s17 =	simm.s32 $0x4080;
	s18 =	simm.s32 $0x2  }
0x5: {  	s19 =	simm.s32 $0x1;
	s20 =	simm.s32 $0x6;
	s21 =	simm.s32 $0x4  }
0x6: {  	s22 =	simm.s32 $0x3;
	[smem:$0x7FF] =	sst s3;
	s10 =	sadd.s32 $0x13F2C00, s4  }
0x7: {  	s9 =	sand.u32 $0x1, s5;
	s25 =	smul.u32 $0x4F000, s2;
	s11 =	sadd.s32 $0x11C00, s4  }
0x8: {  	s6 =	smul.u32 $0x2780, s2;
	s26 =	sshll.u32 s2, $0x6;
	s23 =	sor.u32 $0x4E0, s2  }
0x9: {  	s30 =	sshll.u32 s2, $0xB;
	s31 =	sshll.u32 s2, $0x4;
	s12 =	smul.u32 $0x4E2, s9  }
0xa: {  	_ =	strace $0x80000050;
	s7 =	ssub.s32 $0x2, s9;
	s15 =	smul.u32 $0x271000, s9  }
0xb: {  	p0 =	seq.s32 s9, $0x1;
	s16 =	smul.u32 $0x4E20, s9;
	s8 =	sshrl.u32 s7, $0x1  }
0xc: {  	s5 =	sshrl.u32 s25, $0x2;
	s13 =	sadd.s32 s6, s4;
	s8 =	ssub.s32 s7, s8  }
0xd: {  	s14 =	sadd.s32 s5, s1;
	s4 =	sadd.s32 $0x1BC00, s13;
	s28 =	sadd.s32 s2, s12  }
0xe: {  	s5 =	sor.u32 $0x1C05, s26;
	s29 =	sshll.u32 s28, $0xB;
	s12 =	sshll.u32 s28, $0x4  }
0xf: {  	s8 =	smax.u32 s8, $0x1;
	s6 =	sadd.s32 s10, s29;
	s7 =	sadd.s32 s11, s12  }
0x10: {  	s12 =	simm.s32 $0x6AC00;
	s10 =	sadd.s32 s15, s10;
	s11 =	sadd.s32 s16, s11  }
0x11: {  	s15 =	simm.s32 $0x80;
	s16 =	simm.s32 $0x4100;
	s12 =	simm.s32 @!p0 $0x43400  }
0x12: {  	p0 =	sgt.u32 s23, $0x4E1;
	s23 =	simm.s32 $0x0;
	s9 =	sadd.s32 s12, s13  }
0x13: {  	s12 =	sadd.s32 s30, s10;
	s10 =	sadd.s32 s31, s11;
	s13 =	sshrl.u32 s14, $0x3  }
0x14: {  	s14 =	simm.s32 $0x5;
	s11 =	sadd.s32 $0x8000, s12;
	s12 =	sor.u32 $0x20, s2  }
.LBB2_1:
0x15: {  	[spmem:s13], [sflag:s5] =	dma.local [hbm:s4], $0x2780  }
0x16: {  	_ =	swait.ge [sflag:s14], $0x2780  }
0x17: {  	[sflag:s14] =	ssyncset.done $0x0  }
0x18: {  	[sflag:s14] =	ssyncadd.s32 $0xFFFFD880  }
0x19: {  	[bflag:$0x0] =	sbarrier.arrive $0xFFFF  }
0x1a: {  	[tilespmem:s15], [sflag:$0x2] =	stream.linear.gather [hbm4b:s6+s3], $0x4000, $0x38;
	[tilespmem:$0x1BD00] =	vst v63  }
0x1b: {  	_ = 	snop  }
0x1c: {  	[tilespmem:s3], [sflag:$0x1] =	stream.linear.gather [hbm4b:s7+s3], $0x80, $0x38;
	[tilespmem:$0x1BD00] =	vst v63  }
0x1d: {  	s24 =	sadd.s32 $0x0, s10  }
0x1e: {  	[tilespmem:s16], [sflag:$0x4] =	stream.linear.gather [hbm4b:s11+s3], $0x4000, $0x38;
	[tilespmem:$0x1BD00] =	vst v63  }
0x1f: {  	s24 =	sadd.s32 $0x100, s24  }
0x20: {  	[tilespmem:s17], [sflag:$0x3] =	stream.linear.gather [hbm4b:s24+s3], $0x80, $0x38;
	[tilespmem:$0x1BD00] =	vst v63  }
0x21: {  	_ =	swait.ge [sflag:s18], $0x4000  }
0x22: {  	[sflag:s18] =	ssyncset.done $0x0  }
0x23: {  	[sflag:s18] =	ssyncadd.s32 $0xFFFFC000  }
0x24: {  	_ =	swait.ge [sflag:s19], $0x80  }
0x25: {  	[sflag:s19] =	ssyncset.done $0x0  }
0x26: {  	[sflag:s19] =	ssyncadd.s32 $0xFFFFFF80  }
0x27: {  	[spmem:s1] =	stream.indirect.scatter.add.f32 [tilespmem:s15], [sflag:$0x6], $0x80, s3, s15, $0xb8;
	[tilespmem:$0x1BD00] =	vst v63  }
0x28: {  	p1 =	sgt.u32 s12, $0x4E1;
	_ =	swait.ge [sflag:s20], $0x4000  }
0x29: {  	s25 =	simm.s32 @!p1 $0x0;
	s26 =	simm.s32 @!p1 $0x80;
	[sflag:s20] =	ssyncset.done $0x0  }
0x2a: {  	s28 =	sadd.s32 @!p1 $0x0, s10;
	s24 =	sadd.s32 @!p1 $0x8000, s11;
	[sflag:s20] =	ssyncadd.s32 $0xFFFFC000  }
0x2b: {  	[tilespmem:s26], [sflag:$0x2] =	stream.linear.gather @!p1 [hbm4b:s24+s25], $0x4000, $0x38;
	[tilespmem:$0x1BD00] =	vst v63  }
0x2c: {  	s24 =	sadd.s32 @!p1 $0x200, s28  }
0x2d: {  	[tilespmem:s25], [sflag:$0x1] =	stream.linear.gather @!p1 [hbm4b:s24+s25], $0x80, $0x38;
	[tilespmem:$0x1BD00] =	vst v63  }
0x2e: {  	_ =	swait.ge [sflag:s21], $0x4000  }
0x2f: {  	[sflag:s21] =	ssyncset.done $0x0  }
0x30: {  	[sflag:s21] =	ssyncadd.s32 $0xFFFFC000  }
0x31: {  	_ =	swait.ge [sflag:s22], $0x80  }
0x32: {  	[sflag:s22] =	ssyncset.done $0x0  }
0x33: {  	s26 =	sadd.s32 $0x20, s12;
	[sflag:s22] =	ssyncadd.s32 $0xFFFFFF80  }
0x34: {  	[spmem:s1] =	stream.indirect.scatter.add.f32 [tilespmem:s16], [sflag:$0x5], $0x80, s17, s15, $0xb8;
	[tilespmem:$0x1BD00] =	vst v63  }
0x35: {  	s24 =	simm.s32 $0x200;
	s25 =	sadd.s32 $0x10000, s11;
	_ =	swait.ge [sflag:s14], $0x4000  }
.LBB2_2:
0x36: {  	s28 =	sadd.s32 s24, s10  }
0x37: {  	[sflag:s14] =	ssyncset.done $0x0;
	s29 =	smov.u32 s24;
	s24 =	sadd.s32 $0x200, s24  }
0x38: {  	p1 =	sne.s32 s24, $0x4E00;
	[sflag:s14] =	ssyncadd.s32 $0xFFFFC000  }
0x39: {  	[tilespmem:s16], [sflag:$0x4] =	stream.linear.gather [hbm4b:s25+s3], $0x4000, $0x38;
	[tilespmem:$0x1BD00] =	vst v63  }
0x3a: {  	s28 =	sadd.s32 $0x100, s28  }
0x3b: {  	[tilespmem:s17], [sflag:$0x3] =	stream.linear.gather [hbm4b:s28+s3], $0x80, $0x38;
	[tilespmem:$0x1BD00] =	vst v63  }
0x3c: {  	_ =	swait.ge [sflag:s18], $0x4000  }
0x3d: {  	[sflag:s18] =	ssyncset.done $0x0  }
0x3e: {  	[sflag:s18] =	ssyncadd.s32 $0xFFFFC000  }
0x3f: {  	_ =	swait.ge [sflag:s19], $0x80  }
0x40: {  	[sflag:s19] =	ssyncset.done $0x0  }
0x41: {  	[sflag:s19] =	ssyncadd.s32 $0xFFFFFF80  }
0x42: {  	[spmem:s1] =	stream.indirect.scatter.add.f32 [tilespmem:s15], [sflag:$0x6], $0x80, s3, s15, $0xb8;
	[tilespmem:$0x1BD00] =	vst v63  }
0x43: {  	p2 =	sgt.u32 s26, $0x4E1;
	_ =	swait.ge [sflag:s20], $0x4000  }
0x44: {  	s30 =	simm.s32 @!p2 $0x0;
	s28 =	sadd.s32 @!p2 $0x8000, s25;
	[sflag:s20] =	ssyncset.done $0x0  }
0x45: {  	s31 =	simm.s32 @!p2 $0x80;
	s29 =	sadd.s32 @!p2 s29, s10;
	[sflag:s20] =	ssyncadd.s32 $0xFFFFC000  }
0x46: {  	[tilespmem:s31], [sflag:$0x2] =	stream.linear.gather @!p2 [hbm4b:s28+s30], $0x4000, $0x38;
	[tilespmem:$0x1BD00] =	vst v63  }
0x47: {  	s28 =	sadd.s32 @!p2 $0x200, s29  }
0x48: {  	[tilespmem:s30], [sflag:$0x1] =	stream.linear.gather @!p2 [hbm4b:s28+s30], $0x80, $0x38;
	[tilespmem:$0x1BD00] =	vst v63  }
0x49: {  	_ =	swait.ge [sflag:s21], $0x4000  }
0x4a: {  	[sflag:s21] =	ssyncset.done $0x0  }
0x4b: {  	[sflag:s21] =	ssyncadd.s32 $0xFFFFC000  }
.Ltmp0:
0x4c: {  	_ =	swait.ge [sflag:s22], $0x80;
	(pc) =	sbr.rel @p1 .LBB2_2-.Ltmp0, $4  }
0x4d: {  	[sflag:s22] =	ssyncset.done $0x0  }
0x4e: {  	[sflag:s22] =	ssyncadd.s32 $0xFFFFFF80  }
0x4f: {  	[spmem:s1] =	stream.indirect.scatter.add.f32 [tilespmem:s16], [sflag:$0x5], $0x80, s17, s15, $0xb8;
	[tilespmem:$0x1BD00] =	vst v63  }
0x50: {  	s26 =	sadd.s32 $0x20, s26;
	s25 =	sadd.s32 $0x10000, s25;
	_ =	swait.ge [sflag:s14], $0x4000  }
0x51: {  	[sflag:s14] =	ssyncset.done $0x0  }
0x52: {  	s24 =	simm.s32 @!p0 $0x2;
	[sflag:s14] =	ssyncadd.s32 $0xFFFFC000  }
0x53: {  	_ =	swait.ge @!p0 [sflag:s24], $0x4000  }
0x54: {  	[sflag:s24] =	ssyncset.done @!p0 $0x0  }
0x55: {  	[sflag:s24] =	ssyncadd.s32 @!p0 $0xFFFFC000;
	s24 =	simm.s32 @!p0 $0x1  }
0x56: {  	_ =	swait.ge @!p0 [sflag:s24], $0x80  }
0x57: {  	[sflag:s24] =	ssyncset.done @!p0 $0x0  }
0x58: {  	s25 =	simm.s32 @!p0 $0x80;
	[sflag:s24] =	ssyncadd.s32 @!p0 $0xFFFFFF80;
	s24 =	simm.s32 @!p0 $0x0  }
0x59: {  	[spmem:s1] =	stream.indirect.scatter.add.f32 @!p0 [tilespmem:s25], [sflag:$0x6], $0x80, s24, s25, $0xb8;
	[tilespmem:$0x1BD00] =	vst v63  }
0x5a: {  	s24 =	simm.s32 @!p0 $0x6  }
0x5b: {  	_ =	swait.ge @!p0 [sflag:s24], $0x4000  }
0x5c: {  	s23 =	sadd.s32 $0x1, s23;
	[sflag:s24] =	ssyncset.done @!p0 $0x0  }
0x5d: {  	p1 =	sne.s32 s23, s8;
	[sflag:s24] =	ssyncadd.s32 @!p0 $0xFFFFC000  }
.Ltmp1:
0x5e: {  	[bflag:$0x0] =	sbarrier.arrive $0xFFFF;
	(pc) =	sbr.rel @p1 .LBB2_1-.Ltmp1, $4  }
0x5f: {  	[hbm:s9], [sflag:s5] =	dma.local [spmem:s13], $0x2780  }
0x60: {  	_ =	swait.ge [sflag:s14], $0x2780  }
0x61: {  	[sflag:s14] =	ssyncset.done $0x0  }
0x62: {  	[sflag:s14] =	ssyncadd.s32 $0xFFFFD880  }
0x63: {  	_ =	sfence.sel $0x180000  }
0x64: {  	[bflag:$0x0] =	sbarrier.arrive $0xFFFF  }
0x65: {  	p0 =	sne.s32 s2, $0x0;
	_ =	strace $0x90000050  }
0x66: {  	s0 =	sadd.s32 @!p0 $0x100000, s0;
	[bflag:$0x2] =	sbarrier.arrive $0xFFFF  }
0x67: {  	[sflag:s0] =	ssyncadd.tile.s32 @!p0 $0x1;
	_ =	shalt  }
.Lfunc_end2:
_tile_overlayer_lowered:
.L_overlay_start_2:
0x68: {  	(tag) =	ssettag $0x2  }
0x69: {  	s0 =	rddreg [dreg:$0x0];
	s2 =	stileid.u32  }
0x6a: {  	s1 =	rddreg [dreg:$0x1];
	p0 =	sne.s32 s2, $0x0  }
0x6b: {  	s3 =	rddreg [dreg:$0x2];
	[bflag:$0x3] =	sbarrier.arrive $0xFFFF;
	s2 =	simm.s32 @!p0 $0x1C05  }
0x6c: {  	[timem:s3], [sflag:s2] =	dma.local @!p0 [hbm:s0], s1  }
0x6d: {  	s0 =	simm.s32 @!p0 $0x5  }
0x6e: {  	_ =	swait.ge @!p0 [sflag:s0], s1  }
0x6f: {  	s1 =	ssub.s32 @!p0 $0x0, s1;
	[sflag:s0] =	ssyncset.done @!p0 $0x0  }
0x70: {  	[sflag:s0] =	ssyncadd.s32 @!p0 s1  }
0x71: {  	[bflag:$0x3] =	sbarrier.arrive $0xFFFF  }
0x72: {  	_ =	shalt  }

</sc_bundles>
